<compile_context>
chip_gen: v7x
topology: tpu7x:2x2x1
jax: 0.10.2.dev20260603
libtpu: 0.0.44.dev20260713+nightly
codegen_flags: <defaults>
</compile_context>

<pallas_src>
import functools

import jax
import jax.numpy as jnp
from jax import lax
from jax.experimental import pallas as pl
from jax.experimental.pallas import tpu as pltpu
from jax.experimental.pallas import tpu_sc as plsc

B = 1024
D = 64
CAP = 100000
K = 32
CBLK = 1024
CPAD = 100352
NTILES = CPAD // CBLK
CSH = 32
NCH = CBLK // CSH
P1 = 8
EPS = 1e-8
NEG = float("-inf")


def _topk_body(qn_ref, keys_ref, blk_ref, half_ref, nov_ref,
               topv_s, topi_s, sim_s, cmax_s, wm_s):
    c = pl.program_id(0)

    @pl.when(c == 0)
    def _init():
        topv_s[...] = jnp.full((K, B), NEG, jnp.float32)
        topi_s[...] = jnp.zeros((K, B), jnp.int32)

    ktn = keys_ref[...]
    simt = lax.dot_general(ktn, qn_ref[...],
                           (((1,), (1,)), ((), ())),
                           preferred_element_type=jnp.float32)
    ridx = c * CBLK + lax.broadcasted_iota(jnp.int32, (CBLK, B), 0)
    simt = jnp.where(ridx < CAP, simt, NEG)

    sub_ch = lax.broadcasted_iota(jnp.int32, (NCH, B), 0)
    cmax = jnp.full((NCH, B), NEG, jnp.float32)
    for k in range(NCH):
        sl = simt[k * CSH:(k + 1) * CSH, :]
        sim_s[k * CSH:(k + 1) * CSH, :] = sl
        cm = jnp.max(sl, axis=0, keepdims=True)
        cmax = jnp.where(sub_ch == k, cm, cmax)

    sub_c = lax.broadcasted_iota(jnp.int32, (CSH, B), 0)
    sub_k = lax.broadcasted_iota(jnp.int32, (K, B), 0)

    def _round(j, carry):
        ov, oi, cm, wm = carry
        tt = jnp.min(ov, axis=0, keepdims=True)
        m = jnp.max(cm, axis=0, keepdims=True)
        upd = m > tt
        chsel = jnp.min(jnp.where(cm == m, sub_ch, NCH), axis=0,
                        keepdims=True)
        wmsel = jnp.sum(jnp.where(sub_ch == chsel, wm, 0), axis=0,
                        keepdims=True)
        chv = jnp.full((CSH, B), NEG, jnp.float32)
        for k in range(NCH):
            chv = jnp.where(chsel == k, sim_s[k * CSH:(k + 1) * CSH, :],
                            chv)
        elig = (chv == m) & (sub_c >= wmsel)
        lsel = jnp.min(jnp.where(elig, sub_c, CSH), axis=0, keepdims=True)
        gsel = c * CBLK + chsel * CSH + lsel
        eqlater = (chv == m) & (sub_c > lsel)
        below = jnp.where(chv < m, chv, NEG)
        nm = jnp.max(jnp.where(eqlater, chv, below), axis=0, keepdims=True)
        nwm = jnp.where(nm == m, lsel + 1, 0)
        hitch = (sub_ch == chsel) & upd
        cm = jnp.where(hitch, nm, cm)
        wm = jnp.where(hitch, nwm, wm)
        minpos = jnp.min(jnp.where(ov == tt, sub_k, K), axis=0,
                         keepdims=True)
        colsel = sub_k == minpos
        ov = jnp.where(upd & colsel, m, ov)
        oi = jnp.where(upd & colsel, gsel, oi)
        return ov, oi, cm, wm

    wm0 = jnp.zeros((NCH, B), jnp.int32)
    ov, oi, cm, wm = lax.fori_loop(
        0, P1, _round, (topv_s[...], topi_s[...], cmax, wm0))
    topv_s[...] = ov
    topi_s[...] = oi
    cmax_s[...] = cm
    wm_s[...] = wm
    need = jnp.sum((jnp.max(cm, axis=0, keepdims=True) >
                    jnp.min(ov, axis=0, keepdims=True)).astype(jnp.int32),
                   axis=(0, 1), keepdims=True)

    @pl.when(need[0, 0] > 0)
    def _phase2():
        ov2, oi2, _, _ = lax.fori_loop(
            0, K - P1, _round,
            (topv_s[...], topi_s[...], cmax_s[...], wm_s[...]))
        topv_s[...] = ov2
        topi_s[...] = oi2

    @pl.when(c == NTILES - 1)
    def _fin():
        ov = topv_s[...]
        oi = topi_s[...]
        rank = jnp.zeros((K, B), jnp.int32)
        for j in range(K):
            vj = ov[j:j + 1, :]
            ij = oi[j:j + 1, :]
            rank += ((vj > ov) | ((vj == ov) & (ij < oi))).astype(jnp.int32)
        si = jnp.zeros((K, B), jnp.int32)
        for r in range(K):
            selr = rank == r
            ir = jnp.sum(jnp.where(selr, oi, 0), axis=0, keepdims=True)
            si = jnp.where(sub_k == r, ir, si)
        sit = si.T
        blk_ref[...] = sit >> 1
        half_ref[...] = sit & 1
        mx = jnp.max(ov, axis=0, keepdims=True)
        nov_ref[...] = jnp.clip(1.0 - jnp.clip(mx, -1.0, 1.0), 0.0, 1.0)


def _topk_call(query_n, keys_n):
    return pl.pallas_call(
        _topk_body,
        grid=(NTILES,),
        in_specs=[
            pl.BlockSpec((B, D), lambda c: (0, 0)),
            pl.BlockSpec((CBLK, D), lambda c: (c, 0)),
        ],
        out_specs=[
            pl.BlockSpec((B, K), lambda c: (0, 0)),
            pl.BlockSpec((B, K), lambda c: (0, 0)),
            pl.BlockSpec((1, B), lambda c: (0, 0)),
        ],
        out_shape=[
            jax.ShapeDtypeStruct((B, K), jnp.int32),
            jax.ShapeDtypeStruct((B, K), jnp.int32),
            jax.ShapeDtypeStruct((1, B), jnp.float32),
        ],
        scratch_shapes=[
            pltpu.VMEM((K, B), jnp.float32),
            pltpu.VMEM((K, B), jnp.int32),
            pltpu.VMEM((CBLK, B), jnp.float32),
            pltpu.VMEM((NCH, B), jnp.float32),
            pltpu.VMEM((NCH, B), jnp.int32),
        ],
        compiler_params=pltpu.CompilerParams(
            dimension_semantics=("arbitrary",)),
    )(query_n, keys_n)


_NC = 2
_NS = 16
_NW = _NC * _NS
_BPW = (B * K) // _NW
_CHUNK = 128
_NCHUNK = _BPW // _CHUNK


def _gather_call(blk_idx, table128):
    mesh = plsc.VectorSubcoreMesh(core_axis_name="c", subcore_axis_name="s")

    @functools.partial(
        pl.kernel,
        mesh=mesh,
        out_type=jax.ShapeDtypeStruct((B * K, 2 * D), jnp.float32),
        scratch_types=[
            pltpu.VMEM((_NCHUNK, _CHUNK), jnp.int32),
            pltpu.VMEM((2, _CHUNK, 2 * D), jnp.float32),
            pltpu.SemaphoreType.DMA,
        ],
    )
    def _gather(idx_hbm, table_hbm, out_hbm, idx_v, bufs, sem):
        wid = lax.axis_index("s") * _NC + lax.axis_index("c")
        base = wid * _BPW
        pltpu.sync_copy(idx_hbm.at[pl.ds(wid * _NCHUNK, _NCHUNK)], idx_v)
        handles = []
        for j in range(_NCHUNK):
            handles.append(
                pltpu.async_copy(table_hbm.at[idx_v.at[j]],
                                 bufs.at[j % 2], sem))
            if j > 0:
                handles[j - 1].wait()
                pltpu.sync_copy(
                    bufs.at[(j - 1) % 2],
                    out_hbm.at[pl.ds(base + (j - 1) * _CHUNK, _CHUNK)])
        handles[-1].wait()
        pltpu.sync_copy(
            bufs.at[(_NCHUNK - 1) % 2],
            out_hbm.at[pl.ds(base + (_NCHUNK - 1) * _CHUNK, _CHUNK)])

    return _gather(blk_idx, table128)


def _ca1_body(g_ref, h_ref, w_ref, o_ref):
    g = g_ref[...]
    h = h_ref[...]
    lo = g[:, :D]
    hi = g[:, D:]
    rows = jnp.where(h == 0, lo, hi)
    o_ref[...] = lax.dot_general(rows, w_ref[...],
                                 (((1,), (1,)), ((), ())),
                                 preferred_element_type=jnp.float32)


def _ca1_call(g, half, w_ca1):
    rows = B * K
    blk = 8192
    return pl.pallas_call(
        _ca1_body,
        grid=(rows // blk,),
        in_specs=[
            pl.BlockSpec((blk, 2 * D), lambda i: (i, 0)),
            pl.BlockSpec((blk, 1), lambda i: (i, 0)),
            pl.BlockSpec((D, D), lambda i: (0, 0)),
        ],
        out_specs=pl.BlockSpec((blk, D), lambda i: (i, 0)),
        out_shape=jax.ShapeDtypeStruct((rows, D), jnp.float32),
    )(g, half, w_ca1)


def kernel(query, keys_mem, values_mem, W_dg, W_ca1):
    x = query @ W_dg.T
    _, ti = jax.lax.top_k(x, K)
    rows = jnp.arange(x.shape[0])[:, None]
    mask = jnp.zeros_like(x).at[rows, ti].set(1.0)
    key = x * mask
    key_n = key / jnp.maximum(
        jnp.linalg.norm(key, axis=-1, keepdims=True), EPS)
    keys_n = keys_mem / jnp.maximum(
        jnp.linalg.norm(keys_mem, axis=-1, keepdims=True), EPS)
    blk, half, nov = _topk_call(key_n, keys_n)
    table128 = values_mem.reshape(CAP // 2, 2 * D)
    gathered = _gather_call(blk.reshape(-1, _CHUNK), table128)
    recalled = _ca1_call(gathered, half.reshape(-1, 1), W_ca1)
    return recalled.reshape(B, K, D), nov.reshape(B)

# --- scband reference (transcript-rebuilt; emitter-appended) ---
"""Pipeline reference for scband-hippocampus-11699490914624 (READ-ONLY COPY).

The authoritative reference and input builder live on the scoring server;
editing this copy changes nothing except your own understanding.
"""

import jax, jax.numpy as jnp
import numpy as np

D_SEM = 64
CAPACITY = 100000
TOPK = 32
SPARSITY_RATIO = 0.5
RECALL_GATE = 1.0
NOVELTY_BIAS = 0.0
EPS = 1e-8


def _sparsify(x):
    # k = max(1, int(sparsity_ratio * d)) , k = min(k, d)
    k = max(1, int(SPARSITY_RATIO * x.shape[-1]))
    k = min(k, x.shape[-1])
    topv, topi = jax.lax.top_k(x, k)
    rows = jnp.arange(x.shape[0])[:, None]
    mask = jnp.zeros_like(x).at[rows, topi].set(1.0)
    return x * mask


def setup_inputs(seed: int = 0) -> dict:
    key = jax.random.key(seed)
    ks = jax.random.split(key, 5)
    return {
        "query": jax.random.normal(ks[0], (1024, D_SEM), dtype=jnp.float32),
        "keys_mem": jax.random.normal(ks[1], (CAPACITY, D_SEM), dtype=jnp.float32),
        "values_mem": jax.random.normal(ks[2], (CAPACITY, D_SEM), dtype=jnp.float32),
        "W_dg": (jax.random.normal(ks[3], (D_SEM, D_SEM), dtype=jnp.float32) / np.sqrt(D_SEM)).astype(jnp.float32),
        "W_ca1": (jax.random.normal(ks[4], (D_SEM, D_SEM), dtype=jnp.float32) / np.sqrt(D_SEM)).astype(jnp.float32),
    }


def reference(query, keys_mem, values_mem, W_dg, W_ca1):
    # key = sparsify(dg(query))  ; dg is Linear(d_sem, d_sem, bias=False)
    key = _sparsify(query @ W_dg.T)
    # default genome: recall_method == 'cosine'
    key_n = key / jnp.maximum(jnp.linalg.norm(key, axis=-1, keepdims=True), EPS)
    keys_n = keys_mem / jnp.maximum(jnp.linalg.norm(keys_mem, axis=-1, keepdims=True), EPS)
    sim = key_n @ keys_n.T  # (B, CAPACITY)
    k_actual = min(TOPK, sim.shape[1])
    topv, topi = jax.lax.top_k(sim, k_actual)
    recalled = values_mem[topi]          # gather (B, TOPK, D_SEM)
    recalled = recalled @ W_ca1.T        # ca1 Linear
    recalled = recalled * RECALL_GATE
    novelty = 1.0 - jnp.clip(topv[:, 0], -1.0, 1.0)
    novelty = jnp.clip(novelty + NOVELTY_BIAS, 0.0, 1.0)
    return recalled, novelty

if __name__ == "__main__":
    import jax
    _d = setup_inputs()
    print(jax.jit(kernel)(*tuple(_d.values())))

</pallas_src>

<mosaic_0001>
#map = affine_map<(d0, d1) -> (0, 0)>
module attributes {stable_mosaic.version = 14 : i64} {
  func.func @_gather(%arg0: i32, %arg1: i32, %arg2: memref<256x128xi32, #tpu.memory_space<hbm>>, %arg3: memref<50000x128xf32, #tpu.memory_space<hbm>>, %arg4: memref<32768x128xf32, #tpu.memory_space<hbm>>, %arg5: memref<8x128xi32, #tpu.memory_space<vmem>>, %arg6: memref<2x128x128xf32, #tpu.memory_space<vmem>>, %arg7: memref<!tpu.dma_semaphore, #tpu.memory_space<semaphore_mem>>) attributes {dimension_semantics = [#tpu.dimension_semantics<core_parallel>, #tpu.dimension_semantics<subcore_parallel>], iteration_bounds = array<i64: 2, 16>, scalar_prefetch = 0 : i64, scratch_operands = 3 : i64, tpu.core_type = #tpu.core_type<sc_vector_subcore>, window_params = [{transform_indices = #map}, {transform_indices = #map}, {transform_indices = #map}]} {
    %mul3A = arith.constant 2 : i32
    %mul3A_0 = arith.muli %arg1, %mul3A : i32
    %add3A = arith.addi %mul3A_0, %arg0 : i32
    %mul3A_1 = arith.constant 1024 : i32
    %mul3A_2 = arith.muli %add3A, %mul3A_1 : i32
    %mul3A_3 = arith.constant 8 : i32
    %mul3A_4 = arith.muli %add3A, %mul3A_3 : i32
    "tpu.region"() ({
      %run_scoped3A_218 = tpu.sem_alloc : memref<!tpu.dma_semaphore, #tpu.memory_space<semaphore_mem>>
      %dma_start3A_219 = arith.constant 0 : i32
      %dma_start3A_220 = tpu.memref_slice %arg2[%mul3A_4, %dma_start3A_219] : memref<256x128xi32, #tpu.memory_space<hbm>> -> memref<8x128xi32, #tpu.memory_space<hbm>>
      %dma_start3A_221 = arith.constant 0 : i32
      %dma_start3A_222 = tpu.memref_slice %arg2[%mul3A_4, %dma_start3A_221] : memref<256x128xi32, #tpu.memory_space<hbm>> -> memref<8x128xi32, #tpu.memory_space<hbm>>
      tpu.enqueue_dma source(%dma_start3A_222 : memref<8x128xi32, #tpu.memory_space<hbm>>) target(%arg5 : memref<8x128xi32, #tpu.memory_space<vmem>>) target_semaphore(%run_scoped3A_218 : memref<!tpu.dma_semaphore, #tpu.memory_space<semaphore_mem>>)
      %dma_wait3A_223 = arith.constant 0 : i32
      %dma_wait3A_224 = tpu.memref_slice %arg2[%mul3A_4, %dma_wait3A_223] : memref<256x128xi32, #tpu.memory_space<hbm>> -> memref<8x128xi32, #tpu.memory_space<hbm>>
      %dma_wait3A_225 = arith.constant 0 : i32
      %dma_wait3A_226 = tpu.memref_slice %arg2[%mul3A_4, %dma_wait3A_225] : memref<256x128xi32, #tpu.memory_space<hbm>> -> memref<8x128xi32, #tpu.memory_space<hbm>>
      tpu.wait_dma2 semaphore(%run_scoped3A_218 : memref<!tpu.dma_semaphore, #tpu.memory_space<semaphore_mem>>) src(%dma_wait3A_226 : memref<8x128xi32, #tpu.memory_space<hbm>>) dst(%arg5 : memref<8x128xi32, #tpu.memory_space<vmem>>)
      tpu.yield
    }) : () -> ()
    %dma_start3A = arith.constant 0 : i32
    %dma_start3A_5 = arith.constant 0 : i32
    %dma_start3A_6 = arith.constant 0 : i32
    %dma_start3A_7 = arith.constant 0 : i32
    %dma_start3A_8 = tpu.memref_slice %arg6[%dma_start3A_5, %dma_start3A_6, %dma_start3A_7] : memref<2x128x128xf32, #tpu.memory_space<vmem>> -> memref<1x128x128xf32, #tpu.memory_space<vmem>>
    %dma_start3A_9 = tpu.memref_squeeze %dma_start3A_8 : memref<1x128x128xf32, #tpu.memory_space<vmem>> -> memref<128x128xf32, #tpu.memory_space<vmem>>
    %dma_start3A_10 = arith.constant 0 : i32
    %dma_start3A_11 = tpu.memref_slice %arg5[%dma_start3A, %dma_start3A_10] : memref<8x128xi32, #tpu.memory_space<vmem>> -> memref<1x128xi32, #tpu.memory_space<vmem>>
    %dma_start3A_12 = tpu.memref_squeeze %dma_start3A_11 : memref<1x128xi32, #tpu.memory_space<vmem>> -> memref<128xi32, #tpu.memory_space<vmem>>
    %dma_start3A_13 = arith.constant 0 : i32
    %dma_start3A_14 = arith.constant 0 : i32
    %dma_start3A_15 = tpu.memref_slice %arg3[%dma_start3A_13, %dma_start3A_14] : memref<50000x128xf32, #tpu.memory_space<hbm>> -> memref<50000x128xf32, #tpu.memory_space<hbm>>
    tpu.enqueue_indirect_dma source(%dma_start3A_15 : memref<50000x128xf32, #tpu.memory_space<hbm>>) target(%dma_start3A_9 : memref<128x128xf32, #tpu.memory_space<vmem>>) offsets(%dma_start3A_12 : memref<128xi32, #tpu.memory_space<vmem>>) semaphore(%arg7 : memref<!tpu.dma_semaphore, #tpu.memory_space<semaphore_mem>>)
    %dma_start3A_16 = arith.constant 1 : i32
    %dma_start3A_17 = arith.constant 1 : i32
    %dma_start3A_18 = arith.constant 0 : i32
    %dma_start3A_19 = arith.constant 0 : i32
    %dma_start3A_20 = tpu.memref_slice %arg6[%dma_start3A_17, %dma_start3A_18, %dma_start3A_19] : memref<2x128x128xf32, #tpu.memory_space<vmem>> -> memref<1x128x128xf32, #tpu.memory_space<vmem>>
    %dma_start3A_21 = tpu.memref_squeeze %dma_start3A_20 : memref<1x128x128xf32, #tpu.memory_space<vmem>> -> memref<128x128xf32, #tpu.memory_space<vmem>>
    %dma_start3A_22 = arith.constant 0 : i32
    %dma_start3A_23 = tpu.memref_slice %arg5[%dma_start3A_16, %dma_start3A_22] : memref<8x128xi32, #tpu.memory_space<vmem>> -> memref<1x128xi32, #tpu.memory_space<vmem>>
    %dma_start3A_24 = tpu.memref_squeeze %dma_start3A_23 : memref<1x128xi32, #tpu.memory_space<vmem>> -> memref<128xi32, #tpu.memory_space<vmem>>
    %dma_start3A_25 = arith.constant 0 : i32
    %dma_start3A_26 = arith.constant 0 : i32
    %dma_start3A_27 = tpu.memref_slice %arg3[%dma_start3A_25, %dma_start3A_26] : memref<50000x128xf32, #tpu.memory_space<hbm>> -> memref<50000x128xf32, #tpu.memory_space<hbm>>
    tpu.enqueue_indirect_dma source(%dma_start3A_27 : memref<50000x128xf32, #tpu.memory_space<hbm>>) target(%dma_start3A_21 : memref<128x128xf32, #tpu.memory_space<vmem>>) offsets(%dma_start3A_24 : memref<128xi32, #tpu.memory_space<vmem>>) semaphore(%arg7 : memref<!tpu.dma_semaphore, #tpu.memory_space<semaphore_mem>>)
    %dma_wait3A = arith.constant 0 : i32
    %dma_wait3A_28 = arith.constant 0 : i32
    %dma_wait3A_29 = arith.constant 0 : i32
    %dma_wait3A_30 = arith.constant 0 : i32
    %dma_wait3A_31 = tpu.memref_slice %arg6[%dma_wait3A_28, %dma_wait3A_29, %dma_wait3A_30] : memref<2x128x128xf32, #tpu.memory_space<vmem>> -> memref<1x128x128xf32, #tpu.memory_space<vmem>>
    %dma_wait3A_32 = tpu.memref_squeeze %dma_wait3A_31 : memref<1x128x128xf32, #tpu.memory_space<vmem>> -> memref<128x128xf32, #tpu.memory_space<vmem>>
    %dma_wait3A_33 = arith.constant 0 : i32
    %dma_wait3A_34 = tpu.memref_slice %arg5[%dma_wait3A, %dma_wait3A_33] : memref<8x128xi32, #tpu.memory_space<vmem>> -> memref<1x128xi32, #tpu.memory_space<vmem>>
    %dma_wait3A_35 = tpu.memref_squeeze %dma_wait3A_34 : memref<1x128xi32, #tpu.memory_space<vmem>> -> memref<128xi32, #tpu.memory_space<vmem>>
    %dma_wait3A_36 = arith.constant 0 : i32
    %dma_wait3A_37 = arith.constant 0 : i32
    %dma_wait3A_38 = tpu.memref_slice %arg3[%dma_wait3A_36, %dma_wait3A_37] : memref<50000x128xf32, #tpu.memory_space<hbm>> -> memref<50000x128xf32, #tpu.memory_space<hbm>>
    tpu.wait_indirect_dma semaphore(%arg7 : memref<!tpu.dma_semaphore, #tpu.memory_space<semaphore_mem>>) src(%dma_wait3A_38 : memref<50000x128xf32, #tpu.memory_space<hbm>>) dst(%dma_wait3A_32 : memref<128x128xf32, #tpu.memory_space<vmem>>)
    %add3A_39 = arith.constant 0 : i32
    %add3A_40 = arith.addi %mul3A_2, %add3A_39 : i32
    %run_scoped3A = arith.constant 0 : i32
    "tpu.region"() ({
      %run_scoped3A_218 = tpu.sem_alloc : memref<!tpu.dma_semaphore, #tpu.memory_space<semaphore_mem>>
      %dma_start3A_219 = arith.constant 0 : i32
      %dma_start3A_220 = arith.constant 0 : i32
      %dma_start3A_221 = tpu.memref_slice %arg6[%run_scoped3A, %dma_start3A_219, %dma_start3A_220] : memref<2x128x128xf32, #tpu.memory_space<vmem>> -> memref<1x128x128xf32, #tpu.memory_space<vmem>>
      %dma_start3A_222 = tpu.memref_squeeze %dma_start3A_221 : memref<1x128x128xf32, #tpu.memory_space<vmem>> -> memref<128x128xf32, #tpu.memory_space<vmem>>
      %dma_start3A_223 = arith.constant 0 : i32
      %dma_start3A_224 = tpu.memref_slice %arg4[%add3A_40, %dma_start3A_223] : memref<32768x128xf32, #tpu.memory_space<hbm>> -> memref<128x128xf32, #tpu.memory_space<hbm>>
      %dma_start3A_225 = arith.constant 0 : i32
      %dma_start3A_226 = tpu.memref_slice %arg4[%add3A_40, %dma_start3A_225] : memref<32768x128xf32, #tpu.memory_space<hbm>> -> memref<128x128xf32, #tpu.memory_space<hbm>>
      %dma_start3A_227 = arith.constant 0 : i32
      %dma_start3A_228 = arith.constant 0 : i32
      %dma_start3A_229 = tpu.memref_slice %arg6[%run_scoped3A, %dma_start3A_227, %dma_start3A_228] : memref<2x128x128xf32, #tpu.memory_space<vmem>> -> memref<1x128x128xf32, #tpu.memory_space<vmem>>
      %dma_start3A_230 = tpu.memref_squeeze %dma_start3A_229 : memref<1x128x128xf32, #tpu.memory_space<vmem>> -> memref<128x128xf32, #tpu.memory_space<vmem>>
      tpu.enqueue_dma source(%dma_start3A_230 : memref<128x128xf32, #tpu.memory_space<vmem>>) target(%dma_start3A_226 : memref<128x128xf32, #tpu.memory_space<hbm>>) target_semaphore(%run_scoped3A_218 : memref<!tpu.dma_semaphore, #tpu.memory_space<semaphore_mem>>)
      %dma_wait3A_231 = arith.constant 0 : i32
      %dma_wait3A_232 = arith.constant 0 : i32
      %dma_wait3A_233 = tpu.memref_slice %arg6[%run_scoped3A, %dma_wait3A_231, %dma_wait3A_232] : memref<2x128x128xf32, #tpu.memory_space<vmem>> -> memref<1x128x128xf32, #tpu.memory_space<vmem>>
      %dma_wait3A_234 = tpu.memref_squeeze %dma_wait3A_233 : memref<1x128x128xf32, #tpu.memory_space<vmem>> -> memref<128x128xf32, #tpu.memory_space<vmem>>
      %dma_wait3A_235 = arith.constant 0 : i32
      %dma_wait3A_236 = tpu.memref_slice %arg4[%add3A_40, %dma_wait3A_235] : memref<32768x128xf32, #tpu.memory_space<hbm>> -> memref<128x128xf32, #tpu.memory_space<hbm>>
      %dma_wait3A_237 = arith.constant 0 : i32
      %dma_wait3A_238 = tpu.memref_slice %arg4[%add3A_40, %dma_wait3A_237] : memref<32768x128xf32, #tpu.memory_space<hbm>> -> memref<128x128xf32, #tpu.memory_space<hbm>>
      %dma_wait3A_239 = arith.constant 0 : i32
      %dma_wait3A_240 = arith.constant 0 : i32
      %dma_wait3A_241 = tpu.memref_slice %arg6[%run_scoped3A, %dma_wait3A_239, %dma_wait3A_240] : memref<2x128x128xf32, #tpu.memory_space<vmem>> -> memref<1x128x128xf32, #tpu.memory_space<vmem>>
      %dma_wait3A_242 = tpu.memref_squeeze %dma_wait3A_241 : memref<1x128x128xf32, #tpu.memory_space<vmem>> -> memref<128x128xf32, #tpu.memory_space<vmem>>
      tpu.wait_dma2 semaphore(%run_scoped3A_218 : memref<!tpu.dma_semaphore, #tpu.memory_space<semaphore_mem>>) src(%dma_wait3A_242 : memref<128x128xf32, #tpu.memory_space<vmem>>) dst(%dma_wait3A_238 : memref<128x128xf32, #tpu.memory_space<hbm>>)
      tpu.yield
    }) : () -> ()
    %dma_start3A_41 = arith.constant 2 : i32
    %dma_start3A_42 = arith.constant 0 : i32
    %dma_start3A_43 = arith.constant 0 : i32
    %dma_start3A_44 = arith.constant 0 : i32
    %dma_start3A_45 = tpu.memref_slice %arg6[%dma_start3A_42, %dma_start3A_43, %dma_start3A_44] : memref<2x128x128xf32, #tpu.memory_space<vmem>> -> memref<1x128x128xf32, #tpu.memory_space<vmem>>
    %dma_start3A_46 = tpu.memref_squeeze %dma_start3A_45 : memref<1x128x128xf32, #tpu.memory_space<vmem>> -> memref<128x128xf32, #tpu.memory_space<vmem>>
    %dma_start3A_47 = arith.constant 0 : i32
    %dma_start3A_48 = tpu.memref_slice %arg5[%dma_start3A_41, %dma_start3A_47] : memref<8x128xi32, #tpu.memory_space<vmem>> -> memref<1x128xi32, #tpu.memory_space<vmem>>
    %dma_start3A_49 = tpu.memref_squeeze %dma_start3A_48 : memref<1x128xi32, #tpu.memory_space<vmem>> -> memref<128xi32, #tpu.memory_space<vmem>>
    %dma_start3A_50 = arith.constant 0 : i32
    %dma_start3A_51 = arith.constant 0 : i32
    %dma_start3A_52 = tpu.memref_slice %arg3[%dma_start3A_50, %dma_start3A_51] : memref<50000x128xf32, #tpu.memory_space<hbm>> -> memref<50000x128xf32, #tpu.memory_space<hbm>>
    tpu.enqueue_indirect_dma source(%dma_start3A_52 : memref<50000x128xf32, #tpu.memory_space<hbm>>) target(%dma_start3A_46 : memref<128x128xf32, #tpu.memory_space<vmem>>) offsets(%dma_start3A_49 : memref<128xi32, #tpu.memory_space<vmem>>) semaphore(%arg7 : memref<!tpu.dma_semaphore, #tpu.memory_space<semaphore_mem>>)
    %dma_wait3A_53 = arith.constant 1 : i32
    %dma_wait3A_54 = arith.constant 1 : i32
    %dma_wait3A_55 = arith.constant 0 : i32
    %dma_wait3A_56 = arith.constant 0 : i32
    %dma_wait3A_57 = tpu.memref_slice %arg6[%dma_wait3A_54, %dma_wait3A_55, %dma_wait3A_56] : memref<2x128x128xf32, #tpu.memory_space<vmem>> -> memref<1x128x128xf32, #tpu.memory_space<vmem>>
    %dma_wait3A_58 = tpu.memref_squeeze %dma_wait3A_57 : memref<1x128x128xf32, #tpu.memory_space<vmem>> -> memref<128x128xf32, #tpu.memory_space<vmem>>
    %dma_wait3A_59 = arith.constant 0 : i32
    %dma_wait3A_60 = tpu.memref_slice %arg5[%dma_wait3A_53, %dma_wait3A_59] : memref<8x128xi32, #tpu.memory_space<vmem>> -> memref<1x128xi32, #tpu.memory_space<vmem>>
    %dma_wait3A_61 = tpu.memref_squeeze %dma_wait3A_60 : memref<1x128xi32, #tpu.memory_space<vmem>> -> memref<128xi32, #tpu.memory_space<vmem>>
    %dma_wait3A_62 = arith.constant 0 : i32
    %dma_wait3A_63 = arith.constant 0 : i32
    %dma_wait3A_64 = tpu.memref_slice %arg3[%dma_wait3A_62, %dma_wait3A_63] : memref<50000x128xf32, #tpu.memory_space<hbm>> -> memref<50000x128xf32, #tpu.memory_space<hbm>>
    tpu.wait_indirect_dma semaphore(%arg7 : memref<!tpu.dma_semaphore, #tpu.memory_space<semaphore_mem>>) src(%dma_wait3A_64 : memref<50000x128xf32, #tpu.memory_space<hbm>>) dst(%dma_wait3A_58 : memref<128x128xf32, #tpu.memory_space<vmem>>)
    %add3A_65 = arith.constant 128 : i32
    %add3A_66 = arith.addi %mul3A_2, %add3A_65 : i32
    %run_scoped3A_67 = arith.constant 1 : i32
    "tpu.region"() ({
      %run_scoped3A_218 = tpu.sem_alloc : memref<!tpu.dma_semaphore, #tpu.memory_space<semaphore_mem>>
      %dma_start3A_219 = arith.constant 0 : i32
      %dma_start3A_220 = arith.constant 0 : i32
      %dma_start3A_221 = tpu.memref_slice %arg6[%run_scoped3A_67, %dma_start3A_219, %dma_start3A_220] : memref<2x128x128xf32, #tpu.memory_space<vmem>> -> memref<1x128x128xf32, #tpu.memory_space<vmem>>
      %dma_start3A_222 = tpu.memref_squeeze %dma_start3A_221 : memref<1x128x128xf32, #tpu.memory_space<vmem>> -> memref<128x128xf32, #tpu.memory_space<vmem>>
      %dma_start3A_223 = arith.constant 0 : i32
      %dma_start3A_224 = tpu.memref_slice %arg4[%add3A_66, %dma_start3A_223] : memref<32768x128xf32, #tpu.memory_space<hbm>> -> memref<128x128xf32, #tpu.memory_space<hbm>>
      %dma_start3A_225 = arith.constant 0 : i32
      %dma_start3A_226 = tpu.memref_slice %arg4[%add3A_66, %dma_start3A_225] : memref<32768x128xf32, #tpu.memory_space<hbm>> -> memref<128x128xf32, #tpu.memory_space<hbm>>
      %dma_start3A_227 = arith.constant 0 : i32
      %dma_start3A_228 = arith.constant 0 : i32
      %dma_start3A_229 = tpu.memref_slice %arg6[%run_scoped3A_67, %dma_start3A_227, %dma_start3A_228] : memref<2x128x128xf32, #tpu.memory_space<vmem>> -> memref<1x128x128xf32, #tpu.memory_space<vmem>>
      %dma_start3A_230 = tpu.memref_squeeze %dma_start3A_229 : memref<1x128x128xf32, #tpu.memory_space<vmem>> -> memref<128x128xf32, #tpu.memory_space<vmem>>
      tpu.enqueue_dma source(%dma_start3A_230 : memref<128x128xf32, #tpu.memory_space<vmem>>) target(%dma_start3A_226 : memref<128x128xf32, #tpu.memory_space<hbm>>) target_semaphore(%run_scoped3A_218 : memref<!tpu.dma_semaphore, #tpu.memory_space<semaphore_mem>>)
      %dma_wait3A_231 = arith.constant 0 : i32
      %dma_wait3A_232 = arith.constant 0 : i32
      %dma_wait3A_233 = tpu.memref_slice %arg6[%run_scoped3A_67, %dma_wait3A_231, %dma_wait3A_232] : memref<2x128x128xf32, #tpu.memory_space<vmem>> -> memref<1x128x128xf32, #tpu.memory_space<vmem>>
      %dma_wait3A_234 = tpu.memref_squeeze %dma_wait3A_233 : memref<1x128x128xf32, #tpu.memory_space<vmem>> -> memref<128x128xf32, #tpu.memory_space<vmem>>
      %dma_wait3A_235 = arith.constant 0 : i32
      %dma_wait3A_236 = tpu.memref_slice %arg4[%add3A_66, %dma_wait3A_235] : memref<32768x128xf32, #tpu.memory_space<hbm>> -> memref<128x128xf32, #tpu.memory_space<hbm>>
      %dma_wait3A_237 = arith.constant 0 : i32
      %dma_wait3A_238 = tpu.memref_slice %arg4[%add3A_66, %dma_wait3A_237] : memref<32768x128xf32, #tpu.memory_space<hbm>> -> memref<128x128xf32, #tpu.memory_space<hbm>>
      %dma_wait3A_239 = arith.constant 0 : i32
      %dma_wait3A_240 = arith.constant 0 : i32
      %dma_wait3A_241 = tpu.memref_slice %arg6[%run_scoped3A_67, %dma_wait3A_239, %dma_wait3A_240] : memref<2x128x128xf32, #tpu.memory_space<vmem>> -> memref<1x128x128xf32, #tpu.memory_space<vmem>>
      %dma_wait3A_242 = tpu.memref_squeeze %dma_wait3A_241 : memref<1x128x128xf32, #tpu.memory_space<vmem>> -> memref<128x128xf32, #tpu.memory_space<vmem>>
      tpu.wait_dma2 semaphore(%run_scoped3A_218 : memref<!tpu.dma_semaphore, #tpu.memory_space<semaphore_mem>>) src(%dma_wait3A_242 : memref<128x128xf32, #tpu.memory_space<vmem>>) dst(%dma_wait3A_238 : memref<128x128xf32, #tpu.memory_space<hbm>>)
      tpu.yield
    }) : () -> ()
    %dma_start3A_68 = arith.constant 3 : i32
    %dma_start3A_69 = arith.constant 1 : i32
    %dma_start3A_70 = arith.constant 0 : i32
    %dma_start3A_71 = arith.constant 0 : i32
    %dma_start3A_72 = tpu.memref_slice %arg6[%dma_start3A_69, %dma_start3A_70, %dma_start3A_71] : memref<2x128x128xf32, #tpu.memory_space<vmem>> -> memref<1x128x128xf32, #tpu.memory_space<vmem>>
    %dma_start3A_73 = tpu.memref_squeeze %dma_start3A_72 : memref<1x128x128xf32, #tpu.memory_space<vmem>> -> memref<128x128xf32, #tpu.memory_space<vmem>>
    %dma_start3A_74 = arith.constant 0 : i32
    %dma_start3A_75 = tpu.memref_slice %arg5[%dma_start3A_68, %dma_start3A_74] : memref<8x128xi32, #tpu.memory_space<vmem>> -> memref<1x128xi32, #tpu.memory_space<vmem>>
    %dma_start3A_76 = tpu.memref_squeeze %dma_start3A_75 : memref<1x128xi32, #tpu.memory_space<vmem>> -> memref<128xi32, #tpu.memory_space<vmem>>
    %dma_start3A_77 = arith.constant 0 : i32
    %dma_start3A_78 = arith.constant 0 : i32
    %dma_start3A_79 = tpu.memref_slice %arg3[%dma_start3A_77, %dma_start3A_78] : memref<50000x128xf32, #tpu.memory_space<hbm>> -> memref<50000x128xf32, #tpu.memory_space<hbm>>
    tpu.enqueue_indirect_dma source(%dma_start3A_79 : memref<50000x128xf32, #tpu.memory_space<hbm>>) target(%dma_start3A_73 : memref<128x128xf32, #tpu.memory_space<vmem>>) offsets(%dma_start3A_76 : memref<128xi32, #tpu.memory_space<vmem>>) semaphore(%arg7 : memref<!tpu.dma_semaphore, #tpu.memory_space<semaphore_mem>>)
    %dma_wait3A_80 = arith.constant 2 : i32
    %dma_wait3A_81 = arith.constant 0 : i32
    %dma_wait3A_82 = arith.constant 0 : i32
    %dma_wait3A_83 = arith.constant 0 : i32
    %dma_wait3A_84 = tpu.memref_slice %arg6[%dma_wait3A_81, %dma_wait3A_82, %dma_wait3A_83] : memref<2x128x128xf32, #tpu.memory_space<vmem>> -> memref<1x128x128xf32, #tpu.memory_space<vmem>>
    %dma_wait3A_85 = tpu.memref_squeeze %dma_wait3A_84 : memref<1x128x128xf32, #tpu.memory_space<vmem>> -> memref<128x128xf32, #tpu.memory_space<vmem>>
    %dma_wait3A_86 = arith.constant 0 : i32
    %dma_wait3A_87 = tpu.memref_slice %arg5[%dma_wait3A_80, %dma_wait3A_86] : memref<8x128xi32, #tpu.memory_space<vmem>> -> memref<1x128xi32, #tpu.memory_space<vmem>>
    %dma_wait3A_88 = tpu.memref_squeeze %dma_wait3A_87 : memref<1x128xi32, #tpu.memory_space<vmem>> -> memref<128xi32, #tpu.memory_space<vmem>>
    %dma_wait3A_89 = arith.constant 0 : i32
    %dma_wait3A_90 = arith.constant 0 : i32
    %dma_wait3A_91 = tpu.memref_slice %arg3[%dma_wait3A_89, %dma_wait3A_90] : memref<50000x128xf32, #tpu.memory_space<hbm>> -> memref<50000x128xf32, #tpu.memory_space<hbm>>
    tpu.wait_indirect_dma semaphore(%arg7 : memref<!tpu.dma_semaphore, #tpu.memory_space<semaphore_mem>>) src(%dma_wait3A_91 : memref<50000x128xf32, #tpu.memory_space<hbm>>) dst(%dma_wait3A_85 : memref<128x128xf32, #tpu.memory_space<vmem>>)
    %add3A_92 = arith.constant 256 : i32
    %add3A_93 = arith.addi %mul3A_2, %add3A_92 : i32
    %run_scoped3A_94 = arith.constant 0 : i32
    "tpu.region"() ({
      %run_scoped3A_218 = tpu.sem_alloc : memref<!tpu.dma_semaphore, #tpu.memory_space<semaphore_mem>>
      %dma_start3A_219 = arith.constant 0 : i32
      %dma_start3A_220 = arith.constant 0 : i32
      %dma_start3A_221 = tpu.memref_slice %arg6[%run_scoped3A_94, %dma_start3A_219, %dma_start3A_220] : memref<2x128x128xf32, #tpu.memory_space<vmem>> -> memref<1x128x128xf32, #tpu.memory_space<vmem>>
      %dma_start3A_222 = tpu.memref_squeeze %dma_start3A_221 : memref<1x128x128xf32, #tpu.memory_space<vmem>> -> memref<128x128xf32, #tpu.memory_space<vmem>>
      %dma_start3A_223 = arith.constant 0 : i32
      %dma_start3A_224 = tpu.memref_slice %arg4[%add3A_93, %dma_start3A_223] : memref<32768x128xf32, #tpu.memory_space<hbm>> -> memref<128x128xf32, #tpu.memory_space<hbm>>
      %dma_start3A_225 = arith.constant 0 : i32
      %dma_start3A_226 = tpu.memref_slice %arg4[%add3A_93, %dma_start3A_225] : memref<32768x128xf32, #tpu.memory_space<hbm>> -> memref<128x128xf32, #tpu.memory_space<hbm>>
      %dma_start3A_227 = arith.constant 0 : i32
      %dma_start3A_228 = arith.constant 0 : i32
      %dma_start3A_229 = tpu.memref_slice %arg6[%run_scoped3A_94, %dma_start3A_227, %dma_start3A_228] : memref<2x128x128xf32, #tpu.memory_space<vmem>> -> memref<1x128x128xf32, #tpu.memory_space<vmem>>
      %dma_start3A_230 = tpu.memref_squeeze %dma_start3A_229 : memref<1x128x128xf32, #tpu.memory_space<vmem>> -> memref<128x128xf32, #tpu.memory_space<vmem>>
      tpu.enqueue_dma source(%dma_start3A_230 : memref<128x128xf32, #tpu.memory_space<vmem>>) target(%dma_start3A_226 : memref<128x128xf32, #tpu.memory_space<hbm>>) target_semaphore(%run_scoped3A_218 : memref<!tpu.dma_semaphore, #tpu.memory_space<semaphore_mem>>)
      %dma_wait3A_231 = arith.constant 0 : i32
      %dma_wait3A_232 = arith.constant 0 : i32
      %dma_wait3A_233 = tpu.memref_slice %arg6[%run_scoped3A_94, %dma_wait3A_231, %dma_wait3A_232] : memref<2x128x128xf32, #tpu.memory_space<vmem>> -> memref<1x128x128xf32, #tpu.memory_space<vmem>>
      %dma_wait3A_234 = tpu.memref_squeeze %dma_wait3A_233 : memref<1x128x128xf32, #tpu.memory_space<vmem>> -> memref<128x128xf32, #tpu.memory_space<vmem>>
      %dma_wait3A_235 = arith.constant 0 : i32
      %dma_wait3A_236 = tpu.memref_slice %arg4[%add3A_93, %dma_wait3A_235] : memref<32768x128xf32, #tpu.memory_space<hbm>> -> memref<128x128xf32, #tpu.memory_space<hbm>>
      %dma_wait3A_237 = arith.constant 0 : i32
      %dma_wait3A_238 = tpu.memref_slice %arg4[%add3A_93, %dma_wait3A_237] : memref<32768x128xf32, #tpu.memory_space<hbm>> -> memref<128x128xf32, #tpu.memory_space<hbm>>
      %dma_wait3A_239 = arith.constant 0 : i32
      %dma_wait3A_240 = arith.constant 0 : i32
      %dma_wait3A_241 = tpu.memref_slice %arg6[%run_scoped3A_94, %dma_wait3A_239, %dma_wait3A_240] : memref<2x128x128xf32, #tpu.memory_space<vmem>> -> memref<1x128x128xf32, #tpu.memory_space<vmem>>
      %dma_wait3A_242 = tpu.memref_squeeze %dma_wait3A_241 : memref<1x128x128xf32, #tpu.memory_space<vmem>> -> memref<128x128xf32, #tpu.memory_space<vmem>>
      tpu.wait_dma2 semaphore(%run_scoped3A_218 : memref<!tpu.dma_semaphore, #tpu.memory_space<semaphore_mem>>) src(%dma_wait3A_242 : memref<128x128xf32, #tpu.memory_space<vmem>>) dst(%dma_wait3A_238 : memref<128x128xf32, #tpu.memory_space<hbm>>)
      tpu.yield
    }) : () -> ()
    %dma_start3A_95 = arith.constant 4 : i32
    %dma_start3A_96 = arith.constant 0 : i32
    %dma_start3A_97 = arith.constant 0 : i32
    %dma_start3A_98 = arith.constant 0 : i32
    %dma_start3A_99 = tpu.memref_slice %arg6[%dma_start3A_96, %dma_start3A_97, %dma_start3A_98] : memref<2x128x128xf32, #tpu.memory_space<vmem>> -> memref<1x128x128xf32, #tpu.memory_space<vmem>>
    %dma_start3A_100 = tpu.memref_squeeze %dma_start3A_99 : memref<1x128x128xf32, #tpu.memory_space<vmem>> -> memref<128x128xf32, #tpu.memory_space<vmem>>
    %dma_start3A_101 = arith.constant 0 : i32
    %dma_start3A_102 = tpu.memref_slice %arg5[%dma_start3A_95, %dma_start3A_101] : memref<8x128xi32, #tpu.memory_space<vmem>> -> memref<1x128xi32, #tpu.memory_space<vmem>>
    %dma_start3A_103 = tpu.memref_squeeze %dma_start3A_102 : memref<1x128xi32, #tpu.memory_space<vmem>> -> memref<128xi32, #tpu.memory_space<vmem>>
    %dma_start3A_104 = arith.constant 0 : i32
    %dma_start3A_105 = arith.constant 0 : i32
    %dma_start3A_106 = tpu.memref_slice %arg3[%dma_start3A_104, %dma_start3A_105] : memref<50000x128xf32, #tpu.memory_space<hbm>> -> memref<50000x128xf32, #tpu.memory_space<hbm>>
    tpu.enqueue_indirect_dma source(%dma_start3A_106 : memref<50000x128xf32, #tpu.memory_space<hbm>>) target(%dma_start3A_100 : memref<128x128xf32, #tpu.memory_space<vmem>>) offsets(%dma_start3A_103 : memref<128xi32, #tpu.memory_space<vmem>>) semaphore(%arg7 : memref<!tpu.dma_semaphore, #tpu.memory_space<semaphore_mem>>)
    %dma_wait3A_107 = arith.constant 3 : i32
    %dma_wait3A_108 = arith.constant 1 : i32
    %dma_wait3A_109 = arith.constant 0 : i32
    %dma_wait3A_110 = arith.constant 0 : i32
    %dma_wait3A_111 = tpu.memref_slice %arg6[%dma_wait3A_108, %dma_wait3A_109, %dma_wait3A_110] : memref<2x128x128xf32, #tpu.memory_space<vmem>> -> memref<1x128x128xf32, #tpu.memory_space<vmem>>
    %dma_wait3A_112 = tpu.memref_squeeze %dma_wait3A_111 : memref<1x128x128xf32, #tpu.memory_space<vmem>> -> memref<128x128xf32, #tpu.memory_space<vmem>>
    %dma_wait3A_113 = arith.constant 0 : i32
    %dma_wait3A_114 = tpu.memref_slice %arg5[%dma_wait3A_107, %dma_wait3A_113] : memref<8x128xi32, #tpu.memory_space<vmem>> -> memref<1x128xi32, #tpu.memory_space<vmem>>
    %dma_wait3A_115 = tpu.memref_squeeze %dma_wait3A_114 : memref<1x128xi32, #tpu.memory_space<vmem>> -> memref<128xi32, #tpu.memory_space<vmem>>
    %dma_wait3A_116 = arith.constant 0 : i32
    %dma_wait3A_117 = arith.constant 0 : i32
    %dma_wait3A_118 = tpu.memref_slice %arg3[%dma_wait3A_116, %dma_wait3A_117] : memref<50000x128xf32, #tpu.memory_space<hbm>> -> memref<50000x128xf32, #tpu.memory_space<hbm>>
    tpu.wait_indirect_dma semaphore(%arg7 : memref<!tpu.dma_semaphore, #tpu.memory_space<semaphore_mem>>) src(%dma_wait3A_118 : memref<50000x128xf32, #tpu.memory_space<hbm>>) dst(%dma_wait3A_112 : memref<128x128xf32, #tpu.memory_space<vmem>>)
    %add3A_119 = arith.constant 384 : i32
    %add3A_120 = arith.addi %mul3A_2, %add3A_119 : i32
    %run_scoped3A_121 = arith.constant 1 : i32
    "tpu.region"() ({
      %run_scoped3A_218 = tpu.sem_alloc : memref<!tpu.dma_semaphore, #tpu.memory_space<semaphore_mem>>
      %dma_start3A_219 = arith.constant 0 : i32
      %dma_start3A_220 = arith.constant 0 : i32
      %dma_start3A_221 = tpu.memref_slice %arg6[%run_scoped3A_121, %dma_start3A_219, %dma_start3A_220] : memref<2x128x128xf32, #tpu.memory_space<vmem>> -> memref<1x128x128xf32, #tpu.memory_space<vmem>>
      %dma_start3A_222 = tpu.memref_squeeze %dma_start3A_221 : memref<1x128x128xf32, #tpu.memory_space<vmem>> -> memref<128x128xf32, #tpu.memory_space<vmem>>
      %dma_start3A_223 = arith.constant 0 : i32
      %dma_start3A_224 = tpu.memref_slice %arg4[%add3A_120, %dma_start3A_223] : memref<32768x128xf32, #tpu.memory_space<hbm>> -> memref<128x128xf32, #tpu.memory_space<hbm>>
      %dma_start3A_225 = arith.constant 0 : i32
      %dma_start3A_226 = tpu.memref_slice %arg4[%add3A_120, %dma_start3A_225] : memref<32768x128xf32, #tpu.memory_space<hbm>> -> memref<128x128xf32, #tpu.memory_space<hbm>>
      %dma_start3A_227 = arith.constant 0 : i32
      %dma_start3A_228 = arith.constant 0 : i32
      %dma_start3A_229 = tpu.memref_slice %arg6[%run_scoped3A_121, %dma_start3A_227, %dma_start3A_228] : memref<2x128x128xf32, #tpu.memory_space<vmem>> -> memref<1x128x128xf32, #tpu.memory_space<vmem>>
      %dma_start3A_230 = tpu.memref_squeeze %dma_start3A_229 : memref<1x128x128xf32, #tpu.memory_space<vmem>> -> memref<128x128xf32, #tpu.memory_space<vmem>>
      tpu.enqueue_dma source(%dma_start3A_230 : memref<128x128xf32, #tpu.memory_space<vmem>>) target(%dma_start3A_226 : memref<128x128xf32, #tpu.memory_space<hbm>>) target_semaphore(%run_scoped3A_218 : memref<!tpu.dma_semaphore, #tpu.memory_space<semaphore_mem>>)
      %dma_wait3A_231 = arith.constant 0 : i32
      %dma_wait3A_232 = arith.constant 0 : i32
      %dma_wait3A_233 = tpu.memref_slice %arg6[%run_scoped3A_121, %dma_wait3A_231, %dma_wait3A_232] : memref<2x128x128xf32, #tpu.memory_space<vmem>> -> memref<1x128x128xf32, #tpu.memory_space<vmem>>
      %dma_wait3A_234 = tpu.memref_squeeze %dma_wait3A_233 : memref<1x128x128xf32, #tpu.memory_space<vmem>> -> memref<128x128xf32, #tpu.memory_space<vmem>>
      %dma_wait3A_235 = arith.constant 0 : i32
      %dma_wait3A_236 = tpu.memref_slice %arg4[%add3A_120, %dma_wait3A_235] : memref<32768x128xf32, #tpu.memory_space<hbm>> -> memref<128x128xf32, #tpu.memory_space<hbm>>
      %dma_wait3A_237 = arith.constant 0 : i32
      %dma_wait3A_238 = tpu.memref_slice %arg4[%add3A_120, %dma_wait3A_237] : memref<32768x128xf32, #tpu.memory_space<hbm>> -> memref<128x128xf32, #tpu.memory_space<hbm>>
      %dma_wait3A_239 = arith.constant 0 : i32
      %dma_wait3A_240 = arith.constant 0 : i32
      %dma_wait3A_241 = tpu.memref_slice %arg6[%run_scoped3A_121, %dma_wait3A_239, %dma_wait3A_240] : memref<2x128x128xf32, #tpu.memory_space<vmem>> -> memref<1x128x128xf32, #tpu.memory_space<vmem>>
      %dma_wait3A_242 = tpu.memref_squeeze %dma_wait3A_241 : memref<1x128x128xf32, #tpu.memory_space<vmem>> -> memref<128x128xf32, #tpu.memory_space<vmem>>
      tpu.wait_dma2 semaphore(%run_scoped3A_218 : memref<!tpu.dma_semaphore, #tpu.memory_space<semaphore_mem>>) src(%dma_wait3A_242 : memref<128x128xf32, #tpu.memory_space<vmem>>) dst(%dma_wait3A_238 : memref<128x128xf32, #tpu.memory_space<hbm>>)
      tpu.yield
    }) : () -> ()
    %dma_start3A_122 = arith.constant 5 : i32
    %dma_start3A_123 = arith.constant 1 : i32
    %dma_start3A_124 = arith.constant 0 : i32
    %dma_start3A_125 = arith.constant 0 : i32
    %dma_start3A_126 = tpu.memref_slice %arg6[%dma_start3A_123, %dma_start3A_124, %dma_start3A_125] : memref<2x128x128xf32, #tpu.memory_space<vmem>> -> memref<1x128x128xf32, #tpu.memory_space<vmem>>
    %dma_start3A_127 = tpu.memref_squeeze %dma_start3A_126 : memref<1x128x128xf32, #tpu.memory_space<vmem>> -> memref<128x128xf32, #tpu.memory_space<vmem>>
    %dma_start3A_128 = arith.constant 0 : i32
    %dma_start3A_129 = tpu.memref_slice %arg5[%dma_start3A_122, %dma_start3A_128] : memref<8x128xi32, #tpu.memory_space<vmem>> -> memref<1x128xi32, #tpu.memory_space<vmem>>
    %dma_start3A_130 = tpu.memref_squeeze %dma_start3A_129 : memref<1x128xi32, #tpu.memory_space<vmem>> -> memref<128xi32, #tpu.memory_space<vmem>>
    %dma_start3A_131 = arith.constant 0 : i32
    %dma_start3A_132 = arith.constant 0 : i32
    %dma_start3A_133 = tpu.memref_slice %arg3[%dma_start3A_131, %dma_start3A_132] : memref<50000x128xf32, #tpu.memory_space<hbm>> -> memref<50000x128xf32, #tpu.memory_space<hbm>>
    tpu.enqueue_indirect_dma source(%dma_start3A_133 : memref<50000x128xf32, #tpu.memory_space<hbm>>) target(%dma_start3A_127 : memref<128x128xf32, #tpu.memory_space<vmem>>) offsets(%dma_start3A_130 : memref<128xi32, #tpu.memory_space<vmem>>) semaphore(%arg7 : memref<!tpu.dma_semaphore, #tpu.memory_space<semaphore_mem>>)
    %dma_wait3A_134 = arith.constant 4 : i32
    %dma_wait3A_135 = arith.constant 0 : i32
    %dma_wait3A_136 = arith.constant 0 : i32
    %dma_wait3A_137 = arith.constant 0 : i32
    %dma_wait3A_138 = tpu.memref_slice %arg6[%dma_wait3A_135, %dma_wait3A_136, %dma_wait3A_137] : memref<2x128x128xf32, #tpu.memory_space<vmem>> -> memref<1x128x128xf32, #tpu.memory_space<vmem>>
    %dma_wait3A_139 = tpu.memref_squeeze %dma_wait3A_138 : memref<1x128x128xf32, #tpu.memory_space<vmem>> -> memref<128x128xf32, #tpu.memory_space<vmem>>
    %dma_wait3A_140 = arith.constant 0 : i32
    %dma_wait3A_141 = tpu.memref_slice %arg5[%dma_wait3A_134, %dma_wait3A_140] : memref<8x128xi32, #tpu.memory_space<vmem>> -> memref<1x128xi32, #tpu.memory_space<vmem>>
    %dma_wait3A_142 = tpu.memref_squeeze %dma_wait3A_141 : memref<1x128xi32, #tpu.memory_space<vmem>> -> memref<128xi32, #tpu.memory_space<vmem>>
    %dma_wait3A_143 = arith.constant 0 : i32
    %dma_wait3A_144 = arith.constant 0 : i32
    %dma_wait3A_145 = tpu.memref_slice %arg3[%dma_wait3A_143, %dma_wait3A_144] : memref<50000x128xf32, #tpu.memory_space<hbm>> -> memref<50000x128xf32, #tpu.memory_space<hbm>>
    tpu.wait_indirect_dma semaphore(%arg7 : memref<!tpu.dma_semaphore, #tpu.memory_space<semaphore_mem>>) src(%dma_wait3A_145 : memref<50000x128xf32, #tpu.memory_space<hbm>>) dst(%dma_wait3A_139 : memref<128x128xf32, #tpu.memory_space<vmem>>)
    %add3A_146 = arith.constant 512 : i32
    %add3A_147 = arith.addi %mul3A_2, %add3A_146 : i32
    %run_scoped3A_148 = arith.constant 0 : i32
    "tpu.region"() ({
      %run_scoped3A_218 = tpu.sem_alloc : memref<!tpu.dma_semaphore, #tpu.memory_space<semaphore_mem>>
      %dma_start3A_219 = arith.constant 0 : i32
      %dma_start3A_220 = arith.constant 0 : i32
      %dma_start3A_221 = tpu.memref_slice %arg6[%run_scoped3A_148, %dma_start3A_219, %dma_start3A_220] : memref<2x128x128xf32, #tpu.memory_space<vmem>> -> memref<1x128x128xf32, #tpu.memory_space<vmem>>
      %dma_start3A_222 = tpu.memref_squeeze %dma_start3A_221 : memref<1x128x128xf32, #tpu.memory_space<vmem>> -> memref<128x128xf32, #tpu.memory_space<vmem>>
      %dma_start3A_223 = arith.constant 0 : i32
      %dma_start3A_224 = tpu.memref_slice %arg4[%add3A_147, %dma_start3A_223] : memref<32768x128xf32, #tpu.memory_space<hbm>> -> memref<128x128xf32, #tpu.memory_space<hbm>>
      %dma_start3A_225 = arith.constant 0 : i32
      %dma_start3A_226 = tpu.memref_slice %arg4[%add3A_147, %dma_start3A_225] : memref<32768x128xf32, #tpu.memory_space<hbm>> -> memref<128x128xf32, #tpu.memory_space<hbm>>
      %dma_start3A_227 = arith.constant 0 : i32
      %dma_start3A_228 = arith.constant 0 : i32
      %dma_start3A_229 = tpu.memref_slice %arg6[%run_scoped3A_148, %dma_start3A_227, %dma_start3A_228] : memref<2x128x128xf32, #tpu.memory_space<vmem>> -> memref<1x128x128xf32, #tpu.memory_space<vmem>>
      %dma_start3A_230 = tpu.memref_squeeze %dma_start3A_229 : memref<1x128x128xf32, #tpu.memory_space<vmem>> -> memref<128x128xf32, #tpu.memory_space<vmem>>
      tpu.enqueue_dma source(%dma_start3A_230 : memref<128x128xf32, #tpu.memory_space<vmem>>) target(%dma_start3A_226 : memref<128x128xf32, #tpu.memory_space<hbm>>) target_semaphore(%run_scoped3A_218 : memref<!tpu.dma_semaphore, #tpu.memory_space<semaphore_mem>>)
      %dma_wait3A_231 = arith.constant 0 : i32
      %dma_wait3A_232 = arith.constant 0 : i32
      %dma_wait3A_233 = tpu.memref_slice %arg6[%run_scoped3A_148, %dma_wait3A_231, %dma_wait3A_232] : memref<2x128x128xf32, #tpu.memory_space<vmem>> -> memref<1x128x128xf32, #tpu.memory_space<vmem>>
      %dma_wait3A_234 = tpu.memref_squeeze %dma_wait3A_233 : memref<1x128x128xf32, #tpu.memory_space<vmem>> -> memref<128x128xf32, #tpu.memory_space<vmem>>
      %dma_wait3A_235 = arith.constant 0 : i32
      %dma_wait3A_236 = tpu.memref_slice %arg4[%add3A_147, %dma_wait3A_235] : memref<32768x128xf32, #tpu.memory_space<hbm>> -> memref<128x128xf32, #tpu.memory_space<hbm>>
      %dma_wait3A_237 = arith.constant 0 : i32
      %dma_wait3A_238 = tpu.memref_slice %arg4[%add3A_147, %dma_wait3A_237] : memref<32768x128xf32, #tpu.memory_space<hbm>> -> memref<128x128xf32, #tpu.memory_space<hbm>>
      %dma_wait3A_239 = arith.constant 0 : i32
      %dma_wait3A_240 = arith.constant 0 : i32
      %dma_wait3A_241 = tpu.memref_slice %arg6[%run_scoped3A_148, %dma_wait3A_239, %dma_wait3A_240] : memref<2x128x128xf32, #tpu.memory_space<vmem>> -> memref<1x128x128xf32, #tpu.memory_space<vmem>>
      %dma_wait3A_242 = tpu.memref_squeeze %dma_wait3A_241 : memref<1x128x128xf32, #tpu.memory_space<vmem>> -> memref<128x128xf32, #tpu.memory_space<vmem>>
      tpu.wait_dma2 semaphore(%run_scoped3A_218 : memref<!tpu.dma_semaphore, #tpu.memory_space<semaphore_mem>>) src(%dma_wait3A_242 : memref<128x128xf32, #tpu.memory_space<vmem>>) dst(%dma_wait3A_238 : memref<128x128xf32, #tpu.memory_space<hbm>>)
      tpu.yield
    }) : () -> ()
    %dma_start3A_149 = arith.constant 6 : i32
    %dma_start3A_150 = arith.constant 0 : i32
    %dma_start3A_151 = arith.constant 0 : i32
    %dma_start3A_152 = arith.constant 0 : i32
    %dma_start3A_153 = tpu.memref_slice %arg6[%dma_start3A_150, %dma_start3A_151, %dma_start3A_152] : memref<2x128x128xf32, #tpu.memory_space<vmem>> -> memref<1x128x128xf32, #tpu.memory_space<vmem>>
    %dma_start3A_154 = tpu.memref_squeeze %dma_start3A_153 : memref<1x128x128xf32, #tpu.memory_space<vmem>> -> memref<128x128xf32, #tpu.memory_space<vmem>>
    %dma_start3A_155 = arith.constant 0 : i32
    %dma_start3A_156 = tpu.memref_slice %arg5[%dma_start3A_149, %dma_start3A_155] : memref<8x128xi32, #tpu.memory_space<vmem>> -> memref<1x128xi32, #tpu.memory_space<vmem>>
    %dma_start3A_157 = tpu.memref_squeeze %dma_start3A_156 : memref<1x128xi32, #tpu.memory_space<vmem>> -> memref<128xi32, #tpu.memory_space<vmem>>
    %dma_start3A_158 = arith.constant 0 : i32
    %dma_start3A_159 = arith.constant 0 : i32
    %dma_start3A_160 = tpu.memref_slice %arg3[%dma_start3A_158, %dma_start3A_159] : memref<50000x128xf32, #tpu.memory_space<hbm>> -> memref<50000x128xf32, #tpu.memory_space<hbm>>
    tpu.enqueue_indirect_dma source(%dma_start3A_160 : memref<50000x128xf32, #tpu.memory_space<hbm>>) target(%dma_start3A_154 : memref<128x128xf32, #tpu.memory_space<vmem>>) offsets(%dma_start3A_157 : memref<128xi32, #tpu.memory_space<vmem>>) semaphore(%arg7 : memref<!tpu.dma_semaphore, #tpu.memory_space<semaphore_mem>>)
    %dma_wait3A_161 = arith.constant 5 : i32
    %dma_wait3A_162 = arith.constant 1 : i32
    %dma_wait3A_163 = arith.constant 0 : i32
    %dma_wait3A_164 = arith.constant 0 : i32
    %dma_wait3A_165 = tpu.memref_slice %arg6[%dma_wait3A_162, %dma_wait3A_163, %dma_wait3A_164] : memref<2x128x128xf32, #tpu.memory_space<vmem>> -> memref<1x128x128xf32, #tpu.memory_space<vmem>>
    %dma_wait3A_166 = tpu.memref_squeeze %dma_wait3A_165 : memref<1x128x128xf32, #tpu.memory_space<vmem>> -> memref<128x128xf32, #tpu.memory_space<vmem>>
    %dma_wait3A_167 = arith.constant 0 : i32
    %dma_wait3A_168 = tpu.memref_slice %arg5[%dma_wait3A_161, %dma_wait3A_167] : memref<8x128xi32, #tpu.memory_space<vmem>> -> memref<1x128xi32, #tpu.memory_space<vmem>>
    %dma_wait3A_169 = tpu.memref_squeeze %dma_wait3A_168 : memref<1x128xi32, #tpu.memory_space<vmem>> -> memref<128xi32, #tpu.memory_space<vmem>>
    %dma_wait3A_170 = arith.constant 0 : i32
    %dma_wait3A_171 = arith.constant 0 : i32
    %dma_wait3A_172 = tpu.memref_slice %arg3[%dma_wait3A_170, %dma_wait3A_171] : memref<50000x128xf32, #tpu.memory_space<hbm>> -> memref<50000x128xf32, #tpu.memory_space<hbm>>
    tpu.wait_indirect_dma semaphore(%arg7 : memref<!tpu.dma_semaphore, #tpu.memory_space<semaphore_mem>>) src(%dma_wait3A_172 : memref<50000x128xf32, #tpu.memory_space<hbm>>) dst(%dma_wait3A_166 : memref<128x128xf32, #tpu.memory_space<vmem>>)
    %add3A_173 = arith.constant 640 : i32
    %add3A_174 = arith.addi %mul3A_2, %add3A_173 : i32
    %run_scoped3A_175 = arith.constant 1 : i32
    "tpu.region"() ({
      %run_scoped3A_218 = tpu.sem_alloc : memref<!tpu.dma_semaphore, #tpu.memory_space<semaphore_mem>>
      %dma_start3A_219 = arith.constant 0 : i32
      %dma_start3A_220 = arith.constant 0 : i32
      %dma_start3A_221 = tpu.memref_slice %arg6[%run_scoped3A_175, %dma_start3A_219, %dma_start3A_220] : memref<2x128x128xf32, #tpu.memory_space<vmem>> -> memref<1x128x128xf32, #tpu.memory_space<vmem>>
      %dma_start3A_222 = tpu.memref_squeeze %dma_start3A_221 : memref<1x128x128xf32, #tpu.memory_space<vmem>> -> memref<128x128xf32, #tpu.memory_space<vmem>>
      %dma_start3A_223 = arith.constant 0 : i32
      %dma_start3A_224 = tpu.memref_slice %arg4[%add3A_174, %dma_start3A_223] : memref<32768x128xf32, #tpu.memory_space<hbm>> -> memref<128x128xf32, #tpu.memory_space<hbm>>
      %dma_start3A_225 = arith.constant 0 : i32
      %dma_start3A_226 = tpu.memref_slice %arg4[%add3A_174, %dma_start3A_225] : memref<32768x128xf32, #tpu.memory_space<hbm>> -> memref<128x128xf32, #tpu.memory_space<hbm>>
      %dma_start3A_227 = arith.constant 0 : i32
      %dma_start3A_228 = arith.constant 0 : i32
      %dma_start3A_229 = tpu.memref_slice %arg6[%run_scoped3A_175, %dma_start3A_227, %dma_start3A_228] : memref<2x128x128xf32, #tpu.memory_space<vmem>> -> memref<1x128x128xf32, #tpu.memory_space<vmem>>
      %dma_start3A_230 = tpu.memref_squeeze %dma_start3A_229 : memref<1x128x128xf32, #tpu.memory_space<vmem>> -> memref<128x128xf32, #tpu.memory_space<vmem>>
      tpu.enqueue_dma source(%dma_start3A_230 : memref<128x128xf32, #tpu.memory_space<vmem>>) target(%dma_start3A_226 : memref<128x128xf32, #tpu.memory_space<hbm>>) target_semaphore(%run_scoped3A_218 : memref<!tpu.dma_semaphore, #tpu.memory_space<semaphore_mem>>)
      %dma_wait3A_231 = arith.constant 0 : i32
      %dma_wait3A_232 = arith.constant 0 : i32
      %dma_wait3A_233 = tpu.memref_slice %arg6[%run_scoped3A_175, %dma_wait3A_231, %dma_wait3A_232] : memref<2x128x128xf32, #tpu.memory_space<vmem>> -> memref<1x128x128xf32, #tpu.memory_space<vmem>>
      %dma_wait3A_234 = tpu.memref_squeeze %dma_wait3A_233 : memref<1x128x128xf32, #tpu.memory_space<vmem>> -> memref<128x128xf32, #tpu.memory_space<vmem>>
      %dma_wait3A_235 = arith.constant 0 : i32
      %dma_wait3A_236 = tpu.memref_slice %arg4[%add3A_174, %dma_wait3A_235] : memref<32768x128xf32, #tpu.memory_space<hbm>> -> memref<128x128xf32, #tpu.memory_space<hbm>>
      %dma_wait3A_237 = arith.constant 0 : i32
      %dma_wait3A_238 = tpu.memref_slice %arg4[%add3A_174, %dma_wait3A_237] : memref<32768x128xf32, #tpu.memory_space<hbm>> -> memref<128x128xf32, #tpu.memory_space<hbm>>
      %dma_wait3A_239 = arith.constant 0 : i32
      %dma_wait3A_240 = arith.constant 0 : i32
      %dma_wait3A_241 = tpu.memref_slice %arg6[%run_scoped3A_175, %dma_wait3A_239, %dma_wait3A_240] : memref<2x128x128xf32, #tpu.memory_space<vmem>> -> memref<1x128x128xf32, #tpu.memory_space<vmem>>
      %dma_wait3A_242 = tpu.memref_squeeze %dma_wait3A_241 : memref<1x128x128xf32, #tpu.memory_space<vmem>> -> memref<128x128xf32, #tpu.memory_space<vmem>>
      tpu.wait_dma2 semaphore(%run_scoped3A_218 : memref<!tpu.dma_semaphore, #tpu.memory_space<semaphore_mem>>) src(%dma_wait3A_242 : memref<128x128xf32, #tpu.memory_space<vmem>>) dst(%dma_wait3A_238 : memref<128x128xf32, #tpu.memory_space<hbm>>)
      tpu.yield
    }) : () -> ()
    %dma_start3A_176 = arith.constant 7 : i32
    %dma_start3A_177 = arith.constant 1 : i32
    %dma_start3A_178 = arith.constant 0 : i32
    %dma_start3A_179 = arith.constant 0 : i32
    %dma_start3A_180 = tpu.memref_slice %arg6[%dma_start3A_177, %dma_start3A_178, %dma_start3A_179] : memref<2x128x128xf32, #tpu.memory_space<vmem>> -> memref<1x128x128xf32, #tpu.memory_space<vmem>>
    %dma_start3A_181 = tpu.memref_squeeze %dma_start3A_180 : memref<1x128x128xf32, #tpu.memory_space<vmem>> -> memref<128x128xf32, #tpu.memory_space<vmem>>
    %dma_start3A_182 = arith.constant 0 : i32
    %dma_start3A_183 = tpu.memref_slice %arg5[%dma_start3A_176, %dma_start3A_182] : memref<8x128xi32, #tpu.memory_space<vmem>> -> memref<1x128xi32, #tpu.memory_space<vmem>>
    %dma_start3A_184 = tpu.memref_squeeze %dma_start3A_183 : memref<1x128xi32, #tpu.memory_space<vmem>> -> memref<128xi32, #tpu.memory_space<vmem>>
    %dma_start3A_185 = arith.constant 0 : i32
    %dma_start3A_186 = arith.constant 0 : i32
    %dma_start3A_187 = tpu.memref_slice %arg3[%dma_start3A_185, %dma_start3A_186] : memref<50000x128xf32, #tpu.memory_space<hbm>> -> memref<50000x128xf32, #tpu.memory_space<hbm>>
    tpu.enqueue_indirect_dma source(%dma_start3A_187 : memref<50000x128xf32, #tpu.memory_space<hbm>>) target(%dma_start3A_181 : memref<128x128xf32, #tpu.memory_space<vmem>>) offsets(%dma_start3A_184 : memref<128xi32, #tpu.memory_space<vmem>>) semaphore(%arg7 : memref<!tpu.dma_semaphore, #tpu.memory_space<semaphore_mem>>)
    %dma_wait3A_188 = arith.constant 6 : i32
    %dma_wait3A_189 = arith.constant 0 : i32
    %dma_wait3A_190 = arith.constant 0 : i32
    %dma_wait3A_191 = arith.constant 0 : i32
    %dma_wait3A_192 = tpu.memref_slice %arg6[%dma_wait3A_189, %dma_wait3A_190, %dma_wait3A_191] : memref<2x128x128xf32, #tpu.memory_space<vmem>> -> memref<1x128x128xf32, #tpu.memory_space<vmem>>
    %dma_wait3A_193 = tpu.memref_squeeze %dma_wait3A_192 : memref<1x128x128xf32, #tpu.memory_space<vmem>> -> memref<128x128xf32, #tpu.memory_space<vmem>>
    %dma_wait3A_194 = arith.constant 0 : i32
    %dma_wait3A_195 = tpu.memref_slice %arg5[%dma_wait3A_188, %dma_wait3A_194] : memref<8x128xi32, #tpu.memory_space<vmem>> -> memref<1x128xi32, #tpu.memory_space<vmem>>
    %dma_wait3A_196 = tpu.memref_squeeze %dma_wait3A_195 : memref<1x128xi32, #tpu.memory_space<vmem>> -> memref<128xi32, #tpu.memory_space<vmem>>
    %dma_wait3A_197 = arith.constant 0 : i32
    %dma_wait3A_198 = arith.constant 0 : i32
    %dma_wait3A_199 = tpu.memref_slice %arg3[%dma_wait3A_197, %dma_wait3A_198] : memref<50000x128xf32, #tpu.memory_space<hbm>> -> memref<50000x128xf32, #tpu.memory_space<hbm>>
    tpu.wait_indirect_dma semaphore(%arg7 : memref<!tpu.dma_semaphore, #tpu.memory_space<semaphore_mem>>) src(%dma_wait3A_199 : memref<50000x128xf32, #tpu.memory_space<hbm>>) dst(%dma_wait3A_193 : memref<128x128xf32, #tpu.memory_space<vmem>>)
    %add3A_200 = arith.constant 768 : i32
    %add3A_201 = arith.addi %mul3A_2, %add3A_200 : i32
    %run_scoped3A_202 = arith.constant 0 : i32
    "tpu.region"() ({
      %run_scoped3A_218 = tpu.sem_alloc : memref<!tpu.dma_semaphore, #tpu.memory_space<semaphore_mem>>
      %dma_start3A_219 = arith.constant 0 : i32
      %dma_start3A_220 = arith.constant 0 : i32
      %dma_start3A_221 = tpu.memref_slice %arg6[%run_scoped3A_202, %dma_start3A_219, %dma_start3A_220] : memref<2x128x128xf32, #tpu.memory_space<vmem>> -> memref<1x128x128xf32, #tpu.memory_space<vmem>>
      %dma_start3A_222 = tpu.memref_squeeze %dma_start3A_221 : memref<1x128x128xf32, #tpu.memory_space<vmem>> -> memref<128x128xf32, #tpu.memory_space<vmem>>
      %dma_start3A_223 = arith.constant 0 : i32
      %dma_start3A_224 = tpu.memref_slice %arg4[%add3A_201, %dma_start3A_223] : memref<32768x128xf32, #tpu.memory_space<hbm>> -> memref<128x128xf32, #tpu.memory_space<hbm>>
      %dma_start3A_225 = arith.constant 0 : i32
      %dma_start3A_226 = tpu.memref_slice %arg4[%add3A_201, %dma_start3A_225] : memref<32768x128xf32, #tpu.memory_space<hbm>> -> memref<128x128xf32, #tpu.memory_space<hbm>>
      %dma_start3A_227 = arith.constant 0 : i32
      %dma_start3A_228 = arith.constant 0 : i32
      %dma_start3A_229 = tpu.memref_slice %arg6[%run_scoped3A_202, %dma_start3A_227, %dma_start3A_228] : memref<2x128x128xf32, #tpu.memory_space<vmem>> -> memref<1x128x128xf32, #tpu.memory_space<vmem>>
      %dma_start3A_230 = tpu.memref_squeeze %dma_start3A_229 : memref<1x128x128xf32, #tpu.memory_space<vmem>> -> memref<128x128xf32, #tpu.memory_space<vmem>>
      tpu.enqueue_dma source(%dma_start3A_230 : memref<128x128xf32, #tpu.memory_space<vmem>>) target(%dma_start3A_226 : memref<128x128xf32, #tpu.memory_space<hbm>>) target_semaphore(%run_scoped3A_218 : memref<!tpu.dma_semaphore, #tpu.memory_space<semaphore_mem>>)
      %dma_wait3A_231 = arith.constant 0 : i32
      %dma_wait3A_232 = arith.constant 0 : i32
      %dma_wait3A_233 = tpu.memref_slice %arg6[%run_scoped3A_202, %dma_wait3A_231, %dma_wait3A_232] : memref<2x128x128xf32, #tpu.memory_space<vmem>> -> memref<1x128x128xf32, #tpu.memory_space<vmem>>
      %dma_wait3A_234 = tpu.memref_squeeze %dma_wait3A_233 : memref<1x128x128xf32, #tpu.memory_space<vmem>> -> memref<128x128xf32, #tpu.memory_space<vmem>>
      %dma_wait3A_235 = arith.constant 0 : i32
      %dma_wait3A_236 = tpu.memref_slice %arg4[%add3A_201, %dma_wait3A_235] : memref<32768x128xf32, #tpu.memory_space<hbm>> -> memref<128x128xf32, #tpu.memory_space<hbm>>
      %dma_wait3A_237 = arith.constant 0 : i32
      %dma_wait3A_238 = tpu.memref_slice %arg4[%add3A_201, %dma_wait3A_237] : memref<32768x128xf32, #tpu.memory_space<hbm>> -> memref<128x128xf32, #tpu.memory_space<hbm>>
      %dma_wait3A_239 = arith.constant 0 : i32
      %dma_wait3A_240 = arith.constant 0 : i32
      %dma_wait3A_241 = tpu.memref_slice %arg6[%run_scoped3A_202, %dma_wait3A_239, %dma_wait3A_240] : memref<2x128x128xf32, #tpu.memory_space<vmem>> -> memref<1x128x128xf32, #tpu.memory_space<vmem>>
      %dma_wait3A_242 = tpu.memref_squeeze %dma_wait3A_241 : memref<1x128x128xf32, #tpu.memory_space<vmem>> -> memref<128x128xf32, #tpu.memory_space<vmem>>
      tpu.wait_dma2 semaphore(%run_scoped3A_218 : memref<!tpu.dma_semaphore, #tpu.memory_space<semaphore_mem>>) src(%dma_wait3A_242 : memref<128x128xf32, #tpu.memory_space<vmem>>) dst(%dma_wait3A_238 : memref<128x128xf32, #tpu.memory_space<hbm>>)
      tpu.yield
    }) : () -> ()
    %dma_wait3A_203 = arith.constant 7 : i32
    %dma_wait3A_204 = arith.constant 1 : i32
    %dma_wait3A_205 = arith.constant 0 : i32
    %dma_wait3A_206 = arith.constant 0 : i32
    %dma_wait3A_207 = tpu.memref_slice %arg6[%dma_wait3A_204, %dma_wait3A_205, %dma_wait3A_206] : memref<2x128x128xf32, #tpu.memory_space<vmem>> -> memref<1x128x128xf32, #tpu.memory_space<vmem>>
    %dma_wait3A_208 = tpu.memref_squeeze %dma_wait3A_207 : memref<1x128x128xf32, #tpu.memory_space<vmem>> -> memref<128x128xf32, #tpu.memory_space<vmem>>
    %dma_wait3A_209 = arith.constant 0 : i32
    %dma_wait3A_210 = tpu.memref_slice %arg5[%dma_wait3A_203, %dma_wait3A_209] : memref<8x128xi32, #tpu.memory_space<vmem>> -> memref<1x128xi32, #tpu.memory_space<vmem>>
    %dma_wait3A_211 = tpu.memref_squeeze %dma_wait3A_210 : memref<1x128xi32, #tpu.memory_space<vmem>> -> memref<128xi32, #tpu.memory_space<vmem>>
    %dma_wait3A_212 = arith.constant 0 : i32
    %dma_wait3A_213 = arith.constant 0 : i32
    %dma_wait3A_214 = tpu.memref_slice %arg3[%dma_wait3A_212, %dma_wait3A_213] : memref<50000x128xf32, #tpu.memory_space<hbm>> -> memref<50000x128xf32, #tpu.memory_space<hbm>>
    tpu.wait_indirect_dma semaphore(%arg7 : memref<!tpu.dma_semaphore, #tpu.memory_space<semaphore_mem>>) src(%dma_wait3A_214 : memref<50000x128xf32, #tpu.memory_space<hbm>>) dst(%dma_wait3A_208 : memref<128x128xf32, #tpu.memory_space<vmem>>)
    %add3A_215 = arith.constant 896 : i32
    %add3A_216 = arith.addi %mul3A_2, %add3A_215 : i32
    %run_scoped3A_217 = arith.constant 1 : i32
    "tpu.region"() ({
      %run_scoped3A_218 = tpu.sem_alloc : memref<!tpu.dma_semaphore, #tpu.memory_space<semaphore_mem>>
      %dma_start3A_219 = arith.constant 0 : i32
      %dma_start3A_220 = arith.constant 0 : i32
      %dma_start3A_221 = tpu.memref_slice %arg6[%run_scoped3A_217, %dma_start3A_219, %dma_start3A_220] : memref<2x128x128xf32, #tpu.memory_space<vmem>> -> memref<1x128x128xf32, #tpu.memory_space<vmem>>
      %dma_start3A_222 = tpu.memref_squeeze %dma_start3A_221 : memref<1x128x128xf32, #tpu.memory_space<vmem>> -> memref<128x128xf32, #tpu.memory_space<vmem>>
      %dma_start3A_223 = arith.constant 0 : i32
      %dma_start3A_224 = tpu.memref_slice %arg4[%add3A_216, %dma_start3A_223] : memref<32768x128xf32, #tpu.memory_space<hbm>> -> memref<128x128xf32, #tpu.memory_space<hbm>>
      %dma_start3A_225 = arith.constant 0 : i32
      %dma_start3A_226 = tpu.memref_slice %arg4[%add3A_216, %dma_start3A_225] : memref<32768x128xf32, #tpu.memory_space<hbm>> -> memref<128x128xf32, #tpu.memory_space<hbm>>
      %dma_start3A_227 = arith.constant 0 : i32
      %dma_start3A_228 = arith.constant 0 : i32
      %dma_start3A_229 = tpu.memref_slice %arg6[%run_scoped3A_217, %dma_start3A_227, %dma_start3A_228] : memref<2x128x128xf32, #tpu.memory_space<vmem>> -> memref<1x128x128xf32, #tpu.memory_space<vmem>>
      %dma_start3A_230 = tpu.memref_squeeze %dma_start3A_229 : memref<1x128x128xf32, #tpu.memory_space<vmem>> -> memref<128x128xf32, #tpu.memory_space<vmem>>
      tpu.enqueue_dma source(%dma_start3A_230 : memref<128x128xf32, #tpu.memory_space<vmem>>) target(%dma_start3A_226 : memref<128x128xf32, #tpu.memory_space<hbm>>) target_semaphore(%run_scoped3A_218 : memref<!tpu.dma_semaphore, #tpu.memory_space<semaphore_mem>>)
      %dma_wait3A_231 = arith.constant 0 : i32
      %dma_wait3A_232 = arith.constant 0 : i32
      %dma_wait3A_233 = tpu.memref_slice %arg6[%run_scoped3A_217, %dma_wait3A_231, %dma_wait3A_232] : memref<2x128x128xf32, #tpu.memory_space<vmem>> -> memref<1x128x128xf32, #tpu.memory_space<vmem>>
      %dma_wait3A_234 = tpu.memref_squeeze %dma_wait3A_233 : memref<1x128x128xf32, #tpu.memory_space<vmem>> -> memref<128x128xf32, #tpu.memory_space<vmem>>
      %dma_wait3A_235 = arith.constant 0 : i32
      %dma_wait3A_236 = tpu.memref_slice %arg4[%add3A_216, %dma_wait3A_235] : memref<32768x128xf32, #tpu.memory_space<hbm>> -> memref<128x128xf32, #tpu.memory_space<hbm>>
      %dma_wait3A_237 = arith.constant 0 : i32
      %dma_wait3A_238 = tpu.memref_slice %arg4[%add3A_216, %dma_wait3A_237] : memref<32768x128xf32, #tpu.memory_space<hbm>> -> memref<128x128xf32, #tpu.memory_space<hbm>>
      %dma_wait3A_239 = arith.constant 0 : i32
      %dma_wait3A_240 = arith.constant 0 : i32
      %dma_wait3A_241 = tpu.memref_slice %arg6[%run_scoped3A_217, %dma_wait3A_239, %dma_wait3A_240] : memref<2x128x128xf32, #tpu.memory_space<vmem>> -> memref<1x128x128xf32, #tpu.memory_space<vmem>>
      %dma_wait3A_242 = tpu.memref_squeeze %dma_wait3A_241 : memref<1x128x128xf32, #tpu.memory_space<vmem>> -> memref<128x128xf32, #tpu.memory_space<vmem>>
      tpu.wait_dma2 semaphore(%run_scoped3A_218 : memref<!tpu.dma_semaphore, #tpu.memory_space<semaphore_mem>>) src(%dma_wait3A_242 : memref<128x128xf32, #tpu.memory_space<vmem>>) dst(%dma_wait3A_238 : memref<128x128xf32, #tpu.memory_space<hbm>>)
      tpu.yield
    }) : () -> ()
    return
  }
}

module attributes {stable_mosaic.version = 14 : i64} {
  func.func @_topk_body(%arg0: i32, %arg1: memref<1024x64xf32, #tpu.memory_space<vmem>>, %arg2: memref<1024x64xf32, #tpu.memory_space<vmem>>, %arg3: memref<1024x32xi32, #tpu.memory_space<vmem>>, %arg4: memref<1024x32xi32, #tpu.memory_space<vmem>>, %arg5: memref<1x1024xf32, #tpu.memory_space<vmem>>, %arg6: memref<32x1024xf32, #tpu.memory_space<vmem>>, %arg7: memref<32x1024xi32, #tpu.memory_space<vmem>>, %arg8: memref<1024x1024xf32, #tpu.memory_space<vmem>>, %arg9: memref<32x1024xf32, #tpu.memory_space<vmem>>, %arg10: memref<32x1024xi32, #tpu.memory_space<vmem>>) attributes {dimension_semantics = [#tpu.dimension_semantics<arbitrary>], iteration_bounds = array<i64: 98>, scalar_prefetch = 0 : i64, scratch_operands = 5 : i64, tpu.core_type = #tpu.core_type<tc>, window_params = [{pipeline_mode = #tpu.pipeline_mode<synchronous>, transform_indices = @transform_0, window_bounds = array<i64: 1024, 64>}, {transform_indices = @transform_1, window_bounds = array<i64: 1024, 64>}, {pipeline_mode = #tpu.pipeline_mode<synchronous>, transform_indices = @transform_2, window_bounds = array<i64: 1024, 32>}, {pipeline_mode = #tpu.pipeline_mode<synchronous>, transform_indices = @transform_3, window_bounds = array<i64: 1024, 32>}, {pipeline_mode = #tpu.pipeline_mode<synchronous>, transform_indices = @transform_4, window_bounds = array<i64: 1, 1024>}]} {
    %eq3A = arith.constant 0 : i32
    %eq3A_0 = arith.cmpi eq, %arg0, %eq3A : i32
    %convert_element_type3A = arith.extui %eq3A_0 : i1 to i32
    %cond3A = arith.constant 0 : i32
    %cond3A_1 = arith.cmpi ne, %convert_element_type3A, %cond3A : i32
    scf.if %cond3A_1 {
      %broadcast_in_dim3A_475 = arith.constant 0xFF800000 : f32
      %broadcast_in_dim3A_476 = vector.broadcast %broadcast_in_dim3A_475 : f32 to vector<32x1024xf32>
      %swap3A_477 = arith.constant 0 : index
      %swap3A_478 = arith.constant 0 : index
      %swap3A_479 = vector.load %arg6[%swap3A_477, %swap3A_478] : memref<32x1024xf32, #tpu.memory_space<vmem>>, vector<32x1024xf32>
      tpu.vector_store %arg6[%swap3A_477, %swap3A_478], %broadcast_in_dim3A_476 {strides = array<i32>} : memref<32x1024xf32, #tpu.memory_space<vmem>>, vector<32x1024xf32>,
      %broadcast_in_dim3A_480 = arith.constant 0 : i32
      %broadcast_in_dim3A_481 = vector.broadcast %broadcast_in_dim3A_480 : i32 to vector<32x1024xi32>
      %swap3A_482 = arith.constant 0 : index
      %swap3A_483 = arith.constant 0 : index
      %swap3A_484 = vector.load %arg7[%swap3A_482, %swap3A_483] : memref<32x1024xi32, #tpu.memory_space<vmem>>, vector<32x1024xi32>
      tpu.vector_store %arg7[%swap3A_482, %swap3A_483], %broadcast_in_dim3A_481 {strides = array<i32>} : memref<32x1024xi32, #tpu.memory_space<vmem>>, vector<32x1024xi32>,
    } else {
    }
    %get3A = arith.constant 0 : index
    %get3A_2 = arith.constant 0 : index
    %get3A_3 = vector.load %arg2[%get3A, %get3A_2] : memref<1024x64xf32, #tpu.memory_space<vmem>>, vector<1024x64xf32>
    %get3A_4 = arith.constant 0 : index
    %get3A_5 = arith.constant 0 : index
    %get3A_6 = vector.load %arg1[%get3A_4, %get3A_5] : memref<1024x64xf32, #tpu.memory_space<vmem>>, vector<1024x64xf32>
    %dot_general3A = arith.constant dense<0.000000e+00> : vector<1024x1024xf32>
    %dot_general3A_7 = tpu.matmul %get3A_3, %get3A_6, %dot_general3A {dimension_numbers = #tpu.dot_dimension_numbers<[1], [1], [0], [0], [0, 0, 1, 0], [], []>, transpose_lhs_hint = false} : vector<1024x64xf32>, vector<1024x64xf32>, vector<1024x1024xf32> -> vector<1024x1024xf32>
    %mul3A = arith.constant 1024 : i32
    %mul3A_8 = arith.muli %arg0, %mul3A : i32
    %iota3A = tpu.iota {dimensions = array<i32: 0>} : vector<1024x1024xi32>
    %add3A = vector.broadcast %mul3A_8 : i32 to vector<1024x1024xi32>
    %add3A_9 = arith.addi %add3A, %iota3A : vector<1024x1024xi32>
    %lt3A = arith.constant 100000 : i32
    %lt3A_10 = vector.broadcast %lt3A : i32 to vector<1024x1024xi32>
    %lt3A_11 = arith.cmpi slt, %add3A_9, %lt3A_10 : vector<1024x1024xi32>
    %jit3A = arith.constant 0xFF800000 : f32
    %broadcast_in_dim3A = vector.broadcast %jit3A : f32 to vector<1024x1024xf32>
    %select_n3A = arith.select %lt3A_11, %dot_general3A_7, %broadcast_in_dim3A : vector<1024x1024xi1>, vector<1024x1024xf32>
    %iota3A_12 = tpu.iota {dimensions = array<i32: 0>} : vector<32x1024xi32>
    %broadcast_in_dim3A_13 = arith.constant 0xFF800000 : f32
    %broadcast_in_dim3A_14 = vector.broadcast %broadcast_in_dim3A_13 : f32 to vector<32x1024xf32>
    %slice3A = vector.extract_strided_slice %select_n3A {offsets = [0, 0], sizes = [32, 1024], strides = [1, 1]} : vector<1024x1024xf32> to vector<32x1024xf32>
    %swap3A = arith.constant 0 : index
    %swap3A_15 = arith.constant 0 : index
    %swap3A_16 = vector.load %arg8[%swap3A, %swap3A_15] : memref<1024x1024xf32, #tpu.memory_space<vmem>>, vector<32x1024xf32>
    tpu.vector_store %arg8[%swap3A, %swap3A_15], %slice3A {strides = array<i32>} : memref<1024x1024xf32, #tpu.memory_space<vmem>>, vector<32x1024xf32>,
    %reduce_max3A = arith.constant dense<0xFF800000> : vector<1024xf32>
    %reduce_max3A_17 = vector.multi_reduction <maximumf>, %slice3A, %reduce_max3A [0] : vector<32x1024xf32> to vector<1024xf32>
    %broadcast_in_dim3A_18 = vector.shape_cast %reduce_max3A_17 : vector<1024xf32> to vector<1x1024xf32>
    %eq3A_19 = arith.constant 0 : i32
    %eq3A_20 = vector.broadcast %eq3A_19 : i32 to vector<32x1024xi32>
    %eq3A_21 = arith.cmpi eq, %iota3A_12, %eq3A_20 : vector<32x1024xi32>
    %broadcast_in_dim3A_22 = vector.shape_cast %broadcast_in_dim3A_18 : vector<1x1024xf32> to vector<1x1024xf32>
    %broadcast_in_dim3A_23 = vector.broadcast %broadcast_in_dim3A_22 : vector<1x1024xf32> to vector<32x1024xf32>
    %select_n3A_24 = arith.select %eq3A_21, %broadcast_in_dim3A_23, %broadcast_in_dim3A_14 : vector<32x1024xi1>, vector<32x1024xf32>
    %slice3A_25 = vector.extract_strided_slice %select_n3A {offsets = [32, 0], sizes = [32, 1024], strides = [1, 1]} : vector<1024x1024xf32> to vector<32x1024xf32>
    %swap3A_26 = arith.constant 32 : index
    %swap3A_27 = arith.constant 0 : index
    %swap3A_28 = vector.load %arg8[%swap3A_26, %swap3A_27] : memref<1024x1024xf32, #tpu.memory_space<vmem>>, vector<32x1024xf32>
    tpu.vector_store %arg8[%swap3A_26, %swap3A_27], %slice3A_25 {strides = array<i32>} : memref<1024x1024xf32, #tpu.memory_space<vmem>>, vector<32x1024xf32>,
    %reduce_max3A_29 = arith.constant dense<0xFF800000> : vector<1024xf32>
    %reduce_max3A_30 = vector.multi_reduction <maximumf>, %slice3A_25, %reduce_max3A_29 [0] : vector<32x1024xf32> to vector<1024xf32>
    %broadcast_in_dim3A_31 = vector.shape_cast %reduce_max3A_30 : vector<1024xf32> to vector<1x1024xf32>
    %eq3A_32 = arith.constant 1 : i32
    %eq3A_33 = vector.broadcast %eq3A_32 : i32 to vector<32x1024xi32>
    %eq3A_34 = arith.cmpi eq, %iota3A_12, %eq3A_33 : vector<32x1024xi32>
    %broadcast_in_dim3A_35 = vector.shape_cast %broadcast_in_dim3A_31 : vector<1x1024xf32> to vector<1x1024xf32>
    %broadcast_in_dim3A_36 = vector.broadcast %broadcast_in_dim3A_35 : vector<1x1024xf32> to vector<32x1024xf32>
    %select_n3A_37 = arith.select %eq3A_34, %broadcast_in_dim3A_36, %select_n3A_24 : vector<32x1024xi1>, vector<32x1024xf32>
    %slice3A_38 = vector.extract_strided_slice %select_n3A {offsets = [64, 0], sizes = [32, 1024], strides = [1, 1]} : vector<1024x1024xf32> to vector<32x1024xf32>
    %swap3A_39 = arith.constant 64 : index
    %swap3A_40 = arith.constant 0 : index
    %swap3A_41 = vector.load %arg8[%swap3A_39, %swap3A_40] : memref<1024x1024xf32, #tpu.memory_space<vmem>>, vector<32x1024xf32>
    tpu.vector_store %arg8[%swap3A_39, %swap3A_40], %slice3A_38 {strides = array<i32>} : memref<1024x1024xf32, #tpu.memory_space<vmem>>, vector<32x1024xf32>,
    %reduce_max3A_42 = arith.constant dense<0xFF800000> : vector<1024xf32>
    %reduce_max3A_43 = vector.multi_reduction <maximumf>, %slice3A_38, %reduce_max3A_42 [0] : vector<32x1024xf32> to vector<1024xf32>
    %broadcast_in_dim3A_44 = vector.shape_cast %reduce_max3A_43 : vector<1024xf32> to vector<1x1024xf32>
    %eq3A_45 = arith.constant 2 : i32
    %eq3A_46 = vector.broadcast %eq3A_45 : i32 to vector<32x1024xi32>
    %eq3A_47 = arith.cmpi eq, %iota3A_12, %eq3A_46 : vector<32x1024xi32>
    %broadcast_in_dim3A_48 = vector.shape_cast %broadcast_in_dim3A_44 : vector<1x1024xf32> to vector<1x1024xf32>
    %broadcast_in_dim3A_49 = vector.broadcast %broadcast_in_dim3A_48 : vector<1x1024xf32> to vector<32x1024xf32>
    %select_n3A_50 = arith.select %eq3A_47, %broadcast_in_dim3A_49, %select_n3A_37 : vector<32x1024xi1>, vector<32x1024xf32>
    %slice3A_51 = vector.extract_strided_slice %select_n3A {offsets = [96, 0], sizes = [32, 1024], strides = [1, 1]} : vector<1024x1024xf32> to vector<32x1024xf32>
    %swap3A_52 = arith.constant 96 : index
    %swap3A_53 = arith.constant 0 : index
    %swap3A_54 = vector.load %arg8[%swap3A_52, %swap3A_53] : memref<1024x1024xf32, #tpu.memory_space<vmem>>, vector<32x1024xf32>
    tpu.vector_store %arg8[%swap3A_52, %swap3A_53], %slice3A_51 {strides = array<i32>} : memref<1024x1024xf32, #tpu.memory_space<vmem>>, vector<32x1024xf32>,
    %reduce_max3A_55 = arith.constant dense<0xFF800000> : vector<1024xf32>
    %reduce_max3A_56 = vector.multi_reduction <maximumf>, %slice3A_51, %reduce_max3A_55 [0] : vector<32x1024xf32> to vector<1024xf32>
    %broadcast_in_dim3A_57 = vector.shape_cast %reduce_max3A_56 : vector<1024xf32> to vector<1x1024xf32>
    %eq3A_58 = arith.constant 3 : i32
    %eq3A_59 = vector.broadcast %eq3A_58 : i32 to vector<32x1024xi32>
    %eq3A_60 = arith.cmpi eq, %iota3A_12, %eq3A_59 : vector<32x1024xi32>
    %broadcast_in_dim3A_61 = vector.shape_cast %broadcast_in_dim3A_57 : vector<1x1024xf32> to vector<1x1024xf32>
    %broadcast_in_dim3A_62 = vector.broadcast %broadcast_in_dim3A_61 : vector<1x1024xf32> to vector<32x1024xf32>
    %select_n3A_63 = arith.select %eq3A_60, %broadcast_in_dim3A_62, %select_n3A_50 : vector<32x1024xi1>, vector<32x1024xf32>
    %slice3A_64 = vector.extract_strided_slice %select_n3A {offsets = [128, 0], sizes = [32, 1024], strides = [1, 1]} : vector<1024x1024xf32> to vector<32x1024xf32>
    %swap3A_65 = arith.constant 128 : index
    %swap3A_66 = arith.constant 0 : index
    %swap3A_67 = vector.load %arg8[%swap3A_65, %swap3A_66] : memref<1024x1024xf32, #tpu.memory_space<vmem>>, vector<32x1024xf32>
    tpu.vector_store %arg8[%swap3A_65, %swap3A_66], %slice3A_64 {strides = array<i32>} : memref<1024x1024xf32, #tpu.memory_space<vmem>>, vector<32x1024xf32>,
    %reduce_max3A_68 = arith.constant dense<0xFF800000> : vector<1024xf32>
    %reduce_max3A_69 = vector.multi_reduction <maximumf>, %slice3A_64, %reduce_max3A_68 [0] : vector<32x1024xf32> to vector<1024xf32>
    %broadcast_in_dim3A_70 = vector.shape_cast %reduce_max3A_69 : vector<1024xf32> to vector<1x1024xf32>
    %eq3A_71 = arith.constant 4 : i32
    %eq3A_72 = vector.broadcast %eq3A_71 : i32 to vector<32x1024xi32>
    %eq3A_73 = arith.cmpi eq, %iota3A_12, %eq3A_72 : vector<32x1024xi32>
    %broadcast_in_dim3A_74 = vector.shape_cast %broadcast_in_dim3A_70 : vector<1x1024xf32> to vector<1x1024xf32>
    %broadcast_in_dim3A_75 = vector.broadcast %broadcast_in_dim3A_74 : vector<1x1024xf32> to vector<32x1024xf32>
    %select_n3A_76 = arith.select %eq3A_73, %broadcast_in_dim3A_75, %select_n3A_63 : vector<32x1024xi1>, vector<32x1024xf32>
    %slice3A_77 = vector.extract_strided_slice %select_n3A {offsets = [160, 0], sizes = [32, 1024], strides = [1, 1]} : vector<1024x1024xf32> to vector<32x1024xf32>
    %swap3A_78 = arith.constant 160 : index
    %swap3A_79 = arith.constant 0 : index
    %swap3A_80 = vector.load %arg8[%swap3A_78, %swap3A_79] : memref<1024x1024xf32, #tpu.memory_space<vmem>>, vector<32x1024xf32>
    tpu.vector_store %arg8[%swap3A_78, %swap3A_79], %slice3A_77 {strides = array<i32>} : memref<1024x1024xf32, #tpu.memory_space<vmem>>, vector<32x1024xf32>,
    %reduce_max3A_81 = arith.constant dense<0xFF800000> : vector<1024xf32>
    %reduce_max3A_82 = vector.multi_reduction <maximumf>, %slice3A_77, %reduce_max3A_81 [0] : vector<32x1024xf32> to vector<1024xf32>
    %broadcast_in_dim3A_83 = vector.shape_cast %reduce_max3A_82 : vector<1024xf32> to vector<1x1024xf32>
    %eq3A_84 = arith.constant 5 : i32
    %eq3A_85 = vector.broadcast %eq3A_84 : i32 to vector<32x1024xi32>
    %eq3A_86 = arith.cmpi eq, %iota3A_12, %eq3A_85 : vector<32x1024xi32>
    %broadcast_in_dim3A_87 = vector.shape_cast %broadcast_in_dim3A_83 : vector<1x1024xf32> to vector<1x1024xf32>
    %broadcast_in_dim3A_88 = vector.broadcast %broadcast_in_dim3A_87 : vector<1x1024xf32> to vector<32x1024xf32>
    %select_n3A_89 = arith.select %eq3A_86, %broadcast_in_dim3A_88, %select_n3A_76 : vector<32x1024xi1>, vector<32x1024xf32>
    %slice3A_90 = vector.extract_strided_slice %select_n3A {offsets = [192, 0], sizes = [32, 1024], strides = [1, 1]} : vector<1024x1024xf32> to vector<32x1024xf32>
    %swap3A_91 = arith.constant 192 : index
    %swap3A_92 = arith.constant 0 : index
    %swap3A_93 = vector.load %arg8[%swap3A_91, %swap3A_92] : memref<1024x1024xf32, #tpu.memory_space<vmem>>, vector<32x1024xf32>
    tpu.vector_store %arg8[%swap3A_91, %swap3A_92], %slice3A_90 {strides = array<i32>} : memref<1024x1024xf32, #tpu.memory_space<vmem>>, vector<32x1024xf32>,
    %reduce_max3A_94 = arith.constant dense<0xFF800000> : vector<1024xf32>
    %reduce_max3A_95 = vector.multi_reduction <maximumf>, %slice3A_90, %reduce_max3A_94 [0] : vector<32x1024xf32> to vector<1024xf32>
    %broadcast_in_dim3A_96 = vector.shape_cast %reduce_max3A_95 : vector<1024xf32> to vector<1x1024xf32>
    %eq3A_97 = arith.constant 6 : i32
    %eq3A_98 = vector.broadcast %eq3A_97 : i32 to vector<32x1024xi32>
    %eq3A_99 = arith.cmpi eq, %iota3A_12, %eq3A_98 : vector<32x1024xi32>
    %broadcast_in_dim3A_100 = vector.shape_cast %broadcast_in_dim3A_96 : vector<1x1024xf32> to vector<1x1024xf32>
    %broadcast_in_dim3A_101 = vector.broadcast %broadcast_in_dim3A_100 : vector<1x1024xf32> to vector<32x1024xf32>
    %select_n3A_102 = arith.select %eq3A_99, %broadcast_in_dim3A_101, %select_n3A_89 : vector<32x1024xi1>, vector<32x1024xf32>
    %slice3A_103 = vector.extract_strided_slice %select_n3A {offsets = [224, 0], sizes = [32, 1024], strides = [1, 1]} : vector<1024x1024xf32> to vector<32x1024xf32>
    %swap3A_104 = arith.constant 224 : index
    %swap3A_105 = arith.constant 0 : index
    %swap3A_106 = vector.load %arg8[%swap3A_104, %swap3A_105] : memref<1024x1024xf32, #tpu.memory_space<vmem>>, vector<32x1024xf32>
    tpu.vector_store %arg8[%swap3A_104, %swap3A_105], %slice3A_103 {strides = array<i32>} : memref<1024x1024xf32, #tpu.memory_space<vmem>>, vector<32x1024xf32>,
    %reduce_max3A_107 = arith.constant dense<0xFF800000> : vector<1024xf32>
    %reduce_max3A_108 = vector.multi_reduction <maximumf>, %slice3A_103, %reduce_max3A_107 [0] : vector<32x1024xf32> to vector<1024xf32>
    %broadcast_in_dim3A_109 = vector.shape_cast %reduce_max3A_108 : vector<1024xf32> to vector<1x1024xf32>
    %eq3A_110 = arith.constant 7 : i32
    %eq3A_111 = vector.broadcast %eq3A_110 : i32 to vector<32x1024xi32>
    %eq3A_112 = arith.cmpi eq, %iota3A_12, %eq3A_111 : vector<32x1024xi32>
    %broadcast_in_dim3A_113 = vector.shape_cast %broadcast_in_dim3A_109 : vector<1x1024xf32> to vector<1x1024xf32>
    %broadcast_in_dim3A_114 = vector.broadcast %broadcast_in_dim3A_113 : vector<1x1024xf32> to vector<32x1024xf32>
    %select_n3A_115 = arith.select %eq3A_112, %broadcast_in_dim3A_114, %select_n3A_102 : vector<32x1024xi1>, vector<32x1024xf32>
    %slice3A_116 = vector.extract_strided_slice %select_n3A {offsets = [256, 0], sizes = [32, 1024], strides = [1, 1]} : vector<1024x1024xf32> to vector<32x1024xf32>
    %swap3A_117 = arith.constant 256 : index
    %swap3A_118 = arith.constant 0 : index
    %swap3A_119 = vector.load %arg8[%swap3A_117, %swap3A_118] : memref<1024x1024xf32, #tpu.memory_space<vmem>>, vector<32x1024xf32>
    tpu.vector_store %arg8[%swap3A_117, %swap3A_118], %slice3A_116 {strides = array<i32>} : memref<1024x1024xf32, #tpu.memory_space<vmem>>, vector<32x1024xf32>,
    %reduce_max3A_120 = arith.constant dense<0xFF800000> : vector<1024xf32>
    %reduce_max3A_121 = vector.multi_reduction <maximumf>, %slice3A_116, %reduce_max3A_120 [0] : vector<32x1024xf32> to vector<1024xf32>
    %broadcast_in_dim3A_122 = vector.shape_cast %reduce_max3A_121 : vector<1024xf32> to vector<1x1024xf32>
    %eq3A_123 = arith.constant 8 : i32
    %eq3A_124 = vector.broadcast %eq3A_123 : i32 to vector<32x1024xi32>
    %eq3A_125 = arith.cmpi eq, %iota3A_12, %eq3A_124 : vector<32x1024xi32>
    %broadcast_in_dim3A_126 = vector.shape_cast %broadcast_in_dim3A_122 : vector<1x1024xf32> to vector<1x1024xf32>
    %broadcast_in_dim3A_127 = vector.broadcast %broadcast_in_dim3A_126 : vector<1x1024xf32> to vector<32x1024xf32>
    %select_n3A_128 = arith.select %eq3A_125, %broadcast_in_dim3A_127, %select_n3A_115 : vector<32x1024xi1>, vector<32x1024xf32>
    %slice3A_129 = vector.extract_strided_slice %select_n3A {offsets = [288, 0], sizes = [32, 1024], strides = [1, 1]} : vector<1024x1024xf32> to vector<32x1024xf32>
    %swap3A_130 = arith.constant 288 : index
    %swap3A_131 = arith.constant 0 : index
    %swap3A_132 = vector.load %arg8[%swap3A_130, %swap3A_131] : memref<1024x1024xf32, #tpu.memory_space<vmem>>, vector<32x1024xf32>
    tpu.vector_store %arg8[%swap3A_130, %swap3A_131], %slice3A_129 {strides = array<i32>} : memref<1024x1024xf32, #tpu.memory_space<vmem>>, vector<32x1024xf32>,
    %reduce_max3A_133 = arith.constant dense<0xFF800000> : vector<1024xf32>
    %reduce_max3A_134 = vector.multi_reduction <maximumf>, %slice3A_129, %reduce_max3A_133 [0] : vector<32x1024xf32> to vector<1024xf32>
    %broadcast_in_dim3A_135 = vector.shape_cast %reduce_max3A_134 : vector<1024xf32> to vector<1x1024xf32>
    %eq3A_136 = arith.constant 9 : i32
    %eq3A_137 = vector.broadcast %eq3A_136 : i32 to vector<32x1024xi32>
    %eq3A_138 = arith.cmpi eq, %iota3A_12, %eq3A_137 : vector<32x1024xi32>
    %broadcast_in_dim3A_139 = vector.shape_cast %broadcast_in_dim3A_135 : vector<1x1024xf32> to vector<1x1024xf32>
    %broadcast_in_dim3A_140 = vector.broadcast %broadcast_in_dim3A_139 : vector<1x1024xf32> to vector<32x1024xf32>
    %select_n3A_141 = arith.select %eq3A_138, %broadcast_in_dim3A_140, %select_n3A_128 : vector<32x1024xi1>, vector<32x1024xf32>
    %slice3A_142 = vector.extract_strided_slice %select_n3A {offsets = [320, 0], sizes = [32, 1024], strides = [1, 1]} : vector<1024x1024xf32> to vector<32x1024xf32>
    %swap3A_143 = arith.constant 320 : index
    %swap3A_144 = arith.constant 0 : index
    %swap3A_145 = vector.load %arg8[%swap3A_143, %swap3A_144] : memref<1024x1024xf32, #tpu.memory_space<vmem>>, vector<32x1024xf32>
    tpu.vector_store %arg8[%swap3A_143, %swap3A_144], %slice3A_142 {strides = array<i32>} : memref<1024x1024xf32, #tpu.memory_space<vmem>>, vector<32x1024xf32>,
    %reduce_max3A_146 = arith.constant dense<0xFF800000> : vector<1024xf32>
    %reduce_max3A_147 = vector.multi_reduction <maximumf>, %slice3A_142, %reduce_max3A_146 [0] : vector<32x1024xf32> to vector<1024xf32>
    %broadcast_in_dim3A_148 = vector.shape_cast %reduce_max3A_147 : vector<1024xf32> to vector<1x1024xf32>
    %eq3A_149 = arith.constant 10 : i32
    %eq3A_150 = vector.broadcast %eq3A_149 : i32 to vector<32x1024xi32>
    %eq3A_151 = arith.cmpi eq, %iota3A_12, %eq3A_150 : vector<32x1024xi32>
    %broadcast_in_dim3A_152 = vector.shape_cast %broadcast_in_dim3A_148 : vector<1x1024xf32> to vector<1x1024xf32>
    %broadcast_in_dim3A_153 = vector.broadcast %broadcast_in_dim3A_152 : vector<1x1024xf32> to vector<32x1024xf32>
    %select_n3A_154 = arith.select %eq3A_151, %broadcast_in_dim3A_153, %select_n3A_141 : vector<32x1024xi1>, vector<32x1024xf32>
    %slice3A_155 = vector.extract_strided_slice %select_n3A {offsets = [352, 0], sizes = [32, 1024], strides = [1, 1]} : vector<1024x1024xf32> to vector<32x1024xf32>
    %swap3A_156 = arith.constant 352 : index
    %swap3A_157 = arith.constant 0 : index
    %swap3A_158 = vector.load %arg8[%swap3A_156, %swap3A_157] : memref<1024x1024xf32, #tpu.memory_space<vmem>>, vector<32x1024xf32>
    tpu.vector_store %arg8[%swap3A_156, %swap3A_157], %slice3A_155 {strides = array<i32>} : memref<1024x1024xf32, #tpu.memory_space<vmem>>, vector<32x1024xf32>,
    %reduce_max3A_159 = arith.constant dense<0xFF800000> : vector<1024xf32>
    %reduce_max3A_160 = vector.multi_reduction <maximumf>, %slice3A_155, %reduce_max3A_159 [0] : vector<32x1024xf32> to vector<1024xf32>
    %broadcast_in_dim3A_161 = vector.shape_cast %reduce_max3A_160 : vector<1024xf32> to vector<1x1024xf32>
    %eq3A_162 = arith.constant 11 : i32
    %eq3A_163 = vector.broadcast %eq3A_162 : i32 to vector<32x1024xi32>
    %eq3A_164 = arith.cmpi eq, %iota3A_12, %eq3A_163 : vector<32x1024xi32>
    %broadcast_in_dim3A_165 = vector.shape_cast %broadcast_in_dim3A_161 : vector<1x1024xf32> to vector<1x1024xf32>
    %broadcast_in_dim3A_166 = vector.broadcast %broadcast_in_dim3A_165 : vector<1x1024xf32> to vector<32x1024xf32>
    %select_n3A_167 = arith.select %eq3A_164, %broadcast_in_dim3A_166, %select_n3A_154 : vector<32x1024xi1>, vector<32x1024xf32>
    %slice3A_168 = vector.extract_strided_slice %select_n3A {offsets = [384, 0], sizes = [32, 1024], strides = [1, 1]} : vector<1024x1024xf32> to vector<32x1024xf32>
    %swap3A_169 = arith.constant 384 : index
    %swap3A_170 = arith.constant 0 : index
    %swap3A_171 = vector.load %arg8[%swap3A_169, %swap3A_170] : memref<1024x1024xf32, #tpu.memory_space<vmem>>, vector<32x1024xf32>
    tpu.vector_store %arg8[%swap3A_169, %swap3A_170], %slice3A_168 {strides = array<i32>} : memref<1024x1024xf32, #tpu.memory_space<vmem>>, vector<32x1024xf32>,
    %reduce_max3A_172 = arith.constant dense<0xFF800000> : vector<1024xf32>
    %reduce_max3A_173 = vector.multi_reduction <maximumf>, %slice3A_168, %reduce_max3A_172 [0] : vector<32x1024xf32> to vector<1024xf32>
    %broadcast_in_dim3A_174 = vector.shape_cast %reduce_max3A_173 : vector<1024xf32> to vector<1x1024xf32>
    %eq3A_175 = arith.constant 12 : i32
    %eq3A_176 = vector.broadcast %eq3A_175 : i32 to vector<32x1024xi32>
    %eq3A_177 = arith.cmpi eq, %iota3A_12, %eq3A_176 : vector<32x1024xi32>
    %broadcast_in_dim3A_178 = vector.shape_cast %broadcast_in_dim3A_174 : vector<1x1024xf32> to vector<1x1024xf32>
    %broadcast_in_dim3A_179 = vector.broadcast %broadcast_in_dim3A_178 : vector<1x1024xf32> to vector<32x1024xf32>
    %select_n3A_180 = arith.select %eq3A_177, %broadcast_in_dim3A_179, %select_n3A_167 : vector<32x1024xi1>, vector<32x1024xf32>
    %slice3A_181 = vector.extract_strided_slice %select_n3A {offsets = [416, 0], sizes = [32, 1024], strides = [1, 1]} : vector<1024x1024xf32> to vector<32x1024xf32>
    %swap3A_182 = arith.constant 416 : index
    %swap3A_183 = arith.constant 0 : index
    %swap3A_184 = vector.load %arg8[%swap3A_182, %swap3A_183] : memref<1024x1024xf32, #tpu.memory_space<vmem>>, vector<32x1024xf32>
    tpu.vector_store %arg8[%swap3A_182, %swap3A_183], %slice3A_181 {strides = array<i32>} : memref<1024x1024xf32, #tpu.memory_space<vmem>>, vector<32x1024xf32>,
    %reduce_max3A_185 = arith.constant dense<0xFF800000> : vector<1024xf32>
    %reduce_max3A_186 = vector.multi_reduction <maximumf>, %slice3A_181, %reduce_max3A_185 [0] : vector<32x1024xf32> to vector<1024xf32>
    %broadcast_in_dim3A_187 = vector.shape_cast %reduce_max3A_186 : vector<1024xf32> to vector<1x1024xf32>
    %eq3A_188 = arith.constant 13 : i32
    %eq3A_189 = vector.broadcast %eq3A_188 : i32 to vector<32x1024xi32>
    %eq3A_190 = arith.cmpi eq, %iota3A_12, %eq3A_189 : vector<32x1024xi32>
    %broadcast_in_dim3A_191 = vector.shape_cast %broadcast_in_dim3A_187 : vector<1x1024xf32> to vector<1x1024xf32>
    %broadcast_in_dim3A_192 = vector.broadcast %broadcast_in_dim3A_191 : vector<1x1024xf32> to vector<32x1024xf32>
    %select_n3A_193 = arith.select %eq3A_190, %broadcast_in_dim3A_192, %select_n3A_180 : vector<32x1024xi1>, vector<32x1024xf32>
    %slice3A_194 = vector.extract_strided_slice %select_n3A {offsets = [448, 0], sizes = [32, 1024], strides = [1, 1]} : vector<1024x1024xf32> to vector<32x1024xf32>
    %swap3A_195 = arith.constant 448 : index
    %swap3A_196 = arith.constant 0 : index
    %swap3A_197 = vector.load %arg8[%swap3A_195, %swap3A_196] : memref<1024x1024xf32, #tpu.memory_space<vmem>>, vector<32x1024xf32>
    tpu.vector_store %arg8[%swap3A_195, %swap3A_196], %slice3A_194 {strides = array<i32>} : memref<1024x1024xf32, #tpu.memory_space<vmem>>, vector<32x1024xf32>,
    %reduce_max3A_198 = arith.constant dense<0xFF800000> : vector<1024xf32>
    %reduce_max3A_199 = vector.multi_reduction <maximumf>, %slice3A_194, %reduce_max3A_198 [0] : vector<32x1024xf32> to vector<1024xf32>
    %broadcast_in_dim3A_200 = vector.shape_cast %reduce_max3A_199 : vector<1024xf32> to vector<1x1024xf32>
    %eq3A_201 = arith.constant 14 : i32
    %eq3A_202 = vector.broadcast %eq3A_201 : i32 to vector<32x1024xi32>
    %eq3A_203 = arith.cmpi eq, %iota3A_12, %eq3A_202 : vector<32x1024xi32>
    %broadcast_in_dim3A_204 = vector.shape_cast %broadcast_in_dim3A_200 : vector<1x1024xf32> to vector<1x1024xf32>
    %broadcast_in_dim3A_205 = vector.broadcast %broadcast_in_dim3A_204 : vector<1x1024xf32> to vector<32x1024xf32>
    %select_n3A_206 = arith.select %eq3A_203, %broadcast_in_dim3A_205, %select_n3A_193 : vector<32x1024xi1>, vector<32x1024xf32>
    %slice3A_207 = vector.extract_strided_slice %select_n3A {offsets = [480, 0], sizes = [32, 1024], strides = [1, 1]} : vector<1024x1024xf32> to vector<32x1024xf32>
    %swap3A_208 = arith.constant 480 : index
    %swap3A_209 = arith.constant 0 : index
    %swap3A_210 = vector.load %arg8[%swap3A_208, %swap3A_209] : memref<1024x1024xf32, #tpu.memory_space<vmem>>, vector<32x1024xf32>
    tpu.vector_store %arg8[%swap3A_208, %swap3A_209], %slice3A_207 {strides = array<i32>} : memref<1024x1024xf32, #tpu.memory_space<vmem>>, vector<32x1024xf32>,
    %reduce_max3A_211 = arith.constant dense<0xFF800000> : vector<1024xf32>
    %reduce_max3A_212 = vector.multi_reduction <maximumf>, %slice3A_207, %reduce_max3A_211 [0] : vector<32x1024xf32> to vector<1024xf32>
    %broadcast_in_dim3A_213 = vector.shape_cast %reduce_max3A_212 : vector<1024xf32> to vector<1x1024xf32>
    %eq3A_214 = arith.constant 15 : i32
    %eq3A_215 = vector.broadcast %eq3A_214 : i32 to vector<32x1024xi32>
    %eq3A_216 = arith.cmpi eq, %iota3A_12, %eq3A_215 : vector<32x1024xi32>
    %broadcast_in_dim3A_217 = vector.shape_cast %broadcast_in_dim3A_213 : vector<1x1024xf32> to vector<1x1024xf32>
    %broadcast_in_dim3A_218 = vector.broadcast %broadcast_in_dim3A_217 : vector<1x1024xf32> to vector<32x1024xf32>
    %select_n3A_219 = arith.select %eq3A_216, %broadcast_in_dim3A_218, %select_n3A_206 : vector<32x1024xi1>, vector<32x1024xf32>
    %slice3A_220 = vector.extract_strided_slice %select_n3A {offsets = [512, 0], sizes = [32, 1024], strides = [1, 1]} : vector<1024x1024xf32> to vector<32x1024xf32>
    %swap3A_221 = arith.constant 512 : index
    %swap3A_222 = arith.constant 0 : index
    %swap3A_223 = vector.load %arg8[%swap3A_221, %swap3A_222] : memref<1024x1024xf32, #tpu.memory_space<vmem>>, vector<32x1024xf32>
    tpu.vector_store %arg8[%swap3A_221, %swap3A_222], %slice3A_220 {strides = array<i32>} : memref<1024x1024xf32, #tpu.memory_space<vmem>>, vector<32x1024xf32>,
    %reduce_max3A_224 = arith.constant dense<0xFF800000> : vector<1024xf32>
    %reduce_max3A_225 = vector.multi_reduction <maximumf>, %slice3A_220, %reduce_max3A_224 [0] : vector<32x1024xf32> to vector<1024xf32>
    %broadcast_in_dim3A_226 = vector.shape_cast %reduce_max3A_225 : vector<1024xf32> to vector<1x1024xf32>
    %eq3A_227 = arith.constant 16 : i32
    %eq3A_228 = vector.broadcast %eq3A_227 : i32 to vector<32x1024xi32>
    %eq3A_229 = arith.cmpi eq, %iota3A_12, %eq3A_228 : vector<32x1024xi32>
    %broadcast_in_dim3A_230 = vector.shape_cast %broadcast_in_dim3A_226 : vector<1x1024xf32> to vector<1x1024xf32>
    %broadcast_in_dim3A_231 = vector.broadcast %broadcast_in_dim3A_230 : vector<1x1024xf32> to vector<32x1024xf32>
    %select_n3A_232 = arith.select %eq3A_229, %broadcast_in_dim3A_231, %select_n3A_219 : vector<32x1024xi1>, vector<32x1024xf32>
    %slice3A_233 = vector.extract_strided_slice %select_n3A {offsets = [544, 0], sizes = [32, 1024], strides = [1, 1]} : vector<1024x1024xf32> to vector<32x1024xf32>
    %swap3A_234 = arith.constant 544 : index
    %swap3A_235 = arith.constant 0 : index
    %swap3A_236 = vector.load %arg8[%swap3A_234, %swap3A_235] : memref<1024x1024xf32, #tpu.memory_space<vmem>>, vector<32x1024xf32>
    tpu.vector_store %arg8[%swap3A_234, %swap3A_235], %slice3A_233 {strides = array<i32>} : memref<1024x1024xf32, #tpu.memory_space<vmem>>, vector<32x1024xf32>,
    %reduce_max3A_237 = arith.constant dense<0xFF800000> : vector<1024xf32>
    %reduce_max3A_238 = vector.multi_reduction <maximumf>, %slice3A_233, %reduce_max3A_237 [0] : vector<32x1024xf32> to vector<1024xf32>
    %broadcast_in_dim3A_239 = vector.shape_cast %reduce_max3A_238 : vector<1024xf32> to vector<1x1024xf32>
    %eq3A_240 = arith.constant 17 : i32
    %eq3A_241 = vector.broadcast %eq3A_240 : i32 to vector<32x1024xi32>
    %eq3A_242 = arith.cmpi eq, %iota3A_12, %eq3A_241 : vector<32x1024xi32>
    %broadcast_in_dim3A_243 = vector.shape_cast %broadcast_in_dim3A_239 : vector<1x1024xf32> to vector<1x1024xf32>
    %broadcast_in_dim3A_244 = vector.broadcast %broadcast_in_dim3A_243 : vector<1x1024xf32> to vector<32x1024xf32>
    %select_n3A_245 = arith.select %eq3A_242, %broadcast_in_dim3A_244, %select_n3A_232 : vector<32x1024xi1>, vector<32x1024xf32>
    %slice3A_246 = vector.extract_strided_slice %select_n3A {offsets = [576, 0], sizes = [32, 1024], strides = [1, 1]} : vector<1024x1024xf32> to vector<32x1024xf32>
    %swap3A_247 = arith.constant 576 : index
    %swap3A_248 = arith.constant 0 : index
    %swap3A_249 = vector.load %arg8[%swap3A_247, %swap3A_248] : memref<1024x1024xf32, #tpu.memory_space<vmem>>, vector<32x1024xf32>
    tpu.vector_store %arg8[%swap3A_247, %swap3A_248], %slice3A_246 {strides = array<i32>} : memref<1024x1024xf32, #tpu.memory_space<vmem>>, vector<32x1024xf32>,
    %reduce_max3A_250 = arith.constant dense<0xFF800000> : vector<1024xf32>
    %reduce_max3A_251 = vector.multi_reduction <maximumf>, %slice3A_246, %reduce_max3A_250 [0] : vector<32x1024xf32> to vector<1024xf32>
    %broadcast_in_dim3A_252 = vector.shape_cast %reduce_max3A_251 : vector<1024xf32> to vector<1x1024xf32>
    %eq3A_253 = arith.constant 18 : i32
    %eq3A_254 = vector.broadcast %eq3A_253 : i32 to vector<32x1024xi32>
    %eq3A_255 = arith.cmpi eq, %iota3A_12, %eq3A_254 : vector<32x1024xi32>
    %broadcast_in_dim3A_256 = vector.shape_cast %broadcast_in_dim3A_252 : vector<1x1024xf32> to vector<1x1024xf32>
    %broadcast_in_dim3A_257 = vector.broadcast %broadcast_in_dim3A_256 : vector<1x1024xf32> to vector<32x1024xf32>
    %select_n3A_258 = arith.select %eq3A_255, %broadcast_in_dim3A_257, %select_n3A_245 : vector<32x1024xi1>, vector<32x1024xf32>
    %slice3A_259 = vector.extract_strided_slice %select_n3A {offsets = [608, 0], sizes = [32, 1024], strides = [1, 1]} : vector<1024x1024xf32> to vector<32x1024xf32>
    %swap3A_260 = arith.constant 608 : index
    %swap3A_261 = arith.constant 0 : index
    %swap3A_262 = vector.load %arg8[%swap3A_260, %swap3A_261] : memref<1024x1024xf32, #tpu.memory_space<vmem>>, vector<32x1024xf32>
    tpu.vector_store %arg8[%swap3A_260, %swap3A_261], %slice3A_259 {strides = array<i32>} : memref<1024x1024xf32, #tpu.memory_space<vmem>>, vector<32x1024xf32>,
    %reduce_max3A_263 = arith.constant dense<0xFF800000> : vector<1024xf32>
    %reduce_max3A_264 = vector.multi_reduction <maximumf>, %slice3A_259, %reduce_max3A_263 [0] : vector<32x1024xf32> to vector<1024xf32>
    %broadcast_in_dim3A_265 = vector.shape_cast %reduce_max3A_264 : vector<1024xf32> to vector<1x1024xf32>
    %eq3A_266 = arith.constant 19 : i32
    %eq3A_267 = vector.broadcast %eq3A_266 : i32 to vector<32x1024xi32>
    %eq3A_268 = arith.cmpi eq, %iota3A_12, %eq3A_267 : vector<32x1024xi32>
    %broadcast_in_dim3A_269 = vector.shape_cast %broadcast_in_dim3A_265 : vector<1x1024xf32> to vector<1x1024xf32>
    %broadcast_in_dim3A_270 = vector.broadcast %broadcast_in_dim3A_269 : vector<1x1024xf32> to vector<32x1024xf32>
    %select_n3A_271 = arith.select %eq3A_268, %broadcast_in_dim3A_270, %select_n3A_258 : vector<32x1024xi1>, vector<32x1024xf32>
    %slice3A_272 = vector.extract_strided_slice %select_n3A {offsets = [640, 0], sizes = [32, 1024], strides = [1, 1]} : vector<1024x1024xf32> to vector<32x1024xf32>
    %swap3A_273 = arith.constant 640 : index
    %swap3A_274 = arith.constant 0 : index
    %swap3A_275 = vector.load %arg8[%swap3A_273, %swap3A_274] : memref<1024x1024xf32, #tpu.memory_space<vmem>>, vector<32x1024xf32>
    tpu.vector_store %arg8[%swap3A_273, %swap3A_274], %slice3A_272 {strides = array<i32>} : memref<1024x1024xf32, #tpu.memory_space<vmem>>, vector<32x1024xf32>,
    %reduce_max3A_276 = arith.constant dense<0xFF800000> : vector<1024xf32>
    %reduce_max3A_277 = vector.multi_reduction <maximumf>, %slice3A_272, %reduce_max3A_276 [0] : vector<32x1024xf32> to vector<1024xf32>
    %broadcast_in_dim3A_278 = vector.shape_cast %reduce_max3A_277 : vector<1024xf32> to vector<1x1024xf32>
    %eq3A_279 = arith.constant 20 : i32
    %eq3A_280 = vector.broadcast %eq3A_279 : i32 to vector<32x1024xi32>
    %eq3A_281 = arith.cmpi eq, %iota3A_12, %eq3A_280 : vector<32x1024xi32>
    %broadcast_in_dim3A_282 = vector.shape_cast %broadcast_in_dim3A_278 : vector<1x1024xf32> to vector<1x1024xf32>
    %broadcast_in_dim3A_283 = vector.broadcast %broadcast_in_dim3A_282 : vector<1x1024xf32> to vector<32x1024xf32>
    %select_n3A_284 = arith.select %eq3A_281, %broadcast_in_dim3A_283, %select_n3A_271 : vector<32x1024xi1>, vector<32x1024xf32>
    %slice3A_285 = vector.extract_strided_slice %select_n3A {offsets = [672, 0], sizes = [32, 1024], strides = [1, 1]} : vector<1024x1024xf32> to vector<32x1024xf32>
    %swap3A_286 = arith.constant 672 : index
    %swap3A_287 = arith.constant 0 : index
    %swap3A_288 = vector.load %arg8[%swap3A_286, %swap3A_287] : memref<1024x1024xf32, #tpu.memory_space<vmem>>, vector<32x1024xf32>
    tpu.vector_store %arg8[%swap3A_286, %swap3A_287], %slice3A_285 {strides = array<i32>} : memref<1024x1024xf32, #tpu.memory_space<vmem>>, vector<32x1024xf32>,
    %reduce_max3A_289 = arith.constant dense<0xFF800000> : vector<1024xf32>
    %reduce_max3A_290 = vector.multi_reduction <maximumf>, %slice3A_285, %reduce_max3A_289 [0] : vector<32x1024xf32> to vector<1024xf32>
    %broadcast_in_dim3A_291 = vector.shape_cast %reduce_max3A_290 : vector<1024xf32> to vector<1x1024xf32>
    %eq3A_292 = arith.constant 21 : i32
    %eq3A_293 = vector.broadcast %eq3A_292 : i32 to vector<32x1024xi32>
    %eq3A_294 = arith.cmpi eq, %iota3A_12, %eq3A_293 : vector<32x1024xi32>
    %broadcast_in_dim3A_295 = vector.shape_cast %broadcast_in_dim3A_291 : vector<1x1024xf32> to vector<1x1024xf32>
    %broadcast_in_dim3A_296 = vector.broadcast %broadcast_in_dim3A_295 : vector<1x1024xf32> to vector<32x1024xf32>
    %select_n3A_297 = arith.select %eq3A_294, %broadcast_in_dim3A_296, %select_n3A_284 : vector<32x1024xi1>, vector<32x1024xf32>
    %slice3A_298 = vector.extract_strided_slice %select_n3A {offsets = [704, 0], sizes = [32, 1024], strides = [1, 1]} : vector<1024x1024xf32> to vector<32x1024xf32>
    %swap3A_299 = arith.constant 704 : index
    %swap3A_300 = arith.constant 0 : index
    %swap3A_301 = vector.load %arg8[%swap3A_299, %swap3A_300] : memref<1024x1024xf32, #tpu.memory_space<vmem>>, vector<32x1024xf32>
    tpu.vector_store %arg8[%swap3A_299, %swap3A_300], %slice3A_298 {strides = array<i32>} : memref<1024x1024xf32, #tpu.memory_space<vmem>>, vector<32x1024xf32>,
    %reduce_max3A_302 = arith.constant dense<0xFF800000> : vector<1024xf32>
    %reduce_max3A_303 = vector.multi_reduction <maximumf>, %slice3A_298, %reduce_max3A_302 [0] : vector<32x1024xf32> to vector<1024xf32>
    %broadcast_in_dim3A_304 = vector.shape_cast %reduce_max3A_303 : vector<1024xf32> to vector<1x1024xf32>
    %eq3A_305 = arith.constant 22 : i32
    %eq3A_306 = vector.broadcast %eq3A_305 : i32 to vector<32x1024xi32>
    %eq3A_307 = arith.cmpi eq, %iota3A_12, %eq3A_306 : vector<32x1024xi32>
    %broadcast_in_dim3A_308 = vector.shape_cast %broadcast_in_dim3A_304 : vector<1x1024xf32> to vector<1x1024xf32>
    %broadcast_in_dim3A_309 = vector.broadcast %broadcast_in_dim3A_308 : vector<1x1024xf32> to vector<32x1024xf32>
    %select_n3A_310 = arith.select %eq3A_307, %broadcast_in_dim3A_309, %select_n3A_297 : vector<32x1024xi1>, vector<32x1024xf32>
    %slice3A_311 = vector.extract_strided_slice %select_n3A {offsets = [736, 0], sizes = [32, 1024], strides = [1, 1]} : vector<1024x1024xf32> to vector<32x1024xf32>
    %swap3A_312 = arith.constant 736 : index
    %swap3A_313 = arith.constant 0 : index
    %swap3A_314 = vector.load %arg8[%swap3A_312, %swap3A_313] : memref<1024x1024xf32, #tpu.memory_space<vmem>>, vector<32x1024xf32>
    tpu.vector_store %arg8[%swap3A_312, %swap3A_313], %slice3A_311 {strides = array<i32>} : memref<1024x1024xf32, #tpu.memory_space<vmem>>, vector<32x1024xf32>,
    %reduce_max3A_315 = arith.constant dense<0xFF800000> : vector<1024xf32>
    %reduce_max3A_316 = vector.multi_reduction <maximumf>, %slice3A_311, %reduce_max3A_315 [0] : vector<32x1024xf32> to vector<1024xf32>
    %broadcast_in_dim3A_317 = vector.shape_cast %reduce_max3A_316 : vector<1024xf32> to vector<1x1024xf32>
    %eq3A_318 = arith.constant 23 : i32
    %eq3A_319 = vector.broadcast %eq3A_318 : i32 to vector<32x1024xi32>
    %eq3A_320 = arith.cmpi eq, %iota3A_12, %eq3A_319 : vector<32x1024xi32>
    %broadcast_in_dim3A_321 = vector.shape_cast %broadcast_in_dim3A_317 : vector<1x1024xf32> to vector<1x1024xf32>
    %broadcast_in_dim3A_322 = vector.broadcast %broadcast_in_dim3A_321 : vector<1x1024xf32> to vector<32x1024xf32>
    %select_n3A_323 = arith.select %eq3A_320, %broadcast_in_dim3A_322, %select_n3A_310 : vector<32x1024xi1>, vector<32x1024xf32>
    %slice3A_324 = vector.extract_strided_slice %select_n3A {offsets = [768, 0], sizes = [32, 1024], strides = [1, 1]} : vector<1024x1024xf32> to vector<32x1024xf32>
    %swap3A_325 = arith.constant 768 : index
    %swap3A_326 = arith.constant 0 : index
    %swap3A_327 = vector.load %arg8[%swap3A_325, %swap3A_326] : memref<1024x1024xf32, #tpu.memory_space<vmem>>, vector<32x1024xf32>
    tpu.vector_store %arg8[%swap3A_325, %swap3A_326], %slice3A_324 {strides = array<i32>} : memref<1024x1024xf32, #tpu.memory_space<vmem>>, vector<32x1024xf32>,
    %reduce_max3A_328 = arith.constant dense<0xFF800000> : vector<1024xf32>
    %reduce_max3A_329 = vector.multi_reduction <maximumf>, %slice3A_324, %reduce_max3A_328 [0] : vector<32x1024xf32> to vector<1024xf32>
    %broadcast_in_dim3A_330 = vector.shape_cast %reduce_max3A_329 : vector<1024xf32> to vector<1x1024xf32>
    %eq3A_331 = arith.constant 24 : i32
    %eq3A_332 = vector.broadcast %eq3A_331 : i32 to vector<32x1024xi32>
    %eq3A_333 = arith.cmpi eq, %iota3A_12, %eq3A_332 : vector<32x1024xi32>
    %broadcast_in_dim3A_334 = vector.shape_cast %broadcast_in_dim3A_330 : vector<1x1024xf32> to vector<1x1024xf32>
    %broadcast_in_dim3A_335 = vector.broadcast %broadcast_in_dim3A_334 : vector<1x1024xf32> to vector<32x1024xf32>
    %select_n3A_336 = arith.select %eq3A_333, %broadcast_in_dim3A_335, %select_n3A_323 : vector<32x1024xi1>, vector<32x1024xf32>
    %slice3A_337 = vector.extract_strided_slice %select_n3A {offsets = [800, 0], sizes = [32, 1024], strides = [1, 1]} : vector<1024x1024xf32> to vector<32x1024xf32>
    %swap3A_338 = arith.constant 800 : index
    %swap3A_339 = arith.constant 0 : index
    %swap3A_340 = vector.load %arg8[%swap3A_338, %swap3A_339] : memref<1024x1024xf32, #tpu.memory_space<vmem>>, vector<32x1024xf32>
    tpu.vector_store %arg8[%swap3A_338, %swap3A_339], %slice3A_337 {strides = array<i32>} : memref<1024x1024xf32, #tpu.memory_space<vmem>>, vector<32x1024xf32>,
    %reduce_max3A_341 = arith.constant dense<0xFF800000> : vector<1024xf32>
    %reduce_max3A_342 = vector.multi_reduction <maximumf>, %slice3A_337, %reduce_max3A_341 [0] : vector<32x1024xf32> to vector<1024xf32>
    %broadcast_in_dim3A_343 = vector.shape_cast %reduce_max3A_342 : vector<1024xf32> to vector<1x1024xf32>
    %eq3A_344 = arith.constant 25 : i32
    %eq3A_345 = vector.broadcast %eq3A_344 : i32 to vector<32x1024xi32>
    %eq3A_346 = arith.cmpi eq, %iota3A_12, %eq3A_345 : vector<32x1024xi32>
    %broadcast_in_dim3A_347 = vector.shape_cast %broadcast_in_dim3A_343 : vector<1x1024xf32> to vector<1x1024xf32>
    %broadcast_in_dim3A_348 = vector.broadcast %broadcast_in_dim3A_347 : vector<1x1024xf32> to vector<32x1024xf32>
    %select_n3A_349 = arith.select %eq3A_346, %broadcast_in_dim3A_348, %select_n3A_336 : vector<32x1024xi1>, vector<32x1024xf32>
    %slice3A_350 = vector.extract_strided_slice %select_n3A {offsets = [832, 0], sizes = [32, 1024], strides = [1, 1]} : vector<1024x1024xf32> to vector<32x1024xf32>
    %swap3A_351 = arith.constant 832 : index
    %swap3A_352 = arith.constant 0 : index
    %swap3A_353 = vector.load %arg8[%swap3A_351, %swap3A_352] : memref<1024x1024xf32, #tpu.memory_space<vmem>>, vector<32x1024xf32>
    tpu.vector_store %arg8[%swap3A_351, %swap3A_352], %slice3A_350 {strides = array<i32>} : memref<1024x1024xf32, #tpu.memory_space<vmem>>, vector<32x1024xf32>,
    %reduce_max3A_354 = arith.constant dense<0xFF800000> : vector<1024xf32>
    %reduce_max3A_355 = vector.multi_reduction <maximumf>, %slice3A_350, %reduce_max3A_354 [0] : vector<32x1024xf32> to vector<1024xf32>
    %broadcast_in_dim3A_356 = vector.shape_cast %reduce_max3A_355 : vector<1024xf32> to vector<1x1024xf32>
    %eq3A_357 = arith.constant 26 : i32
    %eq3A_358 = vector.broadcast %eq3A_357 : i32 to vector<32x1024xi32>
    %eq3A_359 = arith.cmpi eq, %iota3A_12, %eq3A_358 : vector<32x1024xi32>
    %broadcast_in_dim3A_360 = vector.shape_cast %broadcast_in_dim3A_356 : vector<1x1024xf32> to vector<1x1024xf32>
    %broadcast_in_dim3A_361 = vector.broadcast %broadcast_in_dim3A_360 : vector<1x1024xf32> to vector<32x1024xf32>
    %select_n3A_362 = arith.select %eq3A_359, %broadcast_in_dim3A_361, %select_n3A_349 : vector<32x1024xi1>, vector<32x1024xf32>
    %slice3A_363 = vector.extract_strided_slice %select_n3A {offsets = [864, 0], sizes = [32, 1024], strides = [1, 1]} : vector<1024x1024xf32> to vector<32x1024xf32>
    %swap3A_364 = arith.constant 864 : index
    %swap3A_365 = arith.constant 0 : index
    %swap3A_366 = vector.load %arg8[%swap3A_364, %swap3A_365] : memref<1024x1024xf32, #tpu.memory_space<vmem>>, vector<32x1024xf32>
    tpu.vector_store %arg8[%swap3A_364, %swap3A_365], %slice3A_363 {strides = array<i32>} : memref<1024x1024xf32, #tpu.memory_space<vmem>>, vector<32x1024xf32>,
    %reduce_max3A_367 = arith.constant dense<0xFF800000> : vector<1024xf32>
    %reduce_max3A_368 = vector.multi_reduction <maximumf>, %slice3A_363, %reduce_max3A_367 [0] : vector<32x1024xf32> to vector<1024xf32>
    %broadcast_in_dim3A_369 = vector.shape_cast %reduce_max3A_368 : vector<1024xf32> to vector<1x1024xf32>
    %eq3A_370 = arith.constant 27 : i32
    %eq3A_371 = vector.broadcast %eq3A_370 : i32 to vector<32x1024xi32>
    %eq3A_372 = arith.cmpi eq, %iota3A_12, %eq3A_371 : vector<32x1024xi32>
    %broadcast_in_dim3A_373 = vector.shape_cast %broadcast_in_dim3A_369 : vector<1x1024xf32> to vector<1x1024xf32>
    %broadcast_in_dim3A_374 = vector.broadcast %broadcast_in_dim3A_373 : vector<1x1024xf32> to vector<32x1024xf32>
    %select_n3A_375 = arith.select %eq3A_372, %broadcast_in_dim3A_374, %select_n3A_362 : vector<32x1024xi1>, vector<32x1024xf32>
    %slice3A_376 = vector.extract_strided_slice %select_n3A {offsets = [896, 0], sizes = [32, 1024], strides = [1, 1]} : vector<1024x1024xf32> to vector<32x1024xf32>
    %swap3A_377 = arith.constant 896 : index
    %swap3A_378 = arith.constant 0 : index
    %swap3A_379 = vector.load %arg8[%swap3A_377, %swap3A_378] : memref<1024x1024xf32, #tpu.memory_space<vmem>>, vector<32x1024xf32>
    tpu.vector_store %arg8[%swap3A_377, %swap3A_378], %slice3A_376 {strides = array<i32>} : memref<1024x1024xf32, #tpu.memory_space<vmem>>, vector<32x1024xf32>,
    %reduce_max3A_380 = arith.constant dense<0xFF800000> : vector<1024xf32>
    %reduce_max3A_381 = vector.multi_reduction <maximumf>, %slice3A_376, %reduce_max3A_380 [0] : vector<32x1024xf32> to vector<1024xf32>
    %broadcast_in_dim3A_382 = vector.shape_cast %reduce_max3A_381 : vector<1024xf32> to vector<1x1024xf32>
    %eq3A_383 = arith.constant 28 : i32
    %eq3A_384 = vector.broadcast %eq3A_383 : i32 to vector<32x1024xi32>
    %eq3A_385 = arith.cmpi eq, %iota3A_12, %eq3A_384 : vector<32x1024xi32>
    %broadcast_in_dim3A_386 = vector.shape_cast %broadcast_in_dim3A_382 : vector<1x1024xf32> to vector<1x1024xf32>
    %broadcast_in_dim3A_387 = vector.broadcast %broadcast_in_dim3A_386 : vector<1x1024xf32> to vector<32x1024xf32>
    %select_n3A_388 = arith.select %eq3A_385, %broadcast_in_dim3A_387, %select_n3A_375 : vector<32x1024xi1>, vector<32x1024xf32>
    %slice3A_389 = vector.extract_strided_slice %select_n3A {offsets = [928, 0], sizes = [32, 1024], strides = [1, 1]} : vector<1024x1024xf32> to vector<32x1024xf32>
    %swap3A_390 = arith.constant 928 : index
    %swap3A_391 = arith.constant 0 : index
    %swap3A_392 = vector.load %arg8[%swap3A_390, %swap3A_391] : memref<1024x1024xf32, #tpu.memory_space<vmem>>, vector<32x1024xf32>
    tpu.vector_store %arg8[%swap3A_390, %swap3A_391], %slice3A_389 {strides = array<i32>} : memref<1024x1024xf32, #tpu.memory_space<vmem>>, vector<32x1024xf32>,
    %reduce_max3A_393 = arith.constant dense<0xFF800000> : vector<1024xf32>
    %reduce_max3A_394 = vector.multi_reduction <maximumf>, %slice3A_389, %reduce_max3A_393 [0] : vector<32x1024xf32> to vector<1024xf32>
    %broadcast_in_dim3A_395 = vector.shape_cast %reduce_max3A_394 : vector<1024xf32> to vector<1x1024xf32>
    %eq3A_396 = arith.constant 29 : i32
    %eq3A_397 = vector.broadcast %eq3A_396 : i32 to vector<32x1024xi32>
    %eq3A_398 = arith.cmpi eq, %iota3A_12, %eq3A_397 : vector<32x1024xi32>
    %broadcast_in_dim3A_399 = vector.shape_cast %broadcast_in_dim3A_395 : vector<1x1024xf32> to vector<1x1024xf32>
    %broadcast_in_dim3A_400 = vector.broadcast %broadcast_in_dim3A_399 : vector<1x1024xf32> to vector<32x1024xf32>
    %select_n3A_401 = arith.select %eq3A_398, %broadcast_in_dim3A_400, %select_n3A_388 : vector<32x1024xi1>, vector<32x1024xf32>
    %slice3A_402 = vector.extract_strided_slice %select_n3A {offsets = [960, 0], sizes = [32, 1024], strides = [1, 1]} : vector<1024x1024xf32> to vector<32x1024xf32>
    %swap3A_403 = arith.constant 960 : index
    %swap3A_404 = arith.constant 0 : index
    %swap3A_405 = vector.load %arg8[%swap3A_403, %swap3A_404] : memref<1024x1024xf32, #tpu.memory_space<vmem>>, vector<32x1024xf32>
    tpu.vector_store %arg8[%swap3A_403, %swap3A_404], %slice3A_402 {strides = array<i32>} : memref<1024x1024xf32, #tpu.memory_space<vmem>>, vector<32x1024xf32>,
    %reduce_max3A_406 = arith.constant dense<0xFF800000> : vector<1024xf32>
    %reduce_max3A_407 = vector.multi_reduction <maximumf>, %slice3A_402, %reduce_max3A_406 [0] : vector<32x1024xf32> to vector<1024xf32>
    %broadcast_in_dim3A_408 = vector.shape_cast %reduce_max3A_407 : vector<1024xf32> to vector<1x1024xf32>
    %eq3A_409 = arith.constant 30 : i32
    %eq3A_410 = vector.broadcast %eq3A_409 : i32 to vector<32x1024xi32>
    %eq3A_411 = arith.cmpi eq, %iota3A_12, %eq3A_410 : vector<32x1024xi32>
    %broadcast_in_dim3A_412 = vector.shape_cast %broadcast_in_dim3A_408 : vector<1x1024xf32> to vector<1x1024xf32>
    %broadcast_in_dim3A_413 = vector.broadcast %broadcast_in_dim3A_412 : vector<1x1024xf32> to vector<32x1024xf32>
    %select_n3A_414 = arith.select %eq3A_411, %broadcast_in_dim3A_413, %select_n3A_401 : vector<32x1024xi1>, vector<32x1024xf32>
    %slice3A_415 = vector.extract_strided_slice %select_n3A {offsets = [992, 0], sizes = [32, 1024], strides = [1, 1]} : vector<1024x1024xf32> to vector<32x1024xf32>
    %swap3A_416 = arith.constant 992 : index
    %swap3A_417 = arith.constant 0 : index
    %swap3A_418 = vector.load %arg8[%swap3A_416, %swap3A_417] : memref<1024x1024xf32, #tpu.memory_space<vmem>>, vector<32x1024xf32>
    tpu.vector_store %arg8[%swap3A_416, %swap3A_417], %slice3A_415 {strides = array<i32>} : memref<1024x1024xf32, #tpu.memory_space<vmem>>, vector<32x1024xf32>,
    %reduce_max3A_419 = arith.constant dense<0xFF800000> : vector<1024xf32>
    %reduce_max3A_420 = vector.multi_reduction <maximumf>, %slice3A_415, %reduce_max3A_419 [0] : vector<32x1024xf32> to vector<1024xf32>
    %broadcast_in_dim3A_421 = vector.shape_cast %reduce_max3A_420 : vector<1024xf32> to vector<1x1024xf32>
    %eq3A_422 = arith.constant 31 : i32
    %eq3A_423 = vector.broadcast %eq3A_422 : i32 to vector<32x1024xi32>
    %eq3A_424 = arith.cmpi eq, %iota3A_12, %eq3A_423 : vector<32x1024xi32>
    %broadcast_in_dim3A_425 = vector.shape_cast %broadcast_in_dim3A_421 : vector<1x1024xf32> to vector<1x1024xf32>
    %broadcast_in_dim3A_426 = vector.broadcast %broadcast_in_dim3A_425 : vector<1x1024xf32> to vector<32x1024xf32>
    %select_n3A_427 = arith.select %eq3A_424, %broadcast_in_dim3A_426, %select_n3A_414 : vector<32x1024xi1>, vector<32x1024xf32>
    %iota3A_428 = tpu.iota {dimensions = array<i32: 0>} : vector<32x1024xi32>
    %iota3A_429 = tpu.iota {dimensions = array<i32: 0>} : vector<32x1024xi32>
    %broadcast_in_dim3A_430 = arith.constant 0 : i32
    %broadcast_in_dim3A_431 = vector.broadcast %broadcast_in_dim3A_430 : i32 to vector<32x1024xi32>
    %get3A_432 = arith.constant 0 : index
    %get3A_433 = arith.constant 0 : index
    %get3A_434 = vector.load %arg6[%get3A_432, %get3A_433] : memref<32x1024xf32, #tpu.memory_space<vmem>>, vector<32x1024xf32>
    %get3A_435 = arith.constant 0 : index
    %get3A_436 = arith.constant 0 : index
    %get3A_437 = vector.load %arg7[%get3A_435, %get3A_436] : memref<32x1024xi32, #tpu.memory_space<vmem>>, vector<32x1024xi32>
    %scan3A = arith.constant 0 : i32
    %scan3A_438 = arith.constant 8 : i32
    %scan3A_439 = arith.addi %scan3A, %scan3A_438 : i32
    %scan3A_440 = arith.constant 1 : i32
    %scan3A_441:4 = scf.for %scan3A_475 = %scan3A to %scan3A_439 step %scan3A_440 iter_args(%scan3A_476 = %get3A_434, %scan3A_477 = %get3A_437, %scan3A_478 = %select_n3A_427, %scan3A_479 = %broadcast_in_dim3A_431) -> (vector<32x1024xf32>, vector<32x1024xi32>, vector<32x1024xf32>, vector<32x1024xi32>)  : i32 {
      %reduce_min3A_480 = arith.constant dense<0x7F800000> : vector<1024xf32>
      %reduce_min3A_481 = vector.multi_reduction <minimumf>, %scan3A_476, %reduce_min3A_480 [0] : vector<32x1024xf32> to vector<1024xf32>
      %broadcast_in_dim3A_482 = vector.shape_cast %reduce_min3A_481 : vector<1024xf32> to vector<1x1024xf32>
      %reduce_max3A_483 = arith.constant dense<0xFF800000> : vector<1024xf32>
      %reduce_max3A_484 = vector.multi_reduction <maximumf>, %scan3A_478, %reduce_max3A_483 [0] : vector<32x1024xf32> to vector<1024xf32>
      %broadcast_in_dim3A_485 = vector.shape_cast %reduce_max3A_484 : vector<1024xf32> to vector<1x1024xf32>
      %gt3A_486 = arith.cmpf ogt, %broadcast_in_dim3A_485, %broadcast_in_dim3A_482 : vector<1x1024xf32>
      %eq3A_487 = vector.broadcast %broadcast_in_dim3A_485 : vector<1x1024xf32> to vector<32x1024xf32>
      %eq3A_488 = arith.cmpf oeq, %scan3A_478, %eq3A_487 : vector<32x1024xf32>
      %jit3A_489 = arith.constant 32 : i32
      %broadcast_in_dim3A_490 = vector.broadcast %jit3A_489 : i32 to vector<32x1024xi32>
      %select_n3A_491 = arith.select %eq3A_488, %iota3A_12, %broadcast_in_dim3A_490 : vector<32x1024xi1>, vector<32x1024xi32>
      %reduce_min3A_492 = arith.constant dense<2147483647> : vector<1024xi32>
      %reduce_min3A_493 = vector.multi_reduction <minsi>, %select_n3A_491, %reduce_min3A_492 [0] : vector<32x1024xi32> to vector<1024xi32>
      %broadcast_in_dim3A_494 = vector.shape_cast %reduce_min3A_493 : vector<1024xi32> to vector<1x1024xi32>
      %eq3A_495 = vector.broadcast %broadcast_in_dim3A_494 : vector<1x1024xi32> to vector<32x1024xi32>
      %eq3A_496 = arith.cmpi eq, %iota3A_12, %eq3A_495 : vector<32x1024xi32>
      %jit3A_497 = arith.constant 0 : i32
      %broadcast_in_dim3A_498 = vector.broadcast %jit3A_497 : i32 to vector<32x1024xi32>
      %select_n3A_499 = arith.select %eq3A_496, %scan3A_479, %broadcast_in_dim3A_498 : vector<32x1024xi1>, vector<32x1024xi32>
      %reduce_sum3A_500 = arith.constant dense<0> : vector<1024xi32>
      %reduce_sum3A_501 = vector.multi_reduction <add>, %select_n3A_499, %reduce_sum3A_500 [0] : vector<32x1024xi32> to vector<1024xi32>
      %broadcast_in_dim3A_502 = vector.shape_cast %reduce_sum3A_501 : vector<1024xi32> to vector<1x1024xi32>
      %broadcast_in_dim3A_503 = arith.constant 0xFF800000 : f32
      %broadcast_in_dim3A_504 = vector.broadcast %broadcast_in_dim3A_503 : f32 to vector<32x1024xf32>
      %eq3A_505 = arith.constant 0 : i32
      %eq3A_506 = vector.broadcast %eq3A_505 : i32 to vector<1x1024xi32>
      %eq3A_507 = arith.cmpi eq, %broadcast_in_dim3A_494, %eq3A_506 : vector<1x1024xi32>
      %get3A_508 = arith.constant 0 : index
      %get3A_509 = arith.constant 0 : index
      %get3A_510 = vector.load %arg8[%get3A_508, %get3A_509] : memref<1024x1024xf32, #tpu.memory_space<vmem>>, vector<32x1024xf32>
      %broadcast_in_dim3A_511 = vector.shape_cast %eq3A_507 : vector<1x1024xi1> to vector<1x1024xi1>
      %broadcast_in_dim3A_512 = vector.broadcast %broadcast_in_dim3A_511 : vector<1x1024xi1> to vector<32x1024xi1>
      %select_n3A_513 = arith.select %broadcast_in_dim3A_512, %get3A_510, %broadcast_in_dim3A_504 : vector<32x1024xi1>, vector<32x1024xf32>
      %eq3A_514 = arith.constant 1 : i32
      %eq3A_515 = vector.broadcast %eq3A_514 : i32 to vector<1x1024xi32>
      %eq3A_516 = arith.cmpi eq, %broadcast_in_dim3A_494, %eq3A_515 : vector<1x1024xi32>
      %get3A_517 = arith.constant 32 : index
      %get3A_518 = arith.constant 0 : index
      %get3A_519 = vector.load %arg8[%get3A_517, %get3A_518] : memref<1024x1024xf32, #tpu.memory_space<vmem>>, vector<32x1024xf32>
      %broadcast_in_dim3A_520 = vector.shape_cast %eq3A_516 : vector<1x1024xi1> to vector<1x1024xi1>
      %broadcast_in_dim3A_521 = vector.broadcast %broadcast_in_dim3A_520 : vector<1x1024xi1> to vector<32x1024xi1>
      %select_n3A_522 = arith.select %broadcast_in_dim3A_521, %get3A_519, %select_n3A_513 : vector<32x1024xi1>, vector<32x1024xf32>
      %eq3A_523 = arith.constant 2 : i32
      %eq3A_524 = vector.broadcast %eq3A_523 : i32 to vector<1x1024xi32>
      %eq3A_525 = arith.cmpi eq, %broadcast_in_dim3A_494, %eq3A_524 : vector<1x1024xi32>
      %get3A_526 = arith.constant 64 : index
      %get3A_527 = arith.constant 0 : index
      %get3A_528 = vector.load %arg8[%get3A_526, %get3A_527] : memref<1024x1024xf32, #tpu.memory_space<vmem>>, vector<32x1024xf32>
      %broadcast_in_dim3A_529 = vector.shape_cast %eq3A_525 : vector<1x1024xi1> to vector<1x1024xi1>
      %broadcast_in_dim3A_530 = vector.broadcast %broadcast_in_dim3A_529 : vector<1x1024xi1> to vector<32x1024xi1>
      %select_n3A_531 = arith.select %broadcast_in_dim3A_530, %get3A_528, %select_n3A_522 : vector<32x1024xi1>, vector<32x1024xf32>
      %eq3A_532 = arith.constant 3 : i32
      %eq3A_533 = vector.broadcast %eq3A_532 : i32 to vector<1x1024xi32>
      %eq3A_534 = arith.cmpi eq, %broadcast_in_dim3A_494, %eq3A_533 : vector<1x1024xi32>
      %get3A_535 = arith.constant 96 : index
      %get3A_536 = arith.constant 0 : index
      %get3A_537 = vector.load %arg8[%get3A_535, %get3A_536] : memref<1024x1024xf32, #tpu.memory_space<vmem>>, vector<32x1024xf32>
      %broadcast_in_dim3A_538 = vector.shape_cast %eq3A_534 : vector<1x1024xi1> to vector<1x1024xi1>
      %broadcast_in_dim3A_539 = vector.broadcast %broadcast_in_dim3A_538 : vector<1x1024xi1> to vector<32x1024xi1>
      %select_n3A_540 = arith.select %broadcast_in_dim3A_539, %get3A_537, %select_n3A_531 : vector<32x1024xi1>, vector<32x1024xf32>
      %eq3A_541 = arith.constant 4 : i32
      %eq3A_542 = vector.broadcast %eq3A_541 : i32 to vector<1x1024xi32>
      %eq3A_543 = arith.cmpi eq, %broadcast_in_dim3A_494, %eq3A_542 : vector<1x1024xi32>
      %get3A_544 = arith.constant 128 : index
      %get3A_545 = arith.constant 0 : index
      %get3A_546 = vector.load %arg8[%get3A_544, %get3A_545] : memref<1024x1024xf32, #tpu.memory_space<vmem>>, vector<32x1024xf32>
      %broadcast_in_dim3A_547 = vector.shape_cast %eq3A_543 : vector<1x1024xi1> to vector<1x1024xi1>
      %broadcast_in_dim3A_548 = vector.broadcast %broadcast_in_dim3A_547 : vector<1x1024xi1> to vector<32x1024xi1>
      %select_n3A_549 = arith.select %broadcast_in_dim3A_548, %get3A_546, %select_n3A_540 : vector<32x1024xi1>, vector<32x1024xf32>
      %eq3A_550 = arith.constant 5 : i32
      %eq3A_551 = vector.broadcast %eq3A_550 : i32 to vector<1x1024xi32>
      %eq3A_552 = arith.cmpi eq, %broadcast_in_dim3A_494, %eq3A_551 : vector<1x1024xi32>
      %get3A_553 = arith.constant 160 : index
      %get3A_554 = arith.constant 0 : index
      %get3A_555 = vector.load %arg8[%get3A_553, %get3A_554] : memref<1024x1024xf32, #tpu.memory_space<vmem>>, vector<32x1024xf32>
      %broadcast_in_dim3A_556 = vector.shape_cast %eq3A_552 : vector<1x1024xi1> to vector<1x1024xi1>
      %broadcast_in_dim3A_557 = vector.broadcast %broadcast_in_dim3A_556 : vector<1x1024xi1> to vector<32x1024xi1>
      %select_n3A_558 = arith.select %broadcast_in_dim3A_557, %get3A_555, %select_n3A_549 : vector<32x1024xi1>, vector<32x1024xf32>
      %eq3A_559 = arith.constant 6 : i32
      %eq3A_560 = vector.broadcast %eq3A_559 : i32 to vector<1x1024xi32>
      %eq3A_561 = arith.cmpi eq, %broadcast_in_dim3A_494, %eq3A_560 : vector<1x1024xi32>
      %get3A_562 = arith.constant 192 : index
      %get3A_563 = arith.constant 0 : index
      %get3A_564 = vector.load %arg8[%get3A_562, %get3A_563] : memref<1024x1024xf32, #tpu.memory_space<vmem>>, vector<32x1024xf32>
      %broadcast_in_dim3A_565 = vector.shape_cast %eq3A_561 : vector<1x1024xi1> to vector<1x1024xi1>
      %broadcast_in_dim3A_566 = vector.broadcast %broadcast_in_dim3A_565 : vector<1x1024xi1> to vector<32x1024xi1>
      %select_n3A_567 = arith.select %broadcast_in_dim3A_566, %get3A_564, %select_n3A_558 : vector<32x1024xi1>, vector<32x1024xf32>
      %eq3A_568 = arith.constant 7 : i32
      %eq3A_569 = vector.broadcast %eq3A_568 : i32 to vector<1x1024xi32>
      %eq3A_570 = arith.cmpi eq, %broadcast_in_dim3A_494, %eq3A_569 : vector<1x1024xi32>
      %get3A_571 = arith.constant 224 : index
      %get3A_572 = arith.constant 0 : index
      %get3A_573 = vector.load %arg8[%get3A_571, %get3A_572] : memref<1024x1024xf32, #tpu.memory_space<vmem>>, vector<32x1024xf32>
      %broadcast_in_dim3A_574 = vector.shape_cast %eq3A_570 : vector<1x1024xi1> to vector<1x1024xi1>
      %broadcast_in_dim3A_575 = vector.broadcast %broadcast_in_dim3A_574 : vector<1x1024xi1> to vector<32x1024xi1>
      %select_n3A_576 = arith.select %broadcast_in_dim3A_575, %get3A_573, %select_n3A_567 : vector<32x1024xi1>, vector<32x1024xf32>
      %eq3A_577 = arith.constant 8 : i32
      %eq3A_578 = vector.broadcast %eq3A_577 : i32 to vector<1x1024xi32>
      %eq3A_579 = arith.cmpi eq, %broadcast_in_dim3A_494, %eq3A_578 : vector<1x1024xi32>
      %get3A_580 = arith.constant 256 : index
      %get3A_581 = arith.constant 0 : index
      %get3A_582 = vector.load %arg8[%get3A_580, %get3A_581] : memref<1024x1024xf32, #tpu.memory_space<vmem>>, vector<32x1024xf32>
      %broadcast_in_dim3A_583 = vector.shape_cast %eq3A_579 : vector<1x1024xi1> to vector<1x1024xi1>
      %broadcast_in_dim3A_584 = vector.broadcast %broadcast_in_dim3A_583 : vector<1x1024xi1> to vector<32x1024xi1>
      %select_n3A_585 = arith.select %broadcast_in_dim3A_584, %get3A_582, %select_n3A_576 : vector<32x1024xi1>, vector<32x1024xf32>
      %eq3A_586 = arith.constant 9 : i32
      %eq3A_587 = vector.broadcast %eq3A_586 : i32 to vector<1x1024xi32>
      %eq3A_588 = arith.cmpi eq, %broadcast_in_dim3A_494, %eq3A_587 : vector<1x1024xi32>
      %get3A_589 = arith.constant 288 : index
      %get3A_590 = arith.constant 0 : index
      %get3A_591 = vector.load %arg8[%get3A_589, %get3A_590] : memref<1024x1024xf32, #tpu.memory_space<vmem>>, vector<32x1024xf32>
      %broadcast_in_dim3A_592 = vector.shape_cast %eq3A_588 : vector<1x1024xi1> to vector<1x1024xi1>
      %broadcast_in_dim3A_593 = vector.broadcast %broadcast_in_dim3A_592 : vector<1x1024xi1> to vector<32x1024xi1>
      %select_n3A_594 = arith.select %broadcast_in_dim3A_593, %get3A_591, %select_n3A_585 : vector<32x1024xi1>, vector<32x1024xf32>
      %eq3A_595 = arith.constant 10 : i32
      %eq3A_596 = vector.broadcast %eq3A_595 : i32 to vector<1x1024xi32>
      %eq3A_597 = arith.cmpi eq, %broadcast_in_dim3A_494, %eq3A_596 : vector<1x1024xi32>
      %get3A_598 = arith.constant 320 : index
      %get3A_599 = arith.constant 0 : index
      %get3A_600 = vector.load %arg8[%get3A_598, %get3A_599] : memref<1024x1024xf32, #tpu.memory_space<vmem>>, vector<32x1024xf32>
      %broadcast_in_dim3A_601 = vector.shape_cast %eq3A_597 : vector<1x1024xi1> to vector<1x1024xi1>
      %broadcast_in_dim3A_602 = vector.broadcast %broadcast_in_dim3A_601 : vector<1x1024xi1> to vector<32x1024xi1>
      %select_n3A_603 = arith.select %broadcast_in_dim3A_602, %get3A_600, %select_n3A_594 : vector<32x1024xi1>, vector<32x1024xf32>
      %eq3A_604 = arith.constant 11 : i32
      %eq3A_605 = vector.broadcast %eq3A_604 : i32 to vector<1x1024xi32>
      %eq3A_606 = arith.cmpi eq, %broadcast_in_dim3A_494, %eq3A_605 : vector<1x1024xi32>
      %get3A_607 = arith.constant 352 : index
      %get3A_608 = arith.constant 0 : index
      %get3A_609 = vector.load %arg8[%get3A_607, %get3A_608] : memref<1024x1024xf32, #tpu.memory_space<vmem>>, vector<32x1024xf32>
      %broadcast_in_dim3A_610 = vector.shape_cast %eq3A_606 : vector<1x1024xi1> to vector<1x1024xi1>
      %broadcast_in_dim3A_611 = vector.broadcast %broadcast_in_dim3A_610 : vector<1x1024xi1> to vector<32x1024xi1>
      %select_n3A_612 = arith.select %broadcast_in_dim3A_611, %get3A_609, %select_n3A_603 : vector<32x1024xi1>, vector<32x1024xf32>
      %eq3A_613 = arith.constant 12 : i32
      %eq3A_614 = vector.broadcast %eq3A_613 : i32 to vector<1x1024xi32>
      %eq3A_615 = arith.cmpi eq, %broadcast_in_dim3A_494, %eq3A_614 : vector<1x1024xi32>
      %get3A_616 = arith.constant 384 : index
      %get3A_617 = arith.constant 0 : index
      %get3A_618 = vector.load %arg8[%get3A_616, %get3A_617] : memref<1024x1024xf32, #tpu.memory_space<vmem>>, vector<32x1024xf32>
      %broadcast_in_dim3A_619 = vector.shape_cast %eq3A_615 : vector<1x1024xi1> to vector<1x1024xi1>
      %broadcast_in_dim3A_620 = vector.broadcast %broadcast_in_dim3A_619 : vector<1x1024xi1> to vector<32x1024xi1>
      %select_n3A_621 = arith.select %broadcast_in_dim3A_620, %get3A_618, %select_n3A_612 : vector<32x1024xi1>, vector<32x1024xf32>
      %eq3A_622 = arith.constant 13 : i32
      %eq3A_623 = vector.broadcast %eq3A_622 : i32 to vector<1x1024xi32>
      %eq3A_624 = arith.cmpi eq, %broadcast_in_dim3A_494, %eq3A_623 : vector<1x1024xi32>
      %get3A_625 = arith.constant 416 : index
      %get3A_626 = arith.constant 0 : index
      %get3A_627 = vector.load %arg8[%get3A_625, %get3A_626] : memref<1024x1024xf32, #tpu.memory_space<vmem>>, vector<32x1024xf32>
      %broadcast_in_dim3A_628 = vector.shape_cast %eq3A_624 : vector<1x1024xi1> to vector<1x1024xi1>
      %broadcast_in_dim3A_629 = vector.broadcast %broadcast_in_dim3A_628 : vector<1x1024xi1> to vector<32x1024xi1>
      %select_n3A_630 = arith.select %broadcast_in_dim3A_629, %get3A_627, %select_n3A_621 : vector<32x1024xi1>, vector<32x1024xf32>
      %eq3A_631 = arith.constant 14 : i32
      %eq3A_632 = vector.broadcast %eq3A_631 : i32 to vector<1x1024xi32>
      %eq3A_633 = arith.cmpi eq, %broadcast_in_dim3A_494, %eq3A_632 : vector<1x1024xi32>
      %get3A_634 = arith.constant 448 : index
      %get3A_635 = arith.constant 0 : index
      %get3A_636 = vector.load %arg8[%get3A_634, %get3A_635] : memref<1024x1024xf32, #tpu.memory_space<vmem>>, vector<32x1024xf32>
      %broadcast_in_dim3A_637 = vector.shape_cast %eq3A_633 : vector<1x1024xi1> to vector<1x1024xi1>
      %broadcast_in_dim3A_638 = vector.broadcast %broadcast_in_dim3A_637 : vector<1x1024xi1> to vector<32x1024xi1>
      %select_n3A_639 = arith.select %broadcast_in_dim3A_638, %get3A_636, %select_n3A_630 : vector<32x1024xi1>, vector<32x1024xf32>
      %eq3A_640 = arith.constant 15 : i32
      %eq3A_641 = vector.broadcast %eq3A_640 : i32 to vector<1x1024xi32>
      %eq3A_642 = arith.cmpi eq, %broadcast_in_dim3A_494, %eq3A_641 : vector<1x1024xi32>
      %get3A_643 = arith.constant 480 : index
      %get3A_644 = arith.constant 0 : index
      %get3A_645 = vector.load %arg8[%get3A_643, %get3A_644] : memref<1024x1024xf32, #tpu.memory_space<vmem>>, vector<32x1024xf32>
      %broadcast_in_dim3A_646 = vector.shape_cast %eq3A_642 : vector<1x1024xi1> to vector<1x1024xi1>
      %broadcast_in_dim3A_647 = vector.broadcast %broadcast_in_dim3A_646 : vector<1x1024xi1> to vector<32x1024xi1>
      %select_n3A_648 = arith.select %broadcast_in_dim3A_647, %get3A_645, %select_n3A_639 : vector<32x1024xi1>, vector<32x1024xf32>
      %eq3A_649 = arith.constant 16 : i32
      %eq3A_650 = vector.broadcast %eq3A_649 : i32 to vector<1x1024xi32>
      %eq3A_651 = arith.cmpi eq, %broadcast_in_dim3A_494, %eq3A_650 : vector<1x1024xi32>
      %get3A_652 = arith.constant 512 : index
      %get3A_653 = arith.constant 0 : index
      %get3A_654 = vector.load %arg8[%get3A_652, %get3A_653] : memref<1024x1024xf32, #tpu.memory_space<vmem>>, vector<32x1024xf32>
      %broadcast_in_dim3A_655 = vector.shape_cast %eq3A_651 : vector<1x1024xi1> to vector<1x1024xi1>
      %broadcast_in_dim3A_656 = vector.broadcast %broadcast_in_dim3A_655 : vector<1x1024xi1> to vector<32x1024xi1>
      %select_n3A_657 = arith.select %broadcast_in_dim3A_656, %get3A_654, %select_n3A_648 : vector<32x1024xi1>, vector<32x1024xf32>
      %eq3A_658 = arith.constant 17 : i32
      %eq3A_659 = vector.broadcast %eq3A_658 : i32 to vector<1x1024xi32>
      %eq3A_660 = arith.cmpi eq, %broadcast_in_dim3A_494, %eq3A_659 : vector<1x1024xi32>
      %get3A_661 = arith.constant 544 : index
      %get3A_662 = arith.constant 0 : index
      %get3A_663 = vector.load %arg8[%get3A_661, %get3A_662] : memref<1024x1024xf32, #tpu.memory_space<vmem>>, vector<32x1024xf32>
      %broadcast_in_dim3A_664 = vector.shape_cast %eq3A_660 : vector<1x1024xi1> to vector<1x1024xi1>
      %broadcast_in_dim3A_665 = vector.broadcast %broadcast_in_dim3A_664 : vector<1x1024xi1> to vector<32x1024xi1>
      %select_n3A_666 = arith.select %broadcast_in_dim3A_665, %get3A_663, %select_n3A_657 : vector<32x1024xi1>, vector<32x1024xf32>
      %eq3A_667 = arith.constant 18 : i32
      %eq3A_668 = vector.broadcast %eq3A_667 : i32 to vector<1x1024xi32>
      %eq3A_669 = arith.cmpi eq, %broadcast_in_dim3A_494, %eq3A_668 : vector<1x1024xi32>
      %get3A_670 = arith.constant 576 : index
      %get3A_671 = arith.constant 0 : index
      %get3A_672 = vector.load %arg8[%get3A_670, %get3A_671] : memref<1024x1024xf32, #tpu.memory_space<vmem>>, vector<32x1024xf32>
      %broadcast_in_dim3A_673 = vector.shape_cast %eq3A_669 : vector<1x1024xi1> to vector<1x1024xi1>
      %broadcast_in_dim3A_674 = vector.broadcast %broadcast_in_dim3A_673 : vector<1x1024xi1> to vector<32x1024xi1>
      %select_n3A_675 = arith.select %broadcast_in_dim3A_674, %get3A_672, %select_n3A_666 : vector<32x1024xi1>, vector<32x1024xf32>
      %eq3A_676 = arith.constant 19 : i32
      %eq3A_677 = vector.broadcast %eq3A_676 : i32 to vector<1x1024xi32>
      %eq3A_678 = arith.cmpi eq, %broadcast_in_dim3A_494, %eq3A_677 : vector<1x1024xi32>
      %get3A_679 = arith.constant 608 : index
      %get3A_680 = arith.constant 0 : index
      %get3A_681 = vector.load %arg8[%get3A_679, %get3A_680] : memref<1024x1024xf32, #tpu.memory_space<vmem>>, vector<32x1024xf32>
      %broadcast_in_dim3A_682 = vector.shape_cast %eq3A_678 : vector<1x1024xi1> to vector<1x1024xi1>
      %broadcast_in_dim3A_683 = vector.broadcast %broadcast_in_dim3A_682 : vector<1x1024xi1> to vector<32x1024xi1>
      %select_n3A_684 = arith.select %broadcast_in_dim3A_683, %get3A_681, %select_n3A_675 : vector<32x1024xi1>, vector<32x1024xf32>
      %eq3A_685 = arith.constant 20 : i32
      %eq3A_686 = vector.broadcast %eq3A_685 : i32 to vector<1x1024xi32>
      %eq3A_687 = arith.cmpi eq, %broadcast_in_dim3A_494, %eq3A_686 : vector<1x1024xi32>
      %get3A_688 = arith.constant 640 : index
      %get3A_689 = arith.constant 0 : index
      %get3A_690 = vector.load %arg8[%get3A_688, %get3A_689] : memref<1024x1024xf32, #tpu.memory_space<vmem>>, vector<32x1024xf32>
      %broadcast_in_dim3A_691 = vector.shape_cast %eq3A_687 : vector<1x1024xi1> to vector<1x1024xi1>
      %broadcast_in_dim3A_692 = vector.broadcast %broadcast_in_dim3A_691 : vector<1x1024xi1> to vector<32x1024xi1>
      %select_n3A_693 = arith.select %broadcast_in_dim3A_692, %get3A_690, %select_n3A_684 : vector<32x1024xi1>, vector<32x1024xf32>
      %eq3A_694 = arith.constant 21 : i32
      %eq3A_695 = vector.broadcast %eq3A_694 : i32 to vector<1x1024xi32>
      %eq3A_696 = arith.cmpi eq, %broadcast_in_dim3A_494, %eq3A_695 : vector<1x1024xi32>
      %get3A_697 = arith.constant 672 : index
      %get3A_698 = arith.constant 0 : index
      %get3A_699 = vector.load %arg8[%get3A_697, %get3A_698] : memref<1024x1024xf32, #tpu.memory_space<vmem>>, vector<32x1024xf32>
      %broadcast_in_dim3A_700 = vector.shape_cast %eq3A_696 : vector<1x1024xi1> to vector<1x1024xi1>
      %broadcast_in_dim3A_701 = vector.broadcast %broadcast_in_dim3A_700 : vector<1x1024xi1> to vector<32x1024xi1>
      %select_n3A_702 = arith.select %broadcast_in_dim3A_701, %get3A_699, %select_n3A_693 : vector<32x1024xi1>, vector<32x1024xf32>
      %eq3A_703 = arith.constant 22 : i32
      %eq3A_704 = vector.broadcast %eq3A_703 : i32 to vector<1x1024xi32>
      %eq3A_705 = arith.cmpi eq, %broadcast_in_dim3A_494, %eq3A_704 : vector<1x1024xi32>
      %get3A_706 = arith.constant 704 : index
      %get3A_707 = arith.constant 0 : index
      %get3A_708 = vector.load %arg8[%get3A_706, %get3A_707] : memref<1024x1024xf32, #tpu.memory_space<vmem>>, vector<32x1024xf32>
      %broadcast_in_dim3A_709 = vector.shape_cast %eq3A_705 : vector<1x1024xi1> to vector<1x1024xi1>
      %broadcast_in_dim3A_710 = vector.broadcast %broadcast_in_dim3A_709 : vector<1x1024xi1> to vector<32x1024xi1>
      %select_n3A_711 = arith.select %broadcast_in_dim3A_710, %get3A_708, %select_n3A_702 : vector<32x1024xi1>, vector<32x1024xf32>
      %eq3A_712 = arith.constant 23 : i32
      %eq3A_713 = vector.broadcast %eq3A_712 : i32 to vector<1x1024xi32>
      %eq3A_714 = arith.cmpi eq, %broadcast_in_dim3A_494, %eq3A_713 : vector<1x1024xi32>
      %get3A_715 = arith.constant 736 : index
      %get3A_716 = arith.constant 0 : index
      %get3A_717 = vector.load %arg8[%get3A_715, %get3A_716] : memref<1024x1024xf32, #tpu.memory_space<vmem>>, vector<32x1024xf32>
      %broadcast_in_dim3A_718 = vector.shape_cast %eq3A_714 : vector<1x1024xi1> to vector<1x1024xi1>
      %broadcast_in_dim3A_719 = vector.broadcast %broadcast_in_dim3A_718 : vector<1x1024xi1> to vector<32x1024xi1>
      %select_n3A_720 = arith.select %broadcast_in_dim3A_719, %get3A_717, %select_n3A_711 : vector<32x1024xi1>, vector<32x1024xf32>
      %eq3A_721 = arith.constant 24 : i32
      %eq3A_722 = vector.broadcast %eq3A_721 : i32 to vector<1x1024xi32>
      %eq3A_723 = arith.cmpi eq, %broadcast_in_dim3A_494, %eq3A_722 : vector<1x1024xi32>
      %get3A_724 = arith.constant 768 : index
      %get3A_725 = arith.constant 0 : index
      %get3A_726 = vector.load %arg8[%get3A_724, %get3A_725] : memref<1024x1024xf32, #tpu.memory_space<vmem>>, vector<32x1024xf32>
      %broadcast_in_dim3A_727 = vector.shape_cast %eq3A_723 : vector<1x1024xi1> to vector<1x1024xi1>
      %broadcast_in_dim3A_728 = vector.broadcast %broadcast_in_dim3A_727 : vector<1x1024xi1> to vector<32x1024xi1>
      %select_n3A_729 = arith.select %broadcast_in_dim3A_728, %get3A_726, %select_n3A_720 : vector<32x1024xi1>, vector<32x1024xf32>
      %eq3A_730 = arith.constant 25 : i32
      %eq3A_731 = vector.broadcast %eq3A_730 : i32 to vector<1x1024xi32>
      %eq3A_732 = arith.cmpi eq, %broadcast_in_dim3A_494, %eq3A_731 : vector<1x1024xi32>
      %get3A_733 = arith.constant 800 : index
      %get3A_734 = arith.constant 0 : index
      %get3A_735 = vector.load %arg8[%get3A_733, %get3A_734] : memref<1024x1024xf32, #tpu.memory_space<vmem>>, vector<32x1024xf32>
      %broadcast_in_dim3A_736 = vector.shape_cast %eq3A_732 : vector<1x1024xi1> to vector<1x1024xi1>
      %broadcast_in_dim3A_737 = vector.broadcast %broadcast_in_dim3A_736 : vector<1x1024xi1> to vector<32x1024xi1>
      %select_n3A_738 = arith.select %broadcast_in_dim3A_737, %get3A_735, %select_n3A_729 : vector<32x1024xi1>, vector<32x1024xf32>
      %eq3A_739 = arith.constant 26 : i32
      %eq3A_740 = vector.broadcast %eq3A_739 : i32 to vector<1x1024xi32>
      %eq3A_741 = arith.cmpi eq, %broadcast_in_dim3A_494, %eq3A_740 : vector<1x1024xi32>
      %get3A_742 = arith.constant 832 : index
      %get3A_743 = arith.constant 0 : index
      %get3A_744 = vector.load %arg8[%get3A_742, %get3A_743] : memref<1024x1024xf32, #tpu.memory_space<vmem>>, vector<32x1024xf32>
      %broadcast_in_dim3A_745 = vector.shape_cast %eq3A_741 : vector<1x1024xi1> to vector<1x1024xi1>
      %broadcast_in_dim3A_746 = vector.broadcast %broadcast_in_dim3A_745 : vector<1x1024xi1> to vector<32x1024xi1>
      %select_n3A_747 = arith.select %broadcast_in_dim3A_746, %get3A_744, %select_n3A_738 : vector<32x1024xi1>, vector<32x1024xf32>
      %eq3A_748 = arith.constant 27 : i32
      %eq3A_749 = vector.broadcast %eq3A_748 : i32 to vector<1x1024xi32>
      %eq3A_750 = arith.cmpi eq, %broadcast_in_dim3A_494, %eq3A_749 : vector<1x1024xi32>
      %get3A_751 = arith.constant 864 : index
      %get3A_752 = arith.constant 0 : index
      %get3A_753 = vector.load %arg8[%get3A_751, %get3A_752] : memref<1024x1024xf32, #tpu.memory_space<vmem>>, vector<32x1024xf32>
      %broadcast_in_dim3A_754 = vector.shape_cast %eq3A_750 : vector<1x1024xi1> to vector<1x1024xi1>
      %broadcast_in_dim3A_755 = vector.broadcast %broadcast_in_dim3A_754 : vector<1x1024xi1> to vector<32x1024xi1>
      %select_n3A_756 = arith.select %broadcast_in_dim3A_755, %get3A_753, %select_n3A_747 : vector<32x1024xi1>, vector<32x1024xf32>
      %eq3A_757 = arith.constant 28 : i32
      %eq3A_758 = vector.broadcast %eq3A_757 : i32 to vector<1x1024xi32>
      %eq3A_759 = arith.cmpi eq, %broadcast_in_dim3A_494, %eq3A_758 : vector<1x1024xi32>
      %get3A_760 = arith.constant 896 : index
      %get3A_761 = arith.constant 0 : index
      %get3A_762 = vector.load %arg8[%get3A_760, %get3A_761] : memref<1024x1024xf32, #tpu.memory_space<vmem>>, vector<32x1024xf32>
      %broadcast_in_dim3A_763 = vector.shape_cast %eq3A_759 : vector<1x1024xi1> to vector<1x1024xi1>
      %broadcast_in_dim3A_764 = vector.broadcast %broadcast_in_dim3A_763 : vector<1x1024xi1> to vector<32x1024xi1>
      %select_n3A_765 = arith.select %broadcast_in_dim3A_764, %get3A_762, %select_n3A_756 : vector<32x1024xi1>, vector<32x1024xf32>
      %eq3A_766 = arith.constant 29 : i32
      %eq3A_767 = vector.broadcast %eq3A_766 : i32 to vector<1x1024xi32>
      %eq3A_768 = arith.cmpi eq, %broadcast_in_dim3A_494, %eq3A_767 : vector<1x1024xi32>
      %get3A_769 = arith.constant 928 : index
      %get3A_770 = arith.constant 0 : index
      %get3A_771 = vector.load %arg8[%get3A_769, %get3A_770] : memref<1024x1024xf32, #tpu.memory_space<vmem>>, vector<32x1024xf32>
      %broadcast_in_dim3A_772 = vector.shape_cast %eq3A_768 : vector<1x1024xi1> to vector<1x1024xi1>
      %broadcast_in_dim3A_773 = vector.broadcast %broadcast_in_dim3A_772 : vector<1x1024xi1> to vector<32x1024xi1>
      %select_n3A_774 = arith.select %broadcast_in_dim3A_773, %get3A_771, %select_n3A_765 : vector<32x1024xi1>, vector<32x1024xf32>
      %eq3A_775 = arith.constant 30 : i32
      %eq3A_776 = vector.broadcast %eq3A_775 : i32 to vector<1x1024xi32>
      %eq3A_777 = arith.cmpi eq, %broadcast_in_dim3A_494, %eq3A_776 : vector<1x1024xi32>
      %get3A_778 = arith.constant 960 : index
      %get3A_779 = arith.constant 0 : index
      %get3A_780 = vector.load %arg8[%get3A_778, %get3A_779] : memref<1024x1024xf32, #tpu.memory_space<vmem>>, vector<32x1024xf32>
      %broadcast_in_dim3A_781 = vector.shape_cast %eq3A_777 : vector<1x1024xi1> to vector<1x1024xi1>
      %broadcast_in_dim3A_782 = vector.broadcast %broadcast_in_dim3A_781 : vector<1x1024xi1> to vector<32x1024xi1>
      %select_n3A_783 = arith.select %broadcast_in_dim3A_782, %get3A_780, %select_n3A_774 : vector<32x1024xi1>, vector<32x1024xf32>
      %eq3A_784 = arith.constant 31 : i32
      %eq3A_785 = vector.broadcast %eq3A_784 : i32 to vector<1x1024xi32>
      %eq3A_786 = arith.cmpi eq, %broadcast_in_dim3A_494, %eq3A_785 : vector<1x1024xi32>
      %get3A_787 = arith.constant 992 : index
      %get3A_788 = arith.constant 0 : index
      %get3A_789 = vector.load %arg8[%get3A_787, %get3A_788] : memref<1024x1024xf32, #tpu.memory_space<vmem>>, vector<32x1024xf32>
      %broadcast_in_dim3A_790 = vector.shape_cast %eq3A_786 : vector<1x1024xi1> to vector<1x1024xi1>
      %broadcast_in_dim3A_791 = vector.broadcast %broadcast_in_dim3A_790 : vector<1x1024xi1> to vector<32x1024xi1>
      %select_n3A_792 = arith.select %broadcast_in_dim3A_791, %get3A_789, %select_n3A_783 : vector<32x1024xi1>, vector<32x1024xf32>
      %eq3A_793 = vector.broadcast %broadcast_in_dim3A_485 : vector<1x1024xf32> to vector<32x1024xf32>
      %eq3A_794 = arith.cmpf oeq, %select_n3A_792, %eq3A_793 : vector<32x1024xf32>
      %ge3A = vector.broadcast %broadcast_in_dim3A_502 : vector<1x1024xi32> to vector<32x1024xi32>
      %ge3A_795 = arith.cmpi sge, %iota3A_428, %ge3A : vector<32x1024xi32>
      %and3A = arith.andi %eq3A_794, %ge3A_795 : vector<32x1024xi1>
      %jit3A_796 = arith.constant 32 : i32
      %broadcast_in_dim3A_797 = vector.broadcast %jit3A_796 : i32 to vector<32x1024xi32>
      %select_n3A_798 = arith.select %and3A, %iota3A_428, %broadcast_in_dim3A_797 : vector<32x1024xi1>, vector<32x1024xi32>
      %reduce_min3A_799 = arith.constant dense<2147483647> : vector<1024xi32>
      %reduce_min3A_800 = vector.multi_reduction <minsi>, %select_n3A_798, %reduce_min3A_799 [0] : vector<32x1024xi32> to vector<1024xi32>
      %broadcast_in_dim3A_801 = vector.shape_cast %reduce_min3A_800 : vector<1024xi32> to vector<1x1024xi32>
      %mul3A_802 = arith.constant 1024 : i32
      %mul3A_803 = arith.muli %arg0, %mul3A_802 : i32
      %mul3A_804 = arith.constant 32 : i32
      %mul3A_805 = vector.broadcast %mul3A_804 : i32 to vector<1x1024xi32>
      %mul3A_806 = arith.muli %broadcast_in_dim3A_494, %mul3A_805 : vector<1x1024xi32>
      %add3A_807 = vector.broadcast %mul3A_803 : i32 to vector<1x1024xi32>
      %add3A_808 = arith.addi %add3A_807, %mul3A_806 : vector<1x1024xi32>
      %add3A_809 = arith.addi %add3A_808, %broadcast_in_dim3A_801 : vector<1x1024xi32>
      %eq3A_810 = vector.broadcast %broadcast_in_dim3A_485 : vector<1x1024xf32> to vector<32x1024xf32>
      %eq3A_811 = arith.cmpf oeq, %select_n3A_792, %eq3A_810 : vector<32x1024xf32>
      %gt3A_812 = vector.broadcast %broadcast_in_dim3A_801 : vector<1x1024xi32> to vector<32x1024xi32>
      %gt3A_813 = arith.cmpi sgt, %iota3A_428, %gt3A_812 : vector<32x1024xi32>
      %and3A_814 = arith.andi %eq3A_811, %gt3A_813 : vector<32x1024xi1>
      %lt3A_815 = vector.broadcast %broadcast_in_dim3A_485 : vector<1x1024xf32> to vector<32x1024xf32>
      %lt3A_816 = arith.cmpf olt, %select_n3A_792, %lt3A_815 : vector<32x1024xf32>
      %jit3A_817 = arith.constant 0xFF800000 : f32
      %broadcast_in_dim3A_818 = vector.broadcast %jit3A_817 : f32 to vector<32x1024xf32>
      %select_n3A_819 = arith.select %lt3A_816, %select_n3A_792, %broadcast_in_dim3A_818 : vector<32x1024xi1>, vector<32x1024xf32>
      %select_n3A_820 = arith.select %and3A_814, %select_n3A_792, %select_n3A_819 : vector<32x1024xi1>, vector<32x1024xf32>
      %reduce_max3A_821 = arith.constant dense<0xFF800000> : vector<1024xf32>
      %reduce_max3A_822 = vector.multi_reduction <maximumf>, %select_n3A_820, %reduce_max3A_821 [0] : vector<32x1024xf32> to vector<1024xf32>
      %broadcast_in_dim3A_823 = vector.shape_cast %reduce_max3A_822 : vector<1024xf32> to vector<1x1024xf32>
      %eq3A_824 = arith.cmpf oeq, %broadcast_in_dim3A_823, %broadcast_in_dim3A_485 : vector<1x1024xf32>
      %add3A_825 = arith.constant 1 : i32
      %add3A_826 = vector.broadcast %add3A_825 : i32 to vector<1x1024xi32>
      %add3A_827 = arith.addi %broadcast_in_dim3A_801, %add3A_826 : vector<1x1024xi32>
      %jit3A_828 = arith.constant 0 : i32
      %broadcast_in_dim3A_829 = vector.broadcast %jit3A_828 : i32 to vector<1x1024xi32>
      %select_n3A_830 = arith.select %eq3A_824, %add3A_827, %broadcast_in_dim3A_829 : vector<1x1024xi1>, vector<1x1024xi32>
      %eq3A_831 = vector.broadcast %broadcast_in_dim3A_494 : vector<1x1024xi32> to vector<32x1024xi32>
      %eq3A_832 = arith.cmpi eq, %iota3A_12, %eq3A_831 : vector<32x1024xi32>
      %and3A_833 = vector.broadcast %gt3A_486 : vector<1x1024xi1> to vector<32x1024xi1>
      %and3A_834 = arith.andi %eq3A_832, %and3A_833 : vector<32x1024xi1>
      %broadcast_in_dim3A_835 = vector.shape_cast %broadcast_in_dim3A_823 : vector<1x1024xf32> to vector<1x1024xf32>
      %broadcast_in_dim3A_836 = vector.broadcast %broadcast_in_dim3A_835 : vector<1x1024xf32> to vector<32x1024xf32>
      %select_n3A_837 = arith.select %and3A_834, %broadcast_in_dim3A_836, %scan3A_478 : vector<32x1024xi1>, vector<32x1024xf32>
      %broadcast_in_dim3A_838 = vector.shape_cast %select_n3A_830 : vector<1x1024xi32> to vector<1x1024xi32>
      %broadcast_in_dim3A_839 = vector.broadcast %broadcast_in_dim3A_838 : vector<1x1024xi32> to vector<32x1024xi32>
      %select_n3A_840 = arith.select %and3A_834, %broadcast_in_dim3A_839, %scan3A_479 : vector<32x1024xi1>, vector<32x1024xi32>
      %eq3A_841 = vector.broadcast %broadcast_in_dim3A_482 : vector<1x1024xf32> to vector<32x1024xf32>
      %eq3A_842 = arith.cmpf oeq, %scan3A_476, %eq3A_841 : vector<32x1024xf32>
      %jit3A_843 = arith.constant 32 : i32
      %broadcast_in_dim3A_844 = vector.broadcast %jit3A_843 : i32 to vector<32x1024xi32>
      %select_n3A_845 = arith.select %eq3A_842, %iota3A_429, %broadcast_in_dim3A_844 : vector<32x1024xi1>, vector<32x1024xi32>
      %reduce_min3A_846 = arith.constant dense<2147483647> : vector<1024xi32>
      %reduce_min3A_847 = vector.multi_reduction <minsi>, %select_n3A_845, %reduce_min3A_846 [0] : vector<32x1024xi32> to vector<1024xi32>
      %broadcast_in_dim3A_848 = vector.shape_cast %reduce_min3A_847 : vector<1024xi32> to vector<1x1024xi32>
      %eq3A_849 = vector.broadcast %broadcast_in_dim3A_848 : vector<1x1024xi32> to vector<32x1024xi32>
      %eq3A_850 = arith.cmpi eq, %iota3A_429, %eq3A_849 : vector<32x1024xi32>
      %and3A_851 = vector.broadcast %gt3A_486 : vector<1x1024xi1> to vector<32x1024xi1>
      %and3A_852 = arith.andi %and3A_851, %eq3A_850 : vector<32x1024xi1>
      %broadcast_in_dim3A_853 = vector.shape_cast %broadcast_in_dim3A_485 : vector<1x1024xf32> to vector<1x1024xf32>
      %broadcast_in_dim3A_854 = vector.broadcast %broadcast_in_dim3A_853 : vector<1x1024xf32> to vector<32x1024xf32>
      %select_n3A_855 = arith.select %and3A_852, %broadcast_in_dim3A_854, %scan3A_476 : vector<32x1024xi1>, vector<32x1024xf32>
      %and3A_856 = vector.broadcast %gt3A_486 : vector<1x1024xi1> to vector<32x1024xi1>
      %and3A_857 = arith.andi %and3A_856, %eq3A_850 : vector<32x1024xi1>
      %broadcast_in_dim3A_858 = vector.shape_cast %add3A_809 : vector<1x1024xi32> to vector<1x1024xi32>
      %broadcast_in_dim3A_859 = vector.broadcast %broadcast_in_dim3A_858 : vector<1x1024xi32> to vector<32x1024xi32>
      %select_n3A_860 = arith.select %and3A_857, %broadcast_in_dim3A_859, %scan3A_477 : vector<32x1024xi1>, vector<32x1024xi32>
      scf.yield %select_n3A_855, %select_n3A_860, %select_n3A_837, %select_n3A_840 : vector<32x1024xf32>, vector<32x1024xi32>, vector<32x1024xf32>, vector<32x1024xi32>
    }
    %swap3A_442 = arith.constant 0 : index
    %swap3A_443 = arith.constant 0 : index
    %swap3A_444 = vector.load %arg6[%swap3A_442, %swap3A_443] : memref<32x1024xf32, #tpu.memory_space<vmem>>, vector<32x1024xf32>
    tpu.vector_store %arg6[%swap3A_442, %swap3A_443], %scan3A_441#0 {strides = array<i32>} : memref<32x1024xf32, #tpu.memory_space<vmem>>, vector<32x1024xf32>,
    %swap3A_445 = arith.constant 0 : index
    %swap3A_446 = arith.constant 0 : index
    %swap3A_447 = vector.load %arg7[%swap3A_445, %swap3A_446] : memref<32x1024xi32, #tpu.memory_space<vmem>>, vector<32x1024xi32>
    tpu.vector_store %arg7[%swap3A_445, %swap3A_446], %scan3A_441#1 {strides = array<i32>} : memref<32x1024xi32, #tpu.memory_space<vmem>>, vector<32x1024xi32>,
    %swap3A_448 = arith.constant 0 : index
    %swap3A_449 = arith.constant 0 : index
    %swap3A_450 = vector.load %arg9[%swap3A_448, %swap3A_449] : memref<32x1024xf32, #tpu.memory_space<vmem>>, vector<32x1024xf32>
    tpu.vector_store %arg9[%swap3A_448, %swap3A_449], %scan3A_441#2 {strides = array<i32>} : memref<32x1024xf32, #tpu.memory_space<vmem>>, vector<32x1024xf32>,
    %swap3A_451 = arith.constant 0 : index
    %swap3A_452 = arith.constant 0 : index
    %swap3A_453 = vector.load %arg10[%swap3A_451, %swap3A_452] : memref<32x1024xi32, #tpu.memory_space<vmem>>, vector<32x1024xi32>
    tpu.vector_store %arg10[%swap3A_451, %swap3A_452], %scan3A_441#3 {strides = array<i32>} : memref<32x1024xi32, #tpu.memory_space<vmem>>, vector<32x1024xi32>,
    %reduce_max3A_454 = arith.constant dense<0xFF800000> : vector<1024xf32>
    %reduce_max3A_455 = vector.multi_reduction <maximumf>, %scan3A_441#2, %reduce_max3A_454 [0] : vector<32x1024xf32> to vector<1024xf32>
    %broadcast_in_dim3A_456 = vector.shape_cast %reduce_max3A_455 : vector<1024xf32> to vector<1x1024xf32>
    %reduce_min3A = arith.constant dense<0x7F800000> : vector<1024xf32>
    %reduce_min3A_457 = vector.multi_reduction <minimumf>, %scan3A_441#0, %reduce_min3A [0] : vector<32x1024xf32> to vector<1024xf32>
    %broadcast_in_dim3A_458 = vector.shape_cast %reduce_min3A_457 : vector<1024xf32> to vector<1x1024xf32>
    %gt3A = arith.cmpf ogt, %broadcast_in_dim3A_456, %broadcast_in_dim3A_458 : vector<1x1024xf32>
    %convert_element_type3A_459 = arith.extui %gt3A : vector<1x1024xi1> to vector<1x1024xi32>
    %reduce_sum3A = vector.shape_cast %convert_element_type3A_459 : vector<1x1024xi32> to vector<1x1x1024xi32>
    %reduce_sum3A_460 = arith.constant dense<0> : vector<1xi32>
    %reduce_sum3A_461 = vector.multi_reduction <add>, %reduce_sum3A, %reduce_sum3A_460 [1, 2] : vector<1x1x1024xi32> to vector<1xi32>
    %reduce_sum3A_462 = vector.shape_cast %reduce_sum3A_461 : vector<1xi32> to vector<1x1x1xi32>
    %reduce_sum3A_463 = vector.extract %reduce_sum3A_462[0, 0, 0] : i32 from vector<1x1x1xi32>
    %broadcast_in_dim3A_464 = vector.broadcast %reduce_sum3A_463 : i32 to vector<1x1xi32>
    %squeeze3A = vector.extract %broadcast_in_dim3A_464[0, 0] : i32 from vector<1x1xi32>
    %gt3A_465 = arith.constant 0 : i32
    %gt3A_466 = arith.cmpi sgt, %squeeze3A, %gt3A_465 : i32
    %convert_element_type3A_467 = arith.extui %gt3A_466 : i1 to i32
    %cond3A_468 = arith.constant 0 : i32
    %cond3A_469 = arith.cmpi ne, %convert_element_type3A_467, %cond3A_468 : i32
    scf.if %cond3A_469 {
      %get3A_475 = arith.constant 0 : index
      %get3A_476 = arith.constant 0 : index
      %get3A_477 = vector.load %arg6[%get3A_475, %get3A_476] : memref<32x1024xf32, #tpu.memory_space<vmem>>, vector<32x1024xf32>
      %get3A_478 = arith.constant 0 : index
      %get3A_479 = arith.constant 0 : index
      %get3A_480 = vector.load %arg7[%get3A_478, %get3A_479] : memref<32x1024xi32, #tpu.memory_space<vmem>>, vector<32x1024xi32>
      %get3A_481 = arith.constant 0 : index
      %get3A_482 = arith.constant 0 : index
      %get3A_483 = vector.load %arg9[%get3A_481, %get3A_482] : memref<32x1024xf32, #tpu.memory_space<vmem>>, vector<32x1024xf32>
      %get3A_484 = arith.constant 0 : index
      %get3A_485 = arith.constant 0 : index
      %get3A_486 = vector.load %arg10[%get3A_484, %get3A_485] : memref<32x1024xi32, #tpu.memory_space<vmem>>, vector<32x1024xi32>
      %scan3A_487 = arith.constant 0 : i32
      %scan3A_488 = arith.constant 24 : i32
      %scan3A_489 = arith.addi %scan3A_487, %scan3A_488 : i32
      %scan3A_490 = arith.constant 1 : i32
      %scan3A_491:4 = scf.for %scan3A_498 = %scan3A_487 to %scan3A_489 step %scan3A_490 iter_args(%scan3A_499 = %get3A_477, %scan3A_500 = %get3A_480, %scan3A_501 = %get3A_483, %scan3A_502 = %get3A_486) -> (vector<32x1024xf32>, vector<32x1024xi32>, vector<32x1024xf32>, vector<32x1024xi32>)  : i32 {
        %reduce_min3A_503 = arith.constant dense<0x7F800000> : vector<1024xf32>
        %reduce_min3A_504 = vector.multi_reduction <minimumf>, %scan3A_499, %reduce_min3A_503 [0] : vector<32x1024xf32> to vector<1024xf32>
        %broadcast_in_dim3A_505 = vector.shape_cast %reduce_min3A_504 : vector<1024xf32> to vector<1x1024xf32>
        %reduce_max3A_506 = arith.constant dense<0xFF800000> : vector<1024xf32>
        %reduce_max3A_507 = vector.multi_reduction <maximumf>, %scan3A_501, %reduce_max3A_506 [0] : vector<32x1024xf32> to vector<1024xf32>
        %broadcast_in_dim3A_508 = vector.shape_cast %reduce_max3A_507 : vector<1024xf32> to vector<1x1024xf32>
        %gt3A_509 = arith.cmpf ogt, %broadcast_in_dim3A_508, %broadcast_in_dim3A_505 : vector<1x1024xf32>
        %eq3A_510 = vector.broadcast %broadcast_in_dim3A_508 : vector<1x1024xf32> to vector<32x1024xf32>
        %eq3A_511 = arith.cmpf oeq, %scan3A_501, %eq3A_510 : vector<32x1024xf32>
        %jit3A_512 = arith.constant 32 : i32
        %broadcast_in_dim3A_513 = vector.broadcast %jit3A_512 : i32 to vector<32x1024xi32>
        %select_n3A_514 = arith.select %eq3A_511, %iota3A_12, %broadcast_in_dim3A_513 : vector<32x1024xi1>, vector<32x1024xi32>
        %reduce_min3A_515 = arith.constant dense<2147483647> : vector<1024xi32>
        %reduce_min3A_516 = vector.multi_reduction <minsi>, %select_n3A_514, %reduce_min3A_515 [0] : vector<32x1024xi32> to vector<1024xi32>
        %broadcast_in_dim3A_517 = vector.shape_cast %reduce_min3A_516 : vector<1024xi32> to vector<1x1024xi32>
        %eq3A_518 = vector.broadcast %broadcast_in_dim3A_517 : vector<1x1024xi32> to vector<32x1024xi32>
        %eq3A_519 = arith.cmpi eq, %iota3A_12, %eq3A_518 : vector<32x1024xi32>
        %jit3A_520 = arith.constant 0 : i32
        %broadcast_in_dim3A_521 = vector.broadcast %jit3A_520 : i32 to vector<32x1024xi32>
        %select_n3A_522 = arith.select %eq3A_519, %scan3A_502, %broadcast_in_dim3A_521 : vector<32x1024xi1>, vector<32x1024xi32>
        %reduce_sum3A_523 = arith.constant dense<0> : vector<1024xi32>
        %reduce_sum3A_524 = vector.multi_reduction <add>, %select_n3A_522, %reduce_sum3A_523 [0] : vector<32x1024xi32> to vector<1024xi32>
        %broadcast_in_dim3A_525 = vector.shape_cast %reduce_sum3A_524 : vector<1024xi32> to vector<1x1024xi32>
        %broadcast_in_dim3A_526 = arith.constant 0xFF800000 : f32
        %broadcast_in_dim3A_527 = vector.broadcast %broadcast_in_dim3A_526 : f32 to vector<32x1024xf32>
        %eq3A_528 = arith.constant 0 : i32
        %eq3A_529 = vector.broadcast %eq3A_528 : i32 to vector<1x1024xi32>
        %eq3A_530 = arith.cmpi eq, %broadcast_in_dim3A_517, %eq3A_529 : vector<1x1024xi32>
        %get3A_531 = arith.constant 0 : index
        %get3A_532 = arith.constant 0 : index
        %get3A_533 = vector.load %arg8[%get3A_531, %get3A_532] : memref<1024x1024xf32, #tpu.memory_space<vmem>>, vector<32x1024xf32>
        %broadcast_in_dim3A_534 = vector.shape_cast %eq3A_530 : vector<1x1024xi1> to vector<1x1024xi1>
        %broadcast_in_dim3A_535 = vector.broadcast %broadcast_in_dim3A_534 : vector<1x1024xi1> to vector<32x1024xi1>
        %select_n3A_536 = arith.select %broadcast_in_dim3A_535, %get3A_533, %broadcast_in_dim3A_527 : vector<32x1024xi1>, vector<32x1024xf32>
        %eq3A_537 = arith.constant 1 : i32
        %eq3A_538 = vector.broadcast %eq3A_537 : i32 to vector<1x1024xi32>
        %eq3A_539 = arith.cmpi eq, %broadcast_in_dim3A_517, %eq3A_538 : vector<1x1024xi32>
        %get3A_540 = arith.constant 32 : index
        %get3A_541 = arith.constant 0 : index
        %get3A_542 = vector.load %arg8[%get3A_540, %get3A_541] : memref<1024x1024xf32, #tpu.memory_space<vmem>>, vector<32x1024xf32>
        %broadcast_in_dim3A_543 = vector.shape_cast %eq3A_539 : vector<1x1024xi1> to vector<1x1024xi1>
        %broadcast_in_dim3A_544 = vector.broadcast %broadcast_in_dim3A_543 : vector<1x1024xi1> to vector<32x1024xi1>
        %select_n3A_545 = arith.select %broadcast_in_dim3A_544, %get3A_542, %select_n3A_536 : vector<32x1024xi1>, vector<32x1024xf32>
        %eq3A_546 = arith.constant 2 : i32
        %eq3A_547 = vector.broadcast %eq3A_546 : i32 to vector<1x1024xi32>
        %eq3A_548 = arith.cmpi eq, %broadcast_in_dim3A_517, %eq3A_547 : vector<1x1024xi32>
        %get3A_549 = arith.constant 64 : index
        %get3A_550 = arith.constant 0 : index
        %get3A_551 = vector.load %arg8[%get3A_549, %get3A_550] : memref<1024x1024xf32, #tpu.memory_space<vmem>>, vector<32x1024xf32>
        %broadcast_in_dim3A_552 = vector.shape_cast %eq3A_548 : vector<1x1024xi1> to vector<1x1024xi1>
        %broadcast_in_dim3A_553 = vector.broadcast %broadcast_in_dim3A_552 : vector<1x1024xi1> to vector<32x1024xi1>
        %select_n3A_554 = arith.select %broadcast_in_dim3A_553, %get3A_551, %select_n3A_545 : vector<32x1024xi1>, vector<32x1024xf32>
        %eq3A_555 = arith.constant 3 : i32
        %eq3A_556 = vector.broadcast %eq3A_555 : i32 to vector<1x1024xi32>
        %eq3A_557 = arith.cmpi eq, %broadcast_in_dim3A_517, %eq3A_556 : vector<1x1024xi32>
        %get3A_558 = arith.constant 96 : index
        %get3A_559 = arith.constant 0 : index
        %get3A_560 = vector.load %arg8[%get3A_558, %get3A_559] : memref<1024x1024xf32, #tpu.memory_space<vmem>>, vector<32x1024xf32>
        %broadcast_in_dim3A_561 = vector.shape_cast %eq3A_557 : vector<1x1024xi1> to vector<1x1024xi1>
        %broadcast_in_dim3A_562 = vector.broadcast %broadcast_in_dim3A_561 : vector<1x1024xi1> to vector<32x1024xi1>
        %select_n3A_563 = arith.select %broadcast_in_dim3A_562, %get3A_560, %select_n3A_554 : vector<32x1024xi1>, vector<32x1024xf32>
        %eq3A_564 = arith.constant 4 : i32
        %eq3A_565 = vector.broadcast %eq3A_564 : i32 to vector<1x1024xi32>
        %eq3A_566 = arith.cmpi eq, %broadcast_in_dim3A_517, %eq3A_565 : vector<1x1024xi32>
        %get3A_567 = arith.constant 128 : index
        %get3A_568 = arith.constant 0 : index
        %get3A_569 = vector.load %arg8[%get3A_567, %get3A_568] : memref<1024x1024xf32, #tpu.memory_space<vmem>>, vector<32x1024xf32>
        %broadcast_in_dim3A_570 = vector.shape_cast %eq3A_566 : vector<1x1024xi1> to vector<1x1024xi1>
        %broadcast_in_dim3A_571 = vector.broadcast %broadcast_in_dim3A_570 : vector<1x1024xi1> to vector<32x1024xi1>
        %select_n3A_572 = arith.select %broadcast_in_dim3A_571, %get3A_569, %select_n3A_563 : vector<32x1024xi1>, vector<32x1024xf32>
        %eq3A_573 = arith.constant 5 : i32
        %eq3A_574 = vector.broadcast %eq3A_573 : i32 to vector<1x1024xi32>
        %eq3A_575 = arith.cmpi eq, %broadcast_in_dim3A_517, %eq3A_574 : vector<1x1024xi32>
        %get3A_576 = arith.constant 160 : index
        %get3A_577 = arith.constant 0 : index
        %get3A_578 = vector.load %arg8[%get3A_576, %get3A_577] : memref<1024x1024xf32, #tpu.memory_space<vmem>>, vector<32x1024xf32>
        %broadcast_in_dim3A_579 = vector.shape_cast %eq3A_575 : vector<1x1024xi1> to vector<1x1024xi1>
        %broadcast_in_dim3A_580 = vector.broadcast %broadcast_in_dim3A_579 : vector<1x1024xi1> to vector<32x1024xi1>
        %select_n3A_581 = arith.select %broadcast_in_dim3A_580, %get3A_578, %select_n3A_572 : vector<32x1024xi1>, vector<32x1024xf32>
        %eq3A_582 = arith.constant 6 : i32
        %eq3A_583 = vector.broadcast %eq3A_582 : i32 to vector<1x1024xi32>
        %eq3A_584 = arith.cmpi eq, %broadcast_in_dim3A_517, %eq3A_583 : vector<1x1024xi32>
        %get3A_585 = arith.constant 192 : index
        %get3A_586 = arith.constant 0 : index
        %get3A_587 = vector.load %arg8[%get3A_585, %get3A_586] : memref<1024x1024xf32, #tpu.memory_space<vmem>>, vector<32x1024xf32>
        %broadcast_in_dim3A_588 = vector.shape_cast %eq3A_584 : vector<1x1024xi1> to vector<1x1024xi1>
        %broadcast_in_dim3A_589 = vector.broadcast %broadcast_in_dim3A_588 : vector<1x1024xi1> to vector<32x1024xi1>
        %select_n3A_590 = arith.select %broadcast_in_dim3A_589, %get3A_587, %select_n3A_581 : vector<32x1024xi1>, vector<32x1024xf32>
        %eq3A_591 = arith.constant 7 : i32
        %eq3A_592 = vector.broadcast %eq3A_591 : i32 to vector<1x1024xi32>
        %eq3A_593 = arith.cmpi eq, %broadcast_in_dim3A_517, %eq3A_592 : vector<1x1024xi32>
        %get3A_594 = arith.constant 224 : index
        %get3A_595 = arith.constant 0 : index
        %get3A_596 = vector.load %arg8[%get3A_594, %get3A_595] : memref<1024x1024xf32, #tpu.memory_space<vmem>>, vector<32x1024xf32>
        %broadcast_in_dim3A_597 = vector.shape_cast %eq3A_593 : vector<1x1024xi1> to vector<1x1024xi1>
        %broadcast_in_dim3A_598 = vector.broadcast %broadcast_in_dim3A_597 : vector<1x1024xi1> to vector<32x1024xi1>
        %select_n3A_599 = arith.select %broadcast_in_dim3A_598, %get3A_596, %select_n3A_590 : vector<32x1024xi1>, vector<32x1024xf32>
        %eq3A_600 = arith.constant 8 : i32
        %eq3A_601 = vector.broadcast %eq3A_600 : i32 to vector<1x1024xi32>
        %eq3A_602 = arith.cmpi eq, %broadcast_in_dim3A_517, %eq3A_601 : vector<1x1024xi32>
        %get3A_603 = arith.constant 256 : index
        %get3A_604 = arith.constant 0 : index
        %get3A_605 = vector.load %arg8[%get3A_603, %get3A_604] : memref<1024x1024xf32, #tpu.memory_space<vmem>>, vector<32x1024xf32>
        %broadcast_in_dim3A_606 = vector.shape_cast %eq3A_602 : vector<1x1024xi1> to vector<1x1024xi1>
        %broadcast_in_dim3A_607 = vector.broadcast %broadcast_in_dim3A_606 : vector<1x1024xi1> to vector<32x1024xi1>
        %select_n3A_608 = arith.select %broadcast_in_dim3A_607, %get3A_605, %select_n3A_599 : vector<32x1024xi1>, vector<32x1024xf32>
        %eq3A_609 = arith.constant 9 : i32
        %eq3A_610 = vector.broadcast %eq3A_609 : i32 to vector<1x1024xi32>
        %eq3A_611 = arith.cmpi eq, %broadcast_in_dim3A_517, %eq3A_610 : vector<1x1024xi32>
        %get3A_612 = arith.constant 288 : index
        %get3A_613 = arith.constant 0 : index
        %get3A_614 = vector.load %arg8[%get3A_612, %get3A_613] : memref<1024x1024xf32, #tpu.memory_space<vmem>>, vector<32x1024xf32>
        %broadcast_in_dim3A_615 = vector.shape_cast %eq3A_611 : vector<1x1024xi1> to vector<1x1024xi1>
        %broadcast_in_dim3A_616 = vector.broadcast %broadcast_in_dim3A_615 : vector<1x1024xi1> to vector<32x1024xi1>
        %select_n3A_617 = arith.select %broadcast_in_dim3A_616, %get3A_614, %select_n3A_608 : vector<32x1024xi1>, vector<32x1024xf32>
        %eq3A_618 = arith.constant 10 : i32
        %eq3A_619 = vector.broadcast %eq3A_618 : i32 to vector<1x1024xi32>
        %eq3A_620 = arith.cmpi eq, %broadcast_in_dim3A_517, %eq3A_619 : vector<1x1024xi32>
        %get3A_621 = arith.constant 320 : index
        %get3A_622 = arith.constant 0 : index
        %get3A_623 = vector.load %arg8[%get3A_621, %get3A_622] : memref<1024x1024xf32, #tpu.memory_space<vmem>>, vector<32x1024xf32>
        %broadcast_in_dim3A_624 = vector.shape_cast %eq3A_620 : vector<1x1024xi1> to vector<1x1024xi1>
        %broadcast_in_dim3A_625 = vector.broadcast %broadcast_in_dim3A_624 : vector<1x1024xi1> to vector<32x1024xi1>
        %select_n3A_626 = arith.select %broadcast_in_dim3A_625, %get3A_623, %select_n3A_617 : vector<32x1024xi1>, vector<32x1024xf32>
        %eq3A_627 = arith.constant 11 : i32
        %eq3A_628 = vector.broadcast %eq3A_627 : i32 to vector<1x1024xi32>
        %eq3A_629 = arith.cmpi eq, %broadcast_in_dim3A_517, %eq3A_628 : vector<1x1024xi32>
        %get3A_630 = arith.constant 352 : index
        %get3A_631 = arith.constant 0 : index
        %get3A_632 = vector.load %arg8[%get3A_630, %get3A_631] : memref<1024x1024xf32, #tpu.memory_space<vmem>>, vector<32x1024xf32>
        %broadcast_in_dim3A_633 = vector.shape_cast %eq3A_629 : vector<1x1024xi1> to vector<1x1024xi1>
        %broadcast_in_dim3A_634 = vector.broadcast %broadcast_in_dim3A_633 : vector<1x1024xi1> to vector<32x1024xi1>
        %select_n3A_635 = arith.select %broadcast_in_dim3A_634, %get3A_632, %select_n3A_626 : vector<32x1024xi1>, vector<32x1024xf32>
        %eq3A_636 = arith.constant 12 : i32
        %eq3A_637 = vector.broadcast %eq3A_636 : i32 to vector<1x1024xi32>
        %eq3A_638 = arith.cmpi eq, %broadcast_in_dim3A_517, %eq3A_637 : vector<1x1024xi32>
        %get3A_639 = arith.constant 384 : index
        %get3A_640 = arith.constant 0 : index
        %get3A_641 = vector.load %arg8[%get3A_639, %get3A_640] : memref<1024x1024xf32, #tpu.memory_space<vmem>>, vector<32x1024xf32>
        %broadcast_in_dim3A_642 = vector.shape_cast %eq3A_638 : vector<1x1024xi1> to vector<1x1024xi1>
        %broadcast_in_dim3A_643 = vector.broadcast %broadcast_in_dim3A_642 : vector<1x1024xi1> to vector<32x1024xi1>
        %select_n3A_644 = arith.select %broadcast_in_dim3A_643, %get3A_641, %select_n3A_635 : vector<32x1024xi1>, vector<32x1024xf32>
        %eq3A_645 = arith.constant 13 : i32
        %eq3A_646 = vector.broadcast %eq3A_645 : i32 to vector<1x1024xi32>
        %eq3A_647 = arith.cmpi eq, %broadcast_in_dim3A_517, %eq3A_646 : vector<1x1024xi32>
        %get3A_648 = arith.constant 416 : index
        %get3A_649 = arith.constant 0 : index
        %get3A_650 = vector.load %arg8[%get3A_648, %get3A_649] : memref<1024x1024xf32, #tpu.memory_space<vmem>>, vector<32x1024xf32>
        %broadcast_in_dim3A_651 = vector.shape_cast %eq3A_647 : vector<1x1024xi1> to vector<1x1024xi1>
        %broadcast_in_dim3A_652 = vector.broadcast %broadcast_in_dim3A_651 : vector<1x1024xi1> to vector<32x1024xi1>
        %select_n3A_653 = arith.select %broadcast_in_dim3A_652, %get3A_650, %select_n3A_644 : vector<32x1024xi1>, vector<32x1024xf32>
        %eq3A_654 = arith.constant 14 : i32
        %eq3A_655 = vector.broadcast %eq3A_654 : i32 to vector<1x1024xi32>
        %eq3A_656 = arith.cmpi eq, %broadcast_in_dim3A_517, %eq3A_655 : vector<1x1024xi32>
        %get3A_657 = arith.constant 448 : index
        %get3A_658 = arith.constant 0 : index
        %get3A_659 = vector.load %arg8[%get3A_657, %get3A_658] : memref<1024x1024xf32, #tpu.memory_space<vmem>>, vector<32x1024xf32>
        %broadcast_in_dim3A_660 = vector.shape_cast %eq3A_656 : vector<1x1024xi1> to vector<1x1024xi1>
        %broadcast_in_dim3A_661 = vector.broadcast %broadcast_in_dim3A_660 : vector<1x1024xi1> to vector<32x1024xi1>
        %select_n3A_662 = arith.select %broadcast_in_dim3A_661, %get3A_659, %select_n3A_653 : vector<32x1024xi1>, vector<32x1024xf32>
        %eq3A_663 = arith.constant 15 : i32
        %eq3A_664 = vector.broadcast %eq3A_663 : i32 to vector<1x1024xi32>
        %eq3A_665 = arith.cmpi eq, %broadcast_in_dim3A_517, %eq3A_664 : vector<1x1024xi32>
        %get3A_666 = arith.constant 480 : index
        %get3A_667 = arith.constant 0 : index
        %get3A_668 = vector.load %arg8[%get3A_666, %get3A_667] : memref<1024x1024xf32, #tpu.memory_space<vmem>>, vector<32x1024xf32>
        %broadcast_in_dim3A_669 = vector.shape_cast %eq3A_665 : vector<1x1024xi1> to vector<1x1024xi1>
        %broadcast_in_dim3A_670 = vector.broadcast %broadcast_in_dim3A_669 : vector<1x1024xi1> to vector<32x1024xi1>
        %select_n3A_671 = arith.select %broadcast_in_dim3A_670, %get3A_668, %select_n3A_662 : vector<32x1024xi1>, vector<32x1024xf32>
        %eq3A_672 = arith.constant 16 : i32
        %eq3A_673 = vector.broadcast %eq3A_672 : i32 to vector<1x1024xi32>
        %eq3A_674 = arith.cmpi eq, %broadcast_in_dim3A_517, %eq3A_673 : vector<1x1024xi32>
        %get3A_675 = arith.constant 512 : index
        %get3A_676 = arith.constant 0 : index
        %get3A_677 = vector.load %arg8[%get3A_675, %get3A_676] : memref<1024x1024xf32, #tpu.memory_space<vmem>>, vector<32x1024xf32>
        %broadcast_in_dim3A_678 = vector.shape_cast %eq3A_674 : vector<1x1024xi1> to vector<1x1024xi1>
        %broadcast_in_dim3A_679 = vector.broadcast %broadcast_in_dim3A_678 : vector<1x1024xi1> to vector<32x1024xi1>
        %select_n3A_680 = arith.select %broadcast_in_dim3A_679, %get3A_677, %select_n3A_671 : vector<32x1024xi1>, vector<32x1024xf32>
        %eq3A_681 = arith.constant 17 : i32
        %eq3A_682 = vector.broadcast %eq3A_681 : i32 to vector<1x1024xi32>
        %eq3A_683 = arith.cmpi eq, %broadcast_in_dim3A_517, %eq3A_682 : vector<1x1024xi32>
        %get3A_684 = arith.constant 544 : index
        %get3A_685 = arith.constant 0 : index
        %get3A_686 = vector.load %arg8[%get3A_684, %get3A_685] : memref<1024x1024xf32, #tpu.memory_space<vmem>>, vector<32x1024xf32>
        %broadcast_in_dim3A_687 = vector.shape_cast %eq3A_683 : vector<1x1024xi1> to vector<1x1024xi1>
        %broadcast_in_dim3A_688 = vector.broadcast %broadcast_in_dim3A_687 : vector<1x1024xi1> to vector<32x1024xi1>
        %select_n3A_689 = arith.select %broadcast_in_dim3A_688, %get3A_686, %select_n3A_680 : vector<32x1024xi1>, vector<32x1024xf32>
        %eq3A_690 = arith.constant 18 : i32
        %eq3A_691 = vector.broadcast %eq3A_690 : i32 to vector<1x1024xi32>
        %eq3A_692 = arith.cmpi eq, %broadcast_in_dim3A_517, %eq3A_691 : vector<1x1024xi32>
        %get3A_693 = arith.constant 576 : index
        %get3A_694 = arith.constant 0 : index
        %get3A_695 = vector.load %arg8[%get3A_693, %get3A_694] : memref<1024x1024xf32, #tpu.memory_space<vmem>>, vector<32x1024xf32>
        %broadcast_in_dim3A_696 = vector.shape_cast %eq3A_692 : vector<1x1024xi1> to vector<1x1024xi1>
        %broadcast_in_dim3A_697 = vector.broadcast %broadcast_in_dim3A_696 : vector<1x1024xi1> to vector<32x1024xi1>
        %select_n3A_698 = arith.select %broadcast_in_dim3A_697, %get3A_695, %select_n3A_689 : vector<32x1024xi1>, vector<32x1024xf32>
        %eq3A_699 = arith.constant 19 : i32
        %eq3A_700 = vector.broadcast %eq3A_699 : i32 to vector<1x1024xi32>
        %eq3A_701 = arith.cmpi eq, %broadcast_in_dim3A_517, %eq3A_700 : vector<1x1024xi32>
        %get3A_702 = arith.constant 608 : index
        %get3A_703 = arith.constant 0 : index
        %get3A_704 = vector.load %arg8[%get3A_702, %get3A_703] : memref<1024x1024xf32, #tpu.memory_space<vmem>>, vector<32x1024xf32>
        %broadcast_in_dim3A_705 = vector.shape_cast %eq3A_701 : vector<1x1024xi1> to vector<1x1024xi1>
        %broadcast_in_dim3A_706 = vector.broadcast %broadcast_in_dim3A_705 : vector<1x1024xi1> to vector<32x1024xi1>
        %select_n3A_707 = arith.select %broadcast_in_dim3A_706, %get3A_704, %select_n3A_698 : vector<32x1024xi1>, vector<32x1024xf32>
        %eq3A_708 = arith.constant 20 : i32
        %eq3A_709 = vector.broadcast %eq3A_708 : i32 to vector<1x1024xi32>
        %eq3A_710 = arith.cmpi eq, %broadcast_in_dim3A_517, %eq3A_709 : vector<1x1024xi32>
        %get3A_711 = arith.constant 640 : index
        %get3A_712 = arith.constant 0 : index
        %get3A_713 = vector.load %arg8[%get3A_711, %get3A_712] : memref<1024x1024xf32, #tpu.memory_space<vmem>>, vector<32x1024xf32>
        %broadcast_in_dim3A_714 = vector.shape_cast %eq3A_710 : vector<1x1024xi1> to vector<1x1024xi1>
        %broadcast_in_dim3A_715 = vector.broadcast %broadcast_in_dim3A_714 : vector<1x1024xi1> to vector<32x1024xi1>
        %select_n3A_716 = arith.select %broadcast_in_dim3A_715, %get3A_713, %select_n3A_707 : vector<32x1024xi1>, vector<32x1024xf32>
        %eq3A_717 = arith.constant 21 : i32
        %eq3A_718 = vector.broadcast %eq3A_717 : i32 to vector<1x1024xi32>
        %eq3A_719 = arith.cmpi eq, %broadcast_in_dim3A_517, %eq3A_718 : vector<1x1024xi32>
        %get3A_720 = arith.constant 672 : index
        %get3A_721 = arith.constant 0 : index
        %get3A_722 = vector.load %arg8[%get3A_720, %get3A_721] : memref<1024x1024xf32, #tpu.memory_space<vmem>>, vector<32x1024xf32>
        %broadcast_in_dim3A_723 = vector.shape_cast %eq3A_719 : vector<1x1024xi1> to vector<1x1024xi1>
        %broadcast_in_dim3A_724 = vector.broadcast %broadcast_in_dim3A_723 : vector<1x1024xi1> to vector<32x1024xi1>
        %select_n3A_725 = arith.select %broadcast_in_dim3A_724, %get3A_722, %select_n3A_716 : vector<32x1024xi1>, vector<32x1024xf32>
        %eq3A_726 = arith.constant 22 : i32
        %eq3A_727 = vector.broadcast %eq3A_726 : i32 to vector<1x1024xi32>
        %eq3A_728 = arith.cmpi eq, %broadcast_in_dim3A_517, %eq3A_727 : vector<1x1024xi32>
        %get3A_729 = arith.constant 704 : index
        %get3A_730 = arith.constant 0 : index
        %get3A_731 = vector.load %arg8[%get3A_729, %get3A_730] : memref<1024x1024xf32, #tpu.memory_space<vmem>>, vector<32x1024xf32>
        %broadcast_in_dim3A_732 = vector.shape_cast %eq3A_728 : vector<1x1024xi1> to vector<1x1024xi1>
        %broadcast_in_dim3A_733 = vector.broadcast %broadcast_in_dim3A_732 : vector<1x1024xi1> to vector<32x1024xi1>
        %select_n3A_734 = arith.select %broadcast_in_dim3A_733, %get3A_731, %select_n3A_725 : vector<32x1024xi1>, vector<32x1024xf32>
        %eq3A_735 = arith.constant 23 : i32
        %eq3A_736 = vector.broadcast %eq3A_735 : i32 to vector<1x1024xi32>
        %eq3A_737 = arith.cmpi eq, %broadcast_in_dim3A_517, %eq3A_736 : vector<1x1024xi32>
        %get3A_738 = arith.constant 736 : index
        %get3A_739 = arith.constant 0 : index
        %get3A_740 = vector.load %arg8[%get3A_738, %get3A_739] : memref<1024x1024xf32, #tpu.memory_space<vmem>>, vector<32x1024xf32>
        %broadcast_in_dim3A_741 = vector.shape_cast %eq3A_737 : vector<1x1024xi1> to vector<1x1024xi1>
        %broadcast_in_dim3A_742 = vector.broadcast %broadcast_in_dim3A_741 : vector<1x1024xi1> to vector<32x1024xi1>
        %select_n3A_743 = arith.select %broadcast_in_dim3A_742, %get3A_740, %select_n3A_734 : vector<32x1024xi1>, vector<32x1024xf32>
        %eq3A_744 = arith.constant 24 : i32
        %eq3A_745 = vector.broadcast %eq3A_744 : i32 to vector<1x1024xi32>
        %eq3A_746 = arith.cmpi eq, %broadcast_in_dim3A_517, %eq3A_745 : vector<1x1024xi32>
        %get3A_747 = arith.constant 768 : index
        %get3A_748 = arith.constant 0 : index
        %get3A_749 = vector.load %arg8[%get3A_747, %get3A_748] : memref<1024x1024xf32, #tpu.memory_space<vmem>>, vector<32x1024xf32>
        %broadcast_in_dim3A_750 = vector.shape_cast %eq3A_746 : vector<1x1024xi1> to vector<1x1024xi1>
        %broadcast_in_dim3A_751 = vector.broadcast %broadcast_in_dim3A_750 : vector<1x1024xi1> to vector<32x1024xi1>
        %select_n3A_752 = arith.select %broadcast_in_dim3A_751, %get3A_749, %select_n3A_743 : vector<32x1024xi1>, vector<32x1024xf32>
        %eq3A_753 = arith.constant 25 : i32
        %eq3A_754 = vector.broadcast %eq3A_753 : i32 to vector<1x1024xi32>
        %eq3A_755 = arith.cmpi eq, %broadcast_in_dim3A_517, %eq3A_754 : vector<1x1024xi32>
        %get3A_756 = arith.constant 800 : index
        %get3A_757 = arith.constant 0 : index
        %get3A_758 = vector.load %arg8[%get3A_756, %get3A_757] : memref<1024x1024xf32, #tpu.memory_space<vmem>>, vector<32x1024xf32>
        %broadcast_in_dim3A_759 = vector.shape_cast %eq3A_755 : vector<1x1024xi1> to vector<1x1024xi1>
        %broadcast_in_dim3A_760 = vector.broadcast %broadcast_in_dim3A_759 : vector<1x1024xi1> to vector<32x1024xi1>
        %select_n3A_761 = arith.select %broadcast_in_dim3A_760, %get3A_758, %select_n3A_752 : vector<32x1024xi1>, vector<32x1024xf32>
        %eq3A_762 = arith.constant 26 : i32
        %eq3A_763 = vector.broadcast %eq3A_762 : i32 to vector<1x1024xi32>
        %eq3A_764 = arith.cmpi eq, %broadcast_in_dim3A_517, %eq3A_763 : vector<1x1024xi32>
        %get3A_765 = arith.constant 832 : index
        %get3A_766 = arith.constant 0 : index
        %get3A_767 = vector.load %arg8[%get3A_765, %get3A_766] : memref<1024x1024xf32, #tpu.memory_space<vmem>>, vector<32x1024xf32>
        %broadcast_in_dim3A_768 = vector.shape_cast %eq3A_764 : vector<1x1024xi1> to vector<1x1024xi1>
        %broadcast_in_dim3A_769 = vector.broadcast %broadcast_in_dim3A_768 : vector<1x1024xi1> to vector<32x1024xi1>
        %select_n3A_770 = arith.select %broadcast_in_dim3A_769, %get3A_767, %select_n3A_761 : vector<32x1024xi1>, vector<32x1024xf32>
        %eq3A_771 = arith.constant 27 : i32
        %eq3A_772 = vector.broadcast %eq3A_771 : i32 to vector<1x1024xi32>
        %eq3A_773 = arith.cmpi eq, %broadcast_in_dim3A_517, %eq3A_772 : vector<1x1024xi32>
        %get3A_774 = arith.constant 864 : index
        %get3A_775 = arith.constant 0 : index
        %get3A_776 = vector.load %arg8[%get3A_774, %get3A_775] : memref<1024x1024xf32, #tpu.memory_space<vmem>>, vector<32x1024xf32>
        %broadcast_in_dim3A_777 = vector.shape_cast %eq3A_773 : vector<1x1024xi1> to vector<1x1024xi1>
        %broadcast_in_dim3A_778 = vector.broadcast %broadcast_in_dim3A_777 : vector<1x1024xi1> to vector<32x1024xi1>
        %select_n3A_779 = arith.select %broadcast_in_dim3A_778, %get3A_776, %select_n3A_770 : vector<32x1024xi1>, vector<32x1024xf32>
        %eq3A_780 = arith.constant 28 : i32
        %eq3A_781 = vector.broadcast %eq3A_780 : i32 to vector<1x1024xi32>
        %eq3A_782 = arith.cmpi eq, %broadcast_in_dim3A_517, %eq3A_781 : vector<1x1024xi32>
        %get3A_783 = arith.constant 896 : index
        %get3A_784 = arith.constant 0 : index
        %get3A_785 = vector.load %arg8[%get3A_783, %get3A_784] : memref<1024x1024xf32, #tpu.memory_space<vmem>>, vector<32x1024xf32>
        %broadcast_in_dim3A_786 = vector.shape_cast %eq3A_782 : vector<1x1024xi1> to vector<1x1024xi1>
        %broadcast_in_dim3A_787 = vector.broadcast %broadcast_in_dim3A_786 : vector<1x1024xi1> to vector<32x1024xi1>
        %select_n3A_788 = arith.select %broadcast_in_dim3A_787, %get3A_785, %select_n3A_779 : vector<32x1024xi1>, vector<32x1024xf32>
        %eq3A_789 = arith.constant 29 : i32
        %eq3A_790 = vector.broadcast %eq3A_789 : i32 to vector<1x1024xi32>
        %eq3A_791 = arith.cmpi eq, %broadcast_in_dim3A_517, %eq3A_790 : vector<1x1024xi32>
        %get3A_792 = arith.constant 928 : index
        %get3A_793 = arith.constant 0 : index
        %get3A_794 = vector.load %arg8[%get3A_792, %get3A_793] : memref<1024x1024xf32, #tpu.memory_space<vmem>>, vector<32x1024xf32>
        %broadcast_in_dim3A_795 = vector.shape_cast %eq3A_791 : vector<1x1024xi1> to vector<1x1024xi1>
        %broadcast_in_dim3A_796 = vector.broadcast %broadcast_in_dim3A_795 : vector<1x1024xi1> to vector<32x1024xi1>
        %select_n3A_797 = arith.select %broadcast_in_dim3A_796, %get3A_794, %select_n3A_788 : vector<32x1024xi1>, vector<32x1024xf32>
        %eq3A_798 = arith.constant 30 : i32
        %eq3A_799 = vector.broadcast %eq3A_798 : i32 to vector<1x1024xi32>
        %eq3A_800 = arith.cmpi eq, %broadcast_in_dim3A_517, %eq3A_799 : vector<1x1024xi32>
        %get3A_801 = arith.constant 960 : index
        %get3A_802 = arith.constant 0 : index
        %get3A_803 = vector.load %arg8[%get3A_801, %get3A_802] : memref<1024x1024xf32, #tpu.memory_space<vmem>>, vector<32x1024xf32>
        %broadcast_in_dim3A_804 = vector.shape_cast %eq3A_800 : vector<1x1024xi1> to vector<1x1024xi1>
        %broadcast_in_dim3A_805 = vector.broadcast %broadcast_in_dim3A_804 : vector<1x1024xi1> to vector<32x1024xi1>
        %select_n3A_806 = arith.select %broadcast_in_dim3A_805, %get3A_803, %select_n3A_797 : vector<32x1024xi1>, vector<32x1024xf32>
        %eq3A_807 = arith.constant 31 : i32
        %eq3A_808 = vector.broadcast %eq3A_807 : i32 to vector<1x1024xi32>
        %eq3A_809 = arith.cmpi eq, %broadcast_in_dim3A_517, %eq3A_808 : vector<1x1024xi32>
        %get3A_810 = arith.constant 992 : index
        %get3A_811 = arith.constant 0 : index
        %get3A_812 = vector.load %arg8[%get3A_810, %get3A_811] : memref<1024x1024xf32, #tpu.memory_space<vmem>>, vector<32x1024xf32>
        %broadcast_in_dim3A_813 = vector.shape_cast %eq3A_809 : vector<1x1024xi1> to vector<1x1024xi1>
        %broadcast_in_dim3A_814 = vector.broadcast %broadcast_in_dim3A_813 : vector<1x1024xi1> to vector<32x1024xi1>
        %select_n3A_815 = arith.select %broadcast_in_dim3A_814, %get3A_812, %select_n3A_806 : vector<32x1024xi1>, vector<32x1024xf32>
        %eq3A_816 = vector.broadcast %broadcast_in_dim3A_508 : vector<1x1024xf32> to vector<32x1024xf32>
        %eq3A_817 = arith.cmpf oeq, %select_n3A_815, %eq3A_816 : vector<32x1024xf32>
        %ge3A = vector.broadcast %broadcast_in_dim3A_525 : vector<1x1024xi32> to vector<32x1024xi32>
        %ge3A_818 = arith.cmpi sge, %iota3A_428, %ge3A : vector<32x1024xi32>
        %and3A = arith.andi %eq3A_817, %ge3A_818 : vector<32x1024xi1>
        %jit3A_819 = arith.constant 32 : i32
        %broadcast_in_dim3A_820 = vector.broadcast %jit3A_819 : i32 to vector<32x1024xi32>
        %select_n3A_821 = arith.select %and3A, %iota3A_428, %broadcast_in_dim3A_820 : vector<32x1024xi1>, vector<32x1024xi32>
        %reduce_min3A_822 = arith.constant dense<2147483647> : vector<1024xi32>
        %reduce_min3A_823 = vector.multi_reduction <minsi>, %select_n3A_821, %reduce_min3A_822 [0] : vector<32x1024xi32> to vector<1024xi32>
        %broadcast_in_dim3A_824 = vector.shape_cast %reduce_min3A_823 : vector<1024xi32> to vector<1x1024xi32>
        %mul3A_825 = arith.constant 1024 : i32
        %mul3A_826 = arith.muli %arg0, %mul3A_825 : i32
        %mul3A_827 = arith.constant 32 : i32
        %mul3A_828 = vector.broadcast %mul3A_827 : i32 to vector<1x1024xi32>
        %mul3A_829 = arith.muli %broadcast_in_dim3A_517, %mul3A_828 : vector<1x1024xi32>
        %add3A_830 = vector.broadcast %mul3A_826 : i32 to vector<1x1024xi32>
        %add3A_831 = arith.addi %add3A_830, %mul3A_829 : vector<1x1024xi32>
        %add3A_832 = arith.addi %add3A_831, %broadcast_in_dim3A_824 : vector<1x1024xi32>
        %eq3A_833 = vector.broadcast %broadcast_in_dim3A_508 : vector<1x1024xf32> to vector<32x1024xf32>
        %eq3A_834 = arith.cmpf oeq, %select_n3A_815, %eq3A_833 : vector<32x1024xf32>
        %gt3A_835 = vector.broadcast %broadcast_in_dim3A_824 : vector<1x1024xi32> to vector<32x1024xi32>
        %gt3A_836 = arith.cmpi sgt, %iota3A_428, %gt3A_835 : vector<32x1024xi32>
        %and3A_837 = arith.andi %eq3A_834, %gt3A_836 : vector<32x1024xi1>
        %lt3A_838 = vector.broadcast %broadcast_in_dim3A_508 : vector<1x1024xf32> to vector<32x1024xf32>
        %lt3A_839 = arith.cmpf olt, %select_n3A_815, %lt3A_838 : vector<32x1024xf32>
        %jit3A_840 = arith.constant 0xFF800000 : f32
        %broadcast_in_dim3A_841 = vector.broadcast %jit3A_840 : f32 to vector<32x1024xf32>
        %select_n3A_842 = arith.select %lt3A_839, %select_n3A_815, %broadcast_in_dim3A_841 : vector<32x1024xi1>, vector<32x1024xf32>
        %select_n3A_843 = arith.select %and3A_837, %select_n3A_815, %select_n3A_842 : vector<32x1024xi1>, vector<32x1024xf32>
        %reduce_max3A_844 = arith.constant dense<0xFF800000> : vector<1024xf32>
        %reduce_max3A_845 = vector.multi_reduction <maximumf>, %select_n3A_843, %reduce_max3A_844 [0] : vector<32x1024xf32> to vector<1024xf32>
        %broadcast_in_dim3A_846 = vector.shape_cast %reduce_max3A_845 : vector<1024xf32> to vector<1x1024xf32>
        %eq3A_847 = arith.cmpf oeq, %broadcast_in_dim3A_846, %broadcast_in_dim3A_508 : vector<1x1024xf32>
        %add3A_848 = arith.constant 1 : i32
        %add3A_849 = vector.broadcast %add3A_848 : i32 to vector<1x1024xi32>
        %add3A_850 = arith.addi %broadcast_in_dim3A_824, %add3A_849 : vector<1x1024xi32>
        %jit3A_851 = arith.constant 0 : i32
        %broadcast_in_dim3A_852 = vector.broadcast %jit3A_851 : i32 to vector<1x1024xi32>
        %select_n3A_853 = arith.select %eq3A_847, %add3A_850, %broadcast_in_dim3A_852 : vector<1x1024xi1>, vector<1x1024xi32>
        %eq3A_854 = vector.broadcast %broadcast_in_dim3A_517 : vector<1x1024xi32> to vector<32x1024xi32>
        %eq3A_855 = arith.cmpi eq, %iota3A_12, %eq3A_854 : vector<32x1024xi32>
        %and3A_856 = vector.broadcast %gt3A_509 : vector<1x1024xi1> to vector<32x1024xi1>
        %and3A_857 = arith.andi %eq3A_855, %and3A_856 : vector<32x1024xi1>
        %broadcast_in_dim3A_858 = vector.shape_cast %broadcast_in_dim3A_846 : vector<1x1024xf32> to vector<1x1024xf32>
        %broadcast_in_dim3A_859 = vector.broadcast %broadcast_in_dim3A_858 : vector<1x1024xf32> to vector<32x1024xf32>
        %select_n3A_860 = arith.select %and3A_857, %broadcast_in_dim3A_859, %scan3A_501 : vector<32x1024xi1>, vector<32x1024xf32>
        %broadcast_in_dim3A_861 = vector.shape_cast %select_n3A_853 : vector<1x1024xi32> to vector<1x1024xi32>
        %broadcast_in_dim3A_862 = vector.broadcast %broadcast_in_dim3A_861 : vector<1x1024xi32> to vector<32x1024xi32>
        %select_n3A_863 = arith.select %and3A_857, %broadcast_in_dim3A_862, %scan3A_502 : vector<32x1024xi1>, vector<32x1024xi32>
        %eq3A_864 = vector.broadcast %broadcast_in_dim3A_505 : vector<1x1024xf32> to vector<32x1024xf32>
        %eq3A_865 = arith.cmpf oeq, %scan3A_499, %eq3A_864 : vector<32x1024xf32>
        %jit3A_866 = arith.constant 32 : i32
        %broadcast_in_dim3A_867 = vector.broadcast %jit3A_866 : i32 to vector<32x1024xi32>
        %select_n3A_868 = arith.select %eq3A_865, %iota3A_429, %broadcast_in_dim3A_867 : vector<32x1024xi1>, vector<32x1024xi32>
        %reduce_min3A_869 = arith.constant dense<2147483647> : vector<1024xi32>
        %reduce_min3A_870 = vector.multi_reduction <minsi>, %select_n3A_868, %reduce_min3A_869 [0] : vector<32x1024xi32> to vector<1024xi32>
        %broadcast_in_dim3A_871 = vector.shape_cast %reduce_min3A_870 : vector<1024xi32> to vector<1x1024xi32>
        %eq3A_872 = vector.broadcast %broadcast_in_dim3A_871 : vector<1x1024xi32> to vector<32x1024xi32>
        %eq3A_873 = arith.cmpi eq, %iota3A_429, %eq3A_872 : vector<32x1024xi32>
        %and3A_874 = vector.broadcast %gt3A_509 : vector<1x1024xi1> to vector<32x1024xi1>
        %and3A_875 = arith.andi %and3A_874, %eq3A_873 : vector<32x1024xi1>
        %broadcast_in_dim3A_876 = vector.shape_cast %broadcast_in_dim3A_508 : vector<1x1024xf32> to vector<1x1024xf32>
        %broadcast_in_dim3A_877 = vector.broadcast %broadcast_in_dim3A_876 : vector<1x1024xf32> to vector<32x1024xf32>
        %select_n3A_878 = arith.select %and3A_875, %broadcast_in_dim3A_877, %scan3A_499 : vector<32x1024xi1>, vector<32x1024xf32>
        %and3A_879 = vector.broadcast %gt3A_509 : vector<1x1024xi1> to vector<32x1024xi1>
        %and3A_880 = arith.andi %and3A_879, %eq3A_873 : vector<32x1024xi1>
        %broadcast_in_dim3A_881 = vector.shape_cast %add3A_832 : vector<1x1024xi32> to vector<1x1024xi32>
        %broadcast_in_dim3A_882 = vector.broadcast %broadcast_in_dim3A_881 : vector<1x1024xi32> to vector<32x1024xi32>
        %select_n3A_883 = arith.select %and3A_880, %broadcast_in_dim3A_882, %scan3A_500 : vector<32x1024xi1>, vector<32x1024xi32>
        scf.yield %select_n3A_878, %select_n3A_883, %select_n3A_860, %select_n3A_863 : vector<32x1024xf32>, vector<32x1024xi32>, vector<32x1024xf32>, vector<32x1024xi32>
      }
      %swap3A_492 = arith.constant 0 : index
      %swap3A_493 = arith.constant 0 : index
      %swap3A_494 = vector.load %arg6[%swap3A_492, %swap3A_493] : memref<32x1024xf32, #tpu.memory_space<vmem>>, vector<32x1024xf32>
      tpu.vector_store %arg6[%swap3A_492, %swap3A_493], %scan3A_491#0 {strides = array<i32>} : memref<32x1024xf32, #tpu.memory_space<vmem>>, vector<32x1024xf32>,
      %swap3A_495 = arith.constant 0 : index
      %swap3A_496 = arith.constant 0 : index
      %swap3A_497 = vector.load %arg7[%swap3A_495, %swap3A_496] : memref<32x1024xi32, #tpu.memory_space<vmem>>, vector<32x1024xi32>
      tpu.vector_store %arg7[%swap3A_495, %swap3A_496], %scan3A_491#1 {strides = array<i32>} : memref<32x1024xi32, #tpu.memory_space<vmem>>, vector<32x1024xi32>,
    } else {
    }
    %eq3A_470 = arith.constant 97 : i32
    %eq3A_471 = arith.cmpi eq, %arg0, %eq3A_470 : i32
    %convert_element_type3A_472 = arith.extui %eq3A_471 : i1 to i32
    %cond3A_473 = arith.constant 0 : i32
    %cond3A_474 = arith.cmpi ne, %convert_element_type3A_472, %cond3A_473 : i32
    scf.if %cond3A_474 {
      %get3A_475 = arith.constant 0 : index
      %get3A_476 = arith.constant 0 : index
      %get3A_477 = vector.load %arg6[%get3A_475, %get3A_476] : memref<32x1024xf32, #tpu.memory_space<vmem>>, vector<32x1024xf32>
      %get3A_478 = arith.constant 0 : index
      %get3A_479 = arith.constant 0 : index
      %get3A_480 = vector.load %arg7[%get3A_478, %get3A_479] : memref<32x1024xi32, #tpu.memory_space<vmem>>, vector<32x1024xi32>
      %broadcast_in_dim3A_481 = arith.constant 0 : i32
      %broadcast_in_dim3A_482 = vector.broadcast %broadcast_in_dim3A_481 : i32 to vector<32x1024xi32>
      %slice3A_483 = vector.extract_strided_slice %get3A_477 {offsets = [0, 0], sizes = [1, 1024], strides = [1, 1]} : vector<32x1024xf32> to vector<1x1024xf32>
      %slice3A_484 = vector.extract_strided_slice %get3A_480 {offsets = [0, 0], sizes = [1, 1024], strides = [1, 1]} : vector<32x1024xi32> to vector<1x1024xi32>
      %gt3A_485 = vector.broadcast %slice3A_483 : vector<1x1024xf32> to vector<32x1024xf32>
      %gt3A_486 = arith.cmpf ogt, %gt3A_485, %get3A_477 : vector<32x1024xf32>
      %eq3A_487 = vector.broadcast %slice3A_483 : vector<1x1024xf32> to vector<32x1024xf32>
      %eq3A_488 = arith.cmpf oeq, %eq3A_487, %get3A_477 : vector<32x1024xf32>
      %lt3A_489 = vector.broadcast %slice3A_484 : vector<1x1024xi32> to vector<32x1024xi32>
      %lt3A_490 = arith.cmpi slt, %lt3A_489, %get3A_480 : vector<32x1024xi32>
      %and3A = arith.andi %eq3A_488, %lt3A_490 : vector<32x1024xi1>
      %or3A = arith.ori %gt3A_486, %and3A : vector<32x1024xi1>
      %convert_element_type3A_491 = arith.extui %or3A : vector<32x1024xi1> to vector<32x1024xi32>
      %add3A_492 = arith.addi %broadcast_in_dim3A_482, %convert_element_type3A_491 : vector<32x1024xi32>
      %slice3A_493 = vector.extract_strided_slice %get3A_477 {offsets = [1, 0], sizes = [1, 1024], strides = [1, 1]} : vector<32x1024xf32> to vector<1x1024xf32>
      %slice3A_494 = vector.extract_strided_slice %get3A_480 {offsets = [1, 0], sizes = [1, 1024], strides = [1, 1]} : vector<32x1024xi32> to vector<1x1024xi32>
      %gt3A_495 = vector.broadcast %slice3A_493 : vector<1x1024xf32> to vector<32x1024xf32>
      %gt3A_496 = arith.cmpf ogt, %gt3A_495, %get3A_477 : vector<32x1024xf32>
      %eq3A_497 = vector.broadcast %slice3A_493 : vector<1x1024xf32> to vector<32x1024xf32>
      %eq3A_498 = arith.cmpf oeq, %eq3A_497, %get3A_477 : vector<32x1024xf32>
      %lt3A_499 = vector.broadcast %slice3A_494 : vector<1x1024xi32> to vector<32x1024xi32>
      %lt3A_500 = arith.cmpi slt, %lt3A_499, %get3A_480 : vector<32x1024xi32>
      %and3A_501 = arith.andi %eq3A_498, %lt3A_500 : vector<32x1024xi1>
      %or3A_502 = arith.ori %gt3A_496, %and3A_501 : vector<32x1024xi1>
      %convert_element_type3A_503 = arith.extui %or3A_502 : vector<32x1024xi1> to vector<32x1024xi32>
      %add3A_504 = arith.addi %add3A_492, %convert_element_type3A_503 : vector<32x1024xi32>
      %slice3A_505 = vector.extract_strided_slice %get3A_477 {offsets = [2, 0], sizes = [1, 1024], strides = [1, 1]} : vector<32x1024xf32> to vector<1x1024xf32>
      %slice3A_506 = vector.extract_strided_slice %get3A_480 {offsets = [2, 0], sizes = [1, 1024], strides = [1, 1]} : vector<32x1024xi32> to vector<1x1024xi32>
      %gt3A_507 = vector.broadcast %slice3A_505 : vector<1x1024xf32> to vector<32x1024xf32>
      %gt3A_508 = arith.cmpf ogt, %gt3A_507, %get3A_477 : vector<32x1024xf32>
      %eq3A_509 = vector.broadcast %slice3A_505 : vector<1x1024xf32> to vector<32x1024xf32>
      %eq3A_510 = arith.cmpf oeq, %eq3A_509, %get3A_477 : vector<32x1024xf32>
      %lt3A_511 = vector.broadcast %slice3A_506 : vector<1x1024xi32> to vector<32x1024xi32>
      %lt3A_512 = arith.cmpi slt, %lt3A_511, %get3A_480 : vector<32x1024xi32>
      %and3A_513 = arith.andi %eq3A_510, %lt3A_512 : vector<32x1024xi1>
      %or3A_514 = arith.ori %gt3A_508, %and3A_513 : vector<32x1024xi1>
      %convert_element_type3A_515 = arith.extui %or3A_514 : vector<32x1024xi1> to vector<32x1024xi32>
      %add3A_516 = arith.addi %add3A_504, %convert_element_type3A_515 : vector<32x1024xi32>
      %slice3A_517 = vector.extract_strided_slice %get3A_477 {offsets = [3, 0], sizes = [1, 1024], strides = [1, 1]} : vector<32x1024xf32> to vector<1x1024xf32>
      %slice3A_518 = vector.extract_strided_slice %get3A_480 {offsets = [3, 0], sizes = [1, 1024], strides = [1, 1]} : vector<32x1024xi32> to vector<1x1024xi32>
      %gt3A_519 = vector.broadcast %slice3A_517 : vector<1x1024xf32> to vector<32x1024xf32>
      %gt3A_520 = arith.cmpf ogt, %gt3A_519, %get3A_477 : vector<32x1024xf32>
      %eq3A_521 = vector.broadcast %slice3A_517 : vector<1x1024xf32> to vector<32x1024xf32>
      %eq3A_522 = arith.cmpf oeq, %eq3A_521, %get3A_477 : vector<32x1024xf32>
      %lt3A_523 = vector.broadcast %slice3A_518 : vector<1x1024xi32> to vector<32x1024xi32>
      %lt3A_524 = arith.cmpi slt, %lt3A_523, %get3A_480 : vector<32x1024xi32>
      %and3A_525 = arith.andi %eq3A_522, %lt3A_524 : vector<32x1024xi1>
      %or3A_526 = arith.ori %gt3A_520, %and3A_525 : vector<32x1024xi1>
      %convert_element_type3A_527 = arith.extui %or3A_526 : vector<32x1024xi1> to vector<32x1024xi32>
      %add3A_528 = arith.addi %add3A_516, %convert_element_type3A_527 : vector<32x1024xi32>
      %slice3A_529 = vector.extract_strided_slice %get3A_477 {offsets = [4, 0], sizes = [1, 1024], strides = [1, 1]} : vector<32x1024xf32> to vector<1x1024xf32>
      %slice3A_530 = vector.extract_strided_slice %get3A_480 {offsets = [4, 0], sizes = [1, 1024], strides = [1, 1]} : vector<32x1024xi32> to vector<1x1024xi32>
      %gt3A_531 = vector.broadcast %slice3A_529 : vector<1x1024xf32> to vector<32x1024xf32>
      %gt3A_532 = arith.cmpf ogt, %gt3A_531, %get3A_477 : vector<32x1024xf32>
      %eq3A_533 = vector.broadcast %slice3A_529 : vector<1x1024xf32> to vector<32x1024xf32>
      %eq3A_534 = arith.cmpf oeq, %eq3A_533, %get3A_477 : vector<32x1024xf32>
      %lt3A_535 = vector.broadcast %slice3A_530 : vector<1x1024xi32> to vector<32x1024xi32>
      %lt3A_536 = arith.cmpi slt, %lt3A_535, %get3A_480 : vector<32x1024xi32>
      %and3A_537 = arith.andi %eq3A_534, %lt3A_536 : vector<32x1024xi1>
      %or3A_538 = arith.ori %gt3A_532, %and3A_537 : vector<32x1024xi1>
      %convert_element_type3A_539 = arith.extui %or3A_538 : vector<32x1024xi1> to vector<32x1024xi32>
      %add3A_540 = arith.addi %add3A_528, %convert_element_type3A_539 : vector<32x1024xi32>
      %slice3A_541 = vector.extract_strided_slice %get3A_477 {offsets = [5, 0], sizes = [1, 1024], strides = [1, 1]} : vector<32x1024xf32> to vector<1x1024xf32>
      %slice3A_542 = vector.extract_strided_slice %get3A_480 {offsets = [5, 0], sizes = [1, 1024], strides = [1, 1]} : vector<32x1024xi32> to vector<1x1024xi32>
      %gt3A_543 = vector.broadcast %slice3A_541 : vector<1x1024xf32> to vector<32x1024xf32>
      %gt3A_544 = arith.cmpf ogt, %gt3A_543, %get3A_477 : vector<32x1024xf32>
      %eq3A_545 = vector.broadcast %slice3A_541 : vector<1x1024xf32> to vector<32x1024xf32>
      %eq3A_546 = arith.cmpf oeq, %eq3A_545, %get3A_477 : vector<32x1024xf32>
      %lt3A_547 = vector.broadcast %slice3A_542 : vector<1x1024xi32> to vector<32x1024xi32>
      %lt3A_548 = arith.cmpi slt, %lt3A_547, %get3A_480 : vector<32x1024xi32>
      %and3A_549 = arith.andi %eq3A_546, %lt3A_548 : vector<32x1024xi1>
      %or3A_550 = arith.ori %gt3A_544, %and3A_549 : vector<32x1024xi1>
      %convert_element_type3A_551 = arith.extui %or3A_550 : vector<32x1024xi1> to vector<32x1024xi32>
      %add3A_552 = arith.addi %add3A_540, %convert_element_type3A_551 : vector<32x1024xi32>
      %slice3A_553 = vector.extract_strided_slice %get3A_477 {offsets = [6, 0], sizes = [1, 1024], strides = [1, 1]} : vector<32x1024xf32> to vector<1x1024xf32>
      %slice3A_554 = vector.extract_strided_slice %get3A_480 {offsets = [6, 0], sizes = [1, 1024], strides = [1, 1]} : vector<32x1024xi32> to vector<1x1024xi32>
      %gt3A_555 = vector.broadcast %slice3A_553 : vector<1x1024xf32> to vector<32x1024xf32>
      %gt3A_556 = arith.cmpf ogt, %gt3A_555, %get3A_477 : vector<32x1024xf32>
      %eq3A_557 = vector.broadcast %slice3A_553 : vector<1x1024xf32> to vector<32x1024xf32>
      %eq3A_558 = arith.cmpf oeq, %eq3A_557, %get3A_477 : vector<32x1024xf32>
      %lt3A_559 = vector.broadcast %slice3A_554 : vector<1x1024xi32> to vector<32x1024xi32>
      %lt3A_560 = arith.cmpi slt, %lt3A_559, %get3A_480 : vector<32x1024xi32>
      %and3A_561 = arith.andi %eq3A_558, %lt3A_560 : vector<32x1024xi1>
      %or3A_562 = arith.ori %gt3A_556, %and3A_561 : vector<32x1024xi1>
      %convert_element_type3A_563 = arith.extui %or3A_562 : vector<32x1024xi1> to vector<32x1024xi32>
      %add3A_564 = arith.addi %add3A_552, %convert_element_type3A_563 : vector<32x1024xi32>
      %slice3A_565 = vector.extract_strided_slice %get3A_477 {offsets = [7, 0], sizes = [1, 1024], strides = [1, 1]} : vector<32x1024xf32> to vector<1x1024xf32>
      %slice3A_566 = vector.extract_strided_slice %get3A_480 {offsets = [7, 0], sizes = [1, 1024], strides = [1, 1]} : vector<32x1024xi32> to vector<1x1024xi32>
      %gt3A_567 = vector.broadcast %slice3A_565 : vector<1x1024xf32> to vector<32x1024xf32>
      %gt3A_568 = arith.cmpf ogt, %gt3A_567, %get3A_477 : vector<32x1024xf32>
      %eq3A_569 = vector.broadcast %slice3A_565 : vector<1x1024xf32> to vector<32x1024xf32>
      %eq3A_570 = arith.cmpf oeq, %eq3A_569, %get3A_477 : vector<32x1024xf32>
      %lt3A_571 = vector.broadcast %slice3A_566 : vector<1x1024xi32> to vector<32x1024xi32>
      %lt3A_572 = arith.cmpi slt, %lt3A_571, %get3A_480 : vector<32x1024xi32>
      %and3A_573 = arith.andi %eq3A_570, %lt3A_572 : vector<32x1024xi1>
      %or3A_574 = arith.ori %gt3A_568, %and3A_573 : vector<32x1024xi1>
      %convert_element_type3A_575 = arith.extui %or3A_574 : vector<32x1024xi1> to vector<32x1024xi32>
      %add3A_576 = arith.addi %add3A_564, %convert_element_type3A_575 : vector<32x1024xi32>
      %slice3A_577 = vector.extract_strided_slice %get3A_477 {offsets = [8, 0], sizes = [1, 1024], strides = [1, 1]} : vector<32x1024xf32> to vector<1x1024xf32>
      %slice3A_578 = vector.extract_strided_slice %get3A_480 {offsets = [8, 0], sizes = [1, 1024], strides = [1, 1]} : vector<32x1024xi32> to vector<1x1024xi32>
      %gt3A_579 = vector.broadcast %slice3A_577 : vector<1x1024xf32> to vector<32x1024xf32>
      %gt3A_580 = arith.cmpf ogt, %gt3A_579, %get3A_477 : vector<32x1024xf32>
      %eq3A_581 = vector.broadcast %slice3A_577 : vector<1x1024xf32> to vector<32x1024xf32>
      %eq3A_582 = arith.cmpf oeq, %eq3A_581, %get3A_477 : vector<32x1024xf32>
      %lt3A_583 = vector.broadcast %slice3A_578 : vector<1x1024xi32> to vector<32x1024xi32>
      %lt3A_584 = arith.cmpi slt, %lt3A_583, %get3A_480 : vector<32x1024xi32>
      %and3A_585 = arith.andi %eq3A_582, %lt3A_584 : vector<32x1024xi1>
      %or3A_586 = arith.ori %gt3A_580, %and3A_585 : vector<32x1024xi1>
      %convert_element_type3A_587 = arith.extui %or3A_586 : vector<32x1024xi1> to vector<32x1024xi32>
      %add3A_588 = arith.addi %add3A_576, %convert_element_type3A_587 : vector<32x1024xi32>
      %slice3A_589 = vector.extract_strided_slice %get3A_477 {offsets = [9, 0], sizes = [1, 1024], strides = [1, 1]} : vector<32x1024xf32> to vector<1x1024xf32>
      %slice3A_590 = vector.extract_strided_slice %get3A_480 {offsets = [9, 0], sizes = [1, 1024], strides = [1, 1]} : vector<32x1024xi32> to vector<1x1024xi32>
      %gt3A_591 = vector.broadcast %slice3A_589 : vector<1x1024xf32> to vector<32x1024xf32>
      %gt3A_592 = arith.cmpf ogt, %gt3A_591, %get3A_477 : vector<32x1024xf32>
      %eq3A_593 = vector.broadcast %slice3A_589 : vector<1x1024xf32> to vector<32x1024xf32>
      %eq3A_594 = arith.cmpf oeq, %eq3A_593, %get3A_477 : vector<32x1024xf32>
      %lt3A_595 = vector.broadcast %slice3A_590 : vector<1x1024xi32> to vector<32x1024xi32>
      %lt3A_596 = arith.cmpi slt, %lt3A_595, %get3A_480 : vector<32x1024xi32>
      %and3A_597 = arith.andi %eq3A_594, %lt3A_596 : vector<32x1024xi1>
      %or3A_598 = arith.ori %gt3A_592, %and3A_597 : vector<32x1024xi1>
      %convert_element_type3A_599 = arith.extui %or3A_598 : vector<32x1024xi1> to vector<32x1024xi32>
      %add3A_600 = arith.addi %add3A_588, %convert_element_type3A_599 : vector<32x1024xi32>
      %slice3A_601 = vector.extract_strided_slice %get3A_477 {offsets = [10, 0], sizes = [1, 1024], strides = [1, 1]} : vector<32x1024xf32> to vector<1x1024xf32>
      %slice3A_602 = vector.extract_strided_slice %get3A_480 {offsets = [10, 0], sizes = [1, 1024], strides = [1, 1]} : vector<32x1024xi32> to vector<1x1024xi32>
      %gt3A_603 = vector.broadcast %slice3A_601 : vector<1x1024xf32> to vector<32x1024xf32>
      %gt3A_604 = arith.cmpf ogt, %gt3A_603, %get3A_477 : vector<32x1024xf32>
      %eq3A_605 = vector.broadcast %slice3A_601 : vector<1x1024xf32> to vector<32x1024xf32>
      %eq3A_606 = arith.cmpf oeq, %eq3A_605, %get3A_477 : vector<32x1024xf32>
      %lt3A_607 = vector.broadcast %slice3A_602 : vector<1x1024xi32> to vector<32x1024xi32>
      %lt3A_608 = arith.cmpi slt, %lt3A_607, %get3A_480 : vector<32x1024xi32>
      %and3A_609 = arith.andi %eq3A_606, %lt3A_608 : vector<32x1024xi1>
      %or3A_610 = arith.ori %gt3A_604, %and3A_609 : vector<32x1024xi1>
      %convert_element_type3A_611 = arith.extui %or3A_610 : vector<32x1024xi1> to vector<32x1024xi32>
      %add3A_612 = arith.addi %add3A_600, %convert_element_type3A_611 : vector<32x1024xi32>
      %slice3A_613 = vector.extract_strided_slice %get3A_477 {offsets = [11, 0], sizes = [1, 1024], strides = [1, 1]} : vector<32x1024xf32> to vector<1x1024xf32>
      %slice3A_614 = vector.extract_strided_slice %get3A_480 {offsets = [11, 0], sizes = [1, 1024], strides = [1, 1]} : vector<32x1024xi32> to vector<1x1024xi32>
      %gt3A_615 = vector.broadcast %slice3A_613 : vector<1x1024xf32> to vector<32x1024xf32>
      %gt3A_616 = arith.cmpf ogt, %gt3A_615, %get3A_477 : vector<32x1024xf32>
      %eq3A_617 = vector.broadcast %slice3A_613 : vector<1x1024xf32> to vector<32x1024xf32>
      %eq3A_618 = arith.cmpf oeq, %eq3A_617, %get3A_477 : vector<32x1024xf32>
      %lt3A_619 = vector.broadcast %slice3A_614 : vector<1x1024xi32> to vector<32x1024xi32>
      %lt3A_620 = arith.cmpi slt, %lt3A_619, %get3A_480 : vector<32x1024xi32>
      %and3A_621 = arith.andi %eq3A_618, %lt3A_620 : vector<32x1024xi1>
      %or3A_622 = arith.ori %gt3A_616, %and3A_621 : vector<32x1024xi1>
      %convert_element_type3A_623 = arith.extui %or3A_622 : vector<32x1024xi1> to vector<32x1024xi32>
      %add3A_624 = arith.addi %add3A_612, %convert_element_type3A_623 : vector<32x1024xi32>
      %slice3A_625 = vector.extract_strided_slice %get3A_477 {offsets = [12, 0], sizes = [1, 1024], strides = [1, 1]} : vector<32x1024xf32> to vector<1x1024xf32>
      %slice3A_626 = vector.extract_strided_slice %get3A_480 {offsets = [12, 0], sizes = [1, 1024], strides = [1, 1]} : vector<32x1024xi32> to vector<1x1024xi32>
      %gt3A_627 = vector.broadcast %slice3A_625 : vector<1x1024xf32> to vector<32x1024xf32>
      %gt3A_628 = arith.cmpf ogt, %gt3A_627, %get3A_477 : vector<32x1024xf32>
      %eq3A_629 = vector.broadcast %slice3A_625 : vector<1x1024xf32> to vector<32x1024xf32>
      %eq3A_630 = arith.cmpf oeq, %eq3A_629, %get3A_477 : vector<32x1024xf32>
      %lt3A_631 = vector.broadcast %slice3A_626 : vector<1x1024xi32> to vector<32x1024xi32>
      %lt3A_632 = arith.cmpi slt, %lt3A_631, %get3A_480 : vector<32x1024xi32>
      %and3A_633 = arith.andi %eq3A_630, %lt3A_632 : vector<32x1024xi1>
      %or3A_634 = arith.ori %gt3A_628, %and3A_633 : vector<32x1024xi1>
      %convert_element_type3A_635 = arith.extui %or3A_634 : vector<32x1024xi1> to vector<32x1024xi32>
      %add3A_636 = arith.addi %add3A_624, %convert_element_type3A_635 : vector<32x1024xi32>
      %slice3A_637 = vector.extract_strided_slice %get3A_477 {offsets = [13, 0], sizes = [1, 1024], strides = [1, 1]} : vector<32x1024xf32> to vector<1x1024xf32>
      %slice3A_638 = vector.extract_strided_slice %get3A_480 {offsets = [13, 0], sizes = [1, 1024], strides = [1, 1]} : vector<32x1024xi32> to vector<1x1024xi32>
      %gt3A_639 = vector.broadcast %slice3A_637 : vector<1x1024xf32> to vector<32x1024xf32>
      %gt3A_640 = arith.cmpf ogt, %gt3A_639, %get3A_477 : vector<32x1024xf32>
      %eq3A_641 = vector.broadcast %slice3A_637 : vector<1x1024xf32> to vector<32x1024xf32>
      %eq3A_642 = arith.cmpf oeq, %eq3A_641, %get3A_477 : vector<32x1024xf32>
      %lt3A_643 = vector.broadcast %slice3A_638 : vector<1x1024xi32> to vector<32x1024xi32>
      %lt3A_644 = arith.cmpi slt, %lt3A_643, %get3A_480 : vector<32x1024xi32>
      %and3A_645 = arith.andi %eq3A_642, %lt3A_644 : vector<32x1024xi1>
      %or3A_646 = arith.ori %gt3A_640, %and3A_645 : vector<32x1024xi1>
      %convert_element_type3A_647 = arith.extui %or3A_646 : vector<32x1024xi1> to vector<32x1024xi32>
      %add3A_648 = arith.addi %add3A_636, %convert_element_type3A_647 : vector<32x1024xi32>
      %slice3A_649 = vector.extract_strided_slice %get3A_477 {offsets = [14, 0], sizes = [1, 1024], strides = [1, 1]} : vector<32x1024xf32> to vector<1x1024xf32>
      %slice3A_650 = vector.extract_strided_slice %get3A_480 {offsets = [14, 0], sizes = [1, 1024], strides = [1, 1]} : vector<32x1024xi32> to vector<1x1024xi32>
      %gt3A_651 = vector.broadcast %slice3A_649 : vector<1x1024xf32> to vector<32x1024xf32>
      %gt3A_652 = arith.cmpf ogt, %gt3A_651, %get3A_477 : vector<32x1024xf32>
      %eq3A_653 = vector.broadcast %slice3A_649 : vector<1x1024xf32> to vector<32x1024xf32>
      %eq3A_654 = arith.cmpf oeq, %eq3A_653, %get3A_477 : vector<32x1024xf32>
      %lt3A_655 = vector.broadcast %slice3A_650 : vector<1x1024xi32> to vector<32x1024xi32>
      %lt3A_656 = arith.cmpi slt, %lt3A_655, %get3A_480 : vector<32x1024xi32>
      %and3A_657 = arith.andi %eq3A_654, %lt3A_656 : vector<32x1024xi1>
      %or3A_658 = arith.ori %gt3A_652, %and3A_657 : vector<32x1024xi1>
      %convert_element_type3A_659 = arith.extui %or3A_658 : vector<32x1024xi1> to vector<32x1024xi32>
      %add3A_660 = arith.addi %add3A_648, %convert_element_type3A_659 : vector<32x1024xi32>
      %slice3A_661 = vector.extract_strided_slice %get3A_477 {offsets = [15, 0], sizes = [1, 1024], strides = [1, 1]} : vector<32x1024xf32> to vector<1x1024xf32>
      %slice3A_662 = vector.extract_strided_slice %get3A_480 {offsets = [15, 0], sizes = [1, 1024], strides = [1, 1]} : vector<32x1024xi32> to vector<1x1024xi32>
      %gt3A_663 = vector.broadcast %slice3A_661 : vector<1x1024xf32> to vector<32x1024xf32>
      %gt3A_664 = arith.cmpf ogt, %gt3A_663, %get3A_477 : vector<32x1024xf32>
      %eq3A_665 = vector.broadcast %slice3A_661 : vector<1x1024xf32> to vector<32x1024xf32>
      %eq3A_666 = arith.cmpf oeq, %eq3A_665, %get3A_477 : vector<32x1024xf32>
      %lt3A_667 = vector.broadcast %slice3A_662 : vector<1x1024xi32> to vector<32x1024xi32>
      %lt3A_668 = arith.cmpi slt, %lt3A_667, %get3A_480 : vector<32x1024xi32>
      %and3A_669 = arith.andi %eq3A_666, %lt3A_668 : vector<32x1024xi1>
      %or3A_670 = arith.ori %gt3A_664, %and3A_669 : vector<32x1024xi1>
      %convert_element_type3A_671 = arith.extui %or3A_670 : vector<32x1024xi1> to vector<32x1024xi32>
      %add3A_672 = arith.addi %add3A_660, %convert_element_type3A_671 : vector<32x1024xi32>
      %slice3A_673 = vector.extract_strided_slice %get3A_477 {offsets = [16, 0], sizes = [1, 1024], strides = [1, 1]} : vector<32x1024xf32> to vector<1x1024xf32>
      %slice3A_674 = vector.extract_strided_slice %get3A_480 {offsets = [16, 0], sizes = [1, 1024], strides = [1, 1]} : vector<32x1024xi32> to vector<1x1024xi32>
      %gt3A_675 = vector.broadcast %slice3A_673 : vector<1x1024xf32> to vector<32x1024xf32>
      %gt3A_676 = arith.cmpf ogt, %gt3A_675, %get3A_477 : vector<32x1024xf32>
      %eq3A_677 = vector.broadcast %slice3A_673 : vector<1x1024xf32> to vector<32x1024xf32>
      %eq3A_678 = arith.cmpf oeq, %eq3A_677, %get3A_477 : vector<32x1024xf32>
      %lt3A_679 = vector.broadcast %slice3A_674 : vector<1x1024xi32> to vector<32x1024xi32>
      %lt3A_680 = arith.cmpi slt, %lt3A_679, %get3A_480 : vector<32x1024xi32>
      %and3A_681 = arith.andi %eq3A_678, %lt3A_680 : vector<32x1024xi1>
      %or3A_682 = arith.ori %gt3A_676, %and3A_681 : vector<32x1024xi1>
      %convert_element_type3A_683 = arith.extui %or3A_682 : vector<32x1024xi1> to vector<32x1024xi32>
      %add3A_684 = arith.addi %add3A_672, %convert_element_type3A_683 : vector<32x1024xi32>
      %slice3A_685 = vector.extract_strided_slice %get3A_477 {offsets = [17, 0], sizes = [1, 1024], strides = [1, 1]} : vector<32x1024xf32> to vector<1x1024xf32>
      %slice3A_686 = vector.extract_strided_slice %get3A_480 {offsets = [17, 0], sizes = [1, 1024], strides = [1, 1]} : vector<32x1024xi32> to vector<1x1024xi32>
      %gt3A_687 = vector.broadcast %slice3A_685 : vector<1x1024xf32> to vector<32x1024xf32>
      %gt3A_688 = arith.cmpf ogt, %gt3A_687, %get3A_477 : vector<32x1024xf32>
      %eq3A_689 = vector.broadcast %slice3A_685 : vector<1x1024xf32> to vector<32x1024xf32>
      %eq3A_690 = arith.cmpf oeq, %eq3A_689, %get3A_477 : vector<32x1024xf32>
      %lt3A_691 = vector.broadcast %slice3A_686 : vector<1x1024xi32> to vector<32x1024xi32>
      %lt3A_692 = arith.cmpi slt, %lt3A_691, %get3A_480 : vector<32x1024xi32>
      %and3A_693 = arith.andi %eq3A_690, %lt3A_692 : vector<32x1024xi1>
      %or3A_694 = arith.ori %gt3A_688, %and3A_693 : vector<32x1024xi1>
      %convert_element_type3A_695 = arith.extui %or3A_694 : vector<32x1024xi1> to vector<32x1024xi32>
      %add3A_696 = arith.addi %add3A_684, %convert_element_type3A_695 : vector<32x1024xi32>
      %slice3A_697 = vector.extract_strided_slice %get3A_477 {offsets = [18, 0], sizes = [1, 1024], strides = [1, 1]} : vector<32x1024xf32> to vector<1x1024xf32>
      %slice3A_698 = vector.extract_strided_slice %get3A_480 {offsets = [18, 0], sizes = [1, 1024], strides = [1, 1]} : vector<32x1024xi32> to vector<1x1024xi32>
      %gt3A_699 = vector.broadcast %slice3A_697 : vector<1x1024xf32> to vector<32x1024xf32>
      %gt3A_700 = arith.cmpf ogt, %gt3A_699, %get3A_477 : vector<32x1024xf32>
      %eq3A_701 = vector.broadcast %slice3A_697 : vector<1x1024xf32> to vector<32x1024xf32>
      %eq3A_702 = arith.cmpf oeq, %eq3A_701, %get3A_477 : vector<32x1024xf32>
      %lt3A_703 = vector.broadcast %slice3A_698 : vector<1x1024xi32> to vector<32x1024xi32>
      %lt3A_704 = arith.cmpi slt, %lt3A_703, %get3A_480 : vector<32x1024xi32>
      %and3A_705 = arith.andi %eq3A_702, %lt3A_704 : vector<32x1024xi1>
      %or3A_706 = arith.ori %gt3A_700, %and3A_705 : vector<32x1024xi1>
      %convert_element_type3A_707 = arith.extui %or3A_706 : vector<32x1024xi1> to vector<32x1024xi32>
      %add3A_708 = arith.addi %add3A_696, %convert_element_type3A_707 : vector<32x1024xi32>
      %slice3A_709 = vector.extract_strided_slice %get3A_477 {offsets = [19, 0], sizes = [1, 1024], strides = [1, 1]} : vector<32x1024xf32> to vector<1x1024xf32>
      %slice3A_710 = vector.extract_strided_slice %get3A_480 {offsets = [19, 0], sizes = [1, 1024], strides = [1, 1]} : vector<32x1024xi32> to vector<1x1024xi32>
      %gt3A_711 = vector.broadcast %slice3A_709 : vector<1x1024xf32> to vector<32x1024xf32>
      %gt3A_712 = arith.cmpf ogt, %gt3A_711, %get3A_477 : vector<32x1024xf32>
      %eq3A_713 = vector.broadcast %slice3A_709 : vector<1x1024xf32> to vector<32x1024xf32>
      %eq3A_714 = arith.cmpf oeq, %eq3A_713, %get3A_477 : vector<32x1024xf32>
      %lt3A_715 = vector.broadcast %slice3A_710 : vector<1x1024xi32> to vector<32x1024xi32>
      %lt3A_716 = arith.cmpi slt, %lt3A_715, %get3A_480 : vector<32x1024xi32>
      %and3A_717 = arith.andi %eq3A_714, %lt3A_716 : vector<32x1024xi1>
      %or3A_718 = arith.ori %gt3A_712, %and3A_717 : vector<32x1024xi1>
      %convert_element_type3A_719 = arith.extui %or3A_718 : vector<32x1024xi1> to vector<32x1024xi32>
      %add3A_720 = arith.addi %add3A_708, %convert_element_type3A_719 : vector<32x1024xi32>
      %slice3A_721 = vector.extract_strided_slice %get3A_477 {offsets = [20, 0], sizes = [1, 1024], strides = [1, 1]} : vector<32x1024xf32> to vector<1x1024xf32>
      %slice3A_722 = vector.extract_strided_slice %get3A_480 {offsets = [20, 0], sizes = [1, 1024], strides = [1, 1]} : vector<32x1024xi32> to vector<1x1024xi32>
      %gt3A_723 = vector.broadcast %slice3A_721 : vector<1x1024xf32> to vector<32x1024xf32>
      %gt3A_724 = arith.cmpf ogt, %gt3A_723, %get3A_477 : vector<32x1024xf32>
      %eq3A_725 = vector.broadcast %slice3A_721 : vector<1x1024xf32> to vector<32x1024xf32>
      %eq3A_726 = arith.cmpf oeq, %eq3A_725, %get3A_477 : vector<32x1024xf32>
      %lt3A_727 = vector.broadcast %slice3A_722 : vector<1x1024xi32> to vector<32x1024xi32>
      %lt3A_728 = arith.cmpi slt, %lt3A_727, %get3A_480 : vector<32x1024xi32>
      %and3A_729 = arith.andi %eq3A_726, %lt3A_728 : vector<32x1024xi1>
      %or3A_730 = arith.ori %gt3A_724, %and3A_729 : vector<32x1024xi1>
      %convert_element_type3A_731 = arith.extui %or3A_730 : vector<32x1024xi1> to vector<32x1024xi32>
      %add3A_732 = arith.addi %add3A_720, %convert_element_type3A_731 : vector<32x1024xi32>
      %slice3A_733 = vector.extract_strided_slice %get3A_477 {offsets = [21, 0], sizes = [1, 1024], strides = [1, 1]} : vector<32x1024xf32> to vector<1x1024xf32>
      %slice3A_734 = vector.extract_strided_slice %get3A_480 {offsets = [21, 0], sizes = [1, 1024], strides = [1, 1]} : vector<32x1024xi32> to vector<1x1024xi32>
      %gt3A_735 = vector.broadcast %slice3A_733 : vector<1x1024xf32> to vector<32x1024xf32>
      %gt3A_736 = arith.cmpf ogt, %gt3A_735, %get3A_477 : vector<32x1024xf32>
      %eq3A_737 = vector.broadcast %slice3A_733 : vector<1x1024xf32> to vector<32x1024xf32>
      %eq3A_738 = arith.cmpf oeq, %eq3A_737, %get3A_477 : vector<32x1024xf32>
      %lt3A_739 = vector.broadcast %slice3A_734 : vector<1x1024xi32> to vector<32x1024xi32>
      %lt3A_740 = arith.cmpi slt, %lt3A_739, %get3A_480 : vector<32x1024xi32>
      %and3A_741 = arith.andi %eq3A_738, %lt3A_740 : vector<32x1024xi1>
      %or3A_742 = arith.ori %gt3A_736, %and3A_741 : vector<32x1024xi1>
      %convert_element_type3A_743 = arith.extui %or3A_742 : vector<32x1024xi1> to vector<32x1024xi32>
      %add3A_744 = arith.addi %add3A_732, %convert_element_type3A_743 : vector<32x1024xi32>
      %slice3A_745 = vector.extract_strided_slice %get3A_477 {offsets = [22, 0], sizes = [1, 1024], strides = [1, 1]} : vector<32x1024xf32> to vector<1x1024xf32>
      %slice3A_746 = vector.extract_strided_slice %get3A_480 {offsets = [22, 0], sizes = [1, 1024], strides = [1, 1]} : vector<32x1024xi32> to vector<1x1024xi32>
      %gt3A_747 = vector.broadcast %slice3A_745 : vector<1x1024xf32> to vector<32x1024xf32>
      %gt3A_748 = arith.cmpf ogt, %gt3A_747, %get3A_477 : vector<32x1024xf32>
      %eq3A_749 = vector.broadcast %slice3A_745 : vector<1x1024xf32> to vector<32x1024xf32>
      %eq3A_750 = arith.cmpf oeq, %eq3A_749, %get3A_477 : vector<32x1024xf32>
      %lt3A_751 = vector.broadcast %slice3A_746 : vector<1x1024xi32> to vector<32x1024xi32>
      %lt3A_752 = arith.cmpi slt, %lt3A_751, %get3A_480 : vector<32x1024xi32>
      %and3A_753 = arith.andi %eq3A_750, %lt3A_752 : vector<32x1024xi1>
      %or3A_754 = arith.ori %gt3A_748, %and3A_753 : vector<32x1024xi1>
      %convert_element_type3A_755 = arith.extui %or3A_754 : vector<32x1024xi1> to vector<32x1024xi32>
      %add3A_756 = arith.addi %add3A_744, %convert_element_type3A_755 : vector<32x1024xi32>
      %slice3A_757 = vector.extract_strided_slice %get3A_477 {offsets = [23, 0], sizes = [1, 1024], strides = [1, 1]} : vector<32x1024xf32> to vector<1x1024xf32>
      %slice3A_758 = vector.extract_strided_slice %get3A_480 {offsets = [23, 0], sizes = [1, 1024], strides = [1, 1]} : vector<32x1024xi32> to vector<1x1024xi32>
      %gt3A_759 = vector.broadcast %slice3A_757 : vector<1x1024xf32> to vector<32x1024xf32>
      %gt3A_760 = arith.cmpf ogt, %gt3A_759, %get3A_477 : vector<32x1024xf32>
      %eq3A_761 = vector.broadcast %slice3A_757 : vector<1x1024xf32> to vector<32x1024xf32>
      %eq3A_762 = arith.cmpf oeq, %eq3A_761, %get3A_477 : vector<32x1024xf32>
      %lt3A_763 = vector.broadcast %slice3A_758 : vector<1x1024xi32> to vector<32x1024xi32>
      %lt3A_764 = arith.cmpi slt, %lt3A_763, %get3A_480 : vector<32x1024xi32>
      %and3A_765 = arith.andi %eq3A_762, %lt3A_764 : vector<32x1024xi1>
      %or3A_766 = arith.ori %gt3A_760, %and3A_765 : vector<32x1024xi1>
      %convert_element_type3A_767 = arith.extui %or3A_766 : vector<32x1024xi1> to vector<32x1024xi32>
      %add3A_768 = arith.addi %add3A_756, %convert_element_type3A_767 : vector<32x1024xi32>
      %slice3A_769 = vector.extract_strided_slice %get3A_477 {offsets = [24, 0], sizes = [1, 1024], strides = [1, 1]} : vector<32x1024xf32> to vector<1x1024xf32>
      %slice3A_770 = vector.extract_strided_slice %get3A_480 {offsets = [24, 0], sizes = [1, 1024], strides = [1, 1]} : vector<32x1024xi32> to vector<1x1024xi32>
      %gt3A_771 = vector.broadcast %slice3A_769 : vector<1x1024xf32> to vector<32x1024xf32>
      %gt3A_772 = arith.cmpf ogt, %gt3A_771, %get3A_477 : vector<32x1024xf32>
      %eq3A_773 = vector.broadcast %slice3A_769 : vector<1x1024xf32> to vector<32x1024xf32>
      %eq3A_774 = arith.cmpf oeq, %eq3A_773, %get3A_477 : vector<32x1024xf32>
      %lt3A_775 = vector.broadcast %slice3A_770 : vector<1x1024xi32> to vector<32x1024xi32>
      %lt3A_776 = arith.cmpi slt, %lt3A_775, %get3A_480 : vector<32x1024xi32>
      %and3A_777 = arith.andi %eq3A_774, %lt3A_776 : vector<32x1024xi1>
      %or3A_778 = arith.ori %gt3A_772, %and3A_777 : vector<32x1024xi1>
      %convert_element_type3A_779 = arith.extui %or3A_778 : vector<32x1024xi1> to vector<32x1024xi32>
      %add3A_780 = arith.addi %add3A_768, %convert_element_type3A_779 : vector<32x1024xi32>
      %slice3A_781 = vector.extract_strided_slice %get3A_477 {offsets = [25, 0], sizes = [1, 1024], strides = [1, 1]} : vector<32x1024xf32> to vector<1x1024xf32>
      %slice3A_782 = vector.extract_strided_slice %get3A_480 {offsets = [25, 0], sizes = [1, 1024], strides = [1, 1]} : vector<32x1024xi32> to vector<1x1024xi32>
      %gt3A_783 = vector.broadcast %slice3A_781 : vector<1x1024xf32> to vector<32x1024xf32>
      %gt3A_784 = arith.cmpf ogt, %gt3A_783, %get3A_477 : vector<32x1024xf32>
      %eq3A_785 = vector.broadcast %slice3A_781 : vector<1x1024xf32> to vector<32x1024xf32>
      %eq3A_786 = arith.cmpf oeq, %eq3A_785, %get3A_477 : vector<32x1024xf32>
      %lt3A_787 = vector.broadcast %slice3A_782 : vector<1x1024xi32> to vector<32x1024xi32>
      %lt3A_788 = arith.cmpi slt, %lt3A_787, %get3A_480 : vector<32x1024xi32>
      %and3A_789 = arith.andi %eq3A_786, %lt3A_788 : vector<32x1024xi1>
      %or3A_790 = arith.ori %gt3A_784, %and3A_789 : vector<32x1024xi1>
      %convert_element_type3A_791 = arith.extui %or3A_790 : vector<32x1024xi1> to vector<32x1024xi32>
      %add3A_792 = arith.addi %add3A_780, %convert_element_type3A_791 : vector<32x1024xi32>
      %slice3A_793 = vector.extract_strided_slice %get3A_477 {offsets = [26, 0], sizes = [1, 1024], strides = [1, 1]} : vector<32x1024xf32> to vector<1x1024xf32>
      %slice3A_794 = vector.extract_strided_slice %get3A_480 {offsets = [26, 0], sizes = [1, 1024], strides = [1, 1]} : vector<32x1024xi32> to vector<1x1024xi32>
      %gt3A_795 = vector.broadcast %slice3A_793 : vector<1x1024xf32> to vector<32x1024xf32>
      %gt3A_796 = arith.cmpf ogt, %gt3A_795, %get3A_477 : vector<32x1024xf32>
      %eq3A_797 = vector.broadcast %slice3A_793 : vector<1x1024xf32> to vector<32x1024xf32>
      %eq3A_798 = arith.cmpf oeq, %eq3A_797, %get3A_477 : vector<32x1024xf32>
      %lt3A_799 = vector.broadcast %slice3A_794 : vector<1x1024xi32> to vector<32x1024xi32>
      %lt3A_800 = arith.cmpi slt, %lt3A_799, %get3A_480 : vector<32x1024xi32>
      %and3A_801 = arith.andi %eq3A_798, %lt3A_800 : vector<32x1024xi1>
      %or3A_802 = arith.ori %gt3A_796, %and3A_801 : vector<32x1024xi1>
      %convert_element_type3A_803 = arith.extui %or3A_802 : vector<32x1024xi1> to vector<32x1024xi32>
      %add3A_804 = arith.addi %add3A_792, %convert_element_type3A_803 : vector<32x1024xi32>
      %slice3A_805 = vector.extract_strided_slice %get3A_477 {offsets = [27, 0], sizes = [1, 1024], strides = [1, 1]} : vector<32x1024xf32> to vector<1x1024xf32>
      %slice3A_806 = vector.extract_strided_slice %get3A_480 {offsets = [27, 0], sizes = [1, 1024], strides = [1, 1]} : vector<32x1024xi32> to vector<1x1024xi32>
      %gt3A_807 = vector.broadcast %slice3A_805 : vector<1x1024xf32> to vector<32x1024xf32>
      %gt3A_808 = arith.cmpf ogt, %gt3A_807, %get3A_477 : vector<32x1024xf32>
      %eq3A_809 = vector.broadcast %slice3A_805 : vector<1x1024xf32> to vector<32x1024xf32>
      %eq3A_810 = arith.cmpf oeq, %eq3A_809, %get3A_477 : vector<32x1024xf32>
      %lt3A_811 = vector.broadcast %slice3A_806 : vector<1x1024xi32> to vector<32x1024xi32>
      %lt3A_812 = arith.cmpi slt, %lt3A_811, %get3A_480 : vector<32x1024xi32>
      %and3A_813 = arith.andi %eq3A_810, %lt3A_812 : vector<32x1024xi1>
      %or3A_814 = arith.ori %gt3A_808, %and3A_813 : vector<32x1024xi1>
      %convert_element_type3A_815 = arith.extui %or3A_814 : vector<32x1024xi1> to vector<32x1024xi32>
      %add3A_816 = arith.addi %add3A_804, %convert_element_type3A_815 : vector<32x1024xi32>
      %slice3A_817 = vector.extract_strided_slice %get3A_477 {offsets = [28, 0], sizes = [1, 1024], strides = [1, 1]} : vector<32x1024xf32> to vector<1x1024xf32>
      %slice3A_818 = vector.extract_strided_slice %get3A_480 {offsets = [28, 0], sizes = [1, 1024], strides = [1, 1]} : vector<32x1024xi32> to vector<1x1024xi32>
      %gt3A_819 = vector.broadcast %slice3A_817 : vector<1x1024xf32> to vector<32x1024xf32>
      %gt3A_820 = arith.cmpf ogt, %gt3A_819, %get3A_477 : vector<32x1024xf32>
      %eq3A_821 = vector.broadcast %slice3A_817 : vector<1x1024xf32> to vector<32x1024xf32>
      %eq3A_822 = arith.cmpf oeq, %eq3A_821, %get3A_477 : vector<32x1024xf32>
      %lt3A_823 = vector.broadcast %slice3A_818 : vector<1x1024xi32> to vector<32x1024xi32>
      %lt3A_824 = arith.cmpi slt, %lt3A_823, %get3A_480 : vector<32x1024xi32>
      %and3A_825 = arith.andi %eq3A_822, %lt3A_824 : vector<32x1024xi1>
      %or3A_826 = arith.ori %gt3A_820, %and3A_825 : vector<32x1024xi1>
      %convert_element_type3A_827 = arith.extui %or3A_826 : vector<32x1024xi1> to vector<32x1024xi32>
      %add3A_828 = arith.addi %add3A_816, %convert_element_type3A_827 : vector<32x1024xi32>
      %slice3A_829 = vector.extract_strided_slice %get3A_477 {offsets = [29, 0], sizes = [1, 1024], strides = [1, 1]} : vector<32x1024xf32> to vector<1x1024xf32>
      %slice3A_830 = vector.extract_strided_slice %get3A_480 {offsets = [29, 0], sizes = [1, 1024], strides = [1, 1]} : vector<32x1024xi32> to vector<1x1024xi32>
      %gt3A_831 = vector.broadcast %slice3A_829 : vector<1x1024xf32> to vector<32x1024xf32>
      %gt3A_832 = arith.cmpf ogt, %gt3A_831, %get3A_477 : vector<32x1024xf32>
      %eq3A_833 = vector.broadcast %slice3A_829 : vector<1x1024xf32> to vector<32x1024xf32>
      %eq3A_834 = arith.cmpf oeq, %eq3A_833, %get3A_477 : vector<32x1024xf32>
      %lt3A_835 = vector.broadcast %slice3A_830 : vector<1x1024xi32> to vector<32x1024xi32>
      %lt3A_836 = arith.cmpi slt, %lt3A_835, %get3A_480 : vector<32x1024xi32>
      %and3A_837 = arith.andi %eq3A_834, %lt3A_836 : vector<32x1024xi1>
      %or3A_838 = arith.ori %gt3A_832, %and3A_837 : vector<32x1024xi1>
      %convert_element_type3A_839 = arith.extui %or3A_838 : vector<32x1024xi1> to vector<32x1024xi32>
      %add3A_840 = arith.addi %add3A_828, %convert_element_type3A_839 : vector<32x1024xi32>
      %slice3A_841 = vector.extract_strided_slice %get3A_477 {offsets = [30, 0], sizes = [1, 1024], strides = [1, 1]} : vector<32x1024xf32> to vector<1x1024xf32>
      %slice3A_842 = vector.extract_strided_slice %get3A_480 {offsets = [30, 0], sizes = [1, 1024], strides = [1, 1]} : vector<32x1024xi32> to vector<1x1024xi32>
      %gt3A_843 = vector.broadcast %slice3A_841 : vector<1x1024xf32> to vector<32x1024xf32>
      %gt3A_844 = arith.cmpf ogt, %gt3A_843, %get3A_477 : vector<32x1024xf32>
      %eq3A_845 = vector.broadcast %slice3A_841 : vector<1x1024xf32> to vector<32x1024xf32>
      %eq3A_846 = arith.cmpf oeq, %eq3A_845, %get3A_477 : vector<32x1024xf32>
      %lt3A_847 = vector.broadcast %slice3A_842 : vector<1x1024xi32> to vector<32x1024xi32>
      %lt3A_848 = arith.cmpi slt, %lt3A_847, %get3A_480 : vector<32x1024xi32>
      %and3A_849 = arith.andi %eq3A_846, %lt3A_848 : vector<32x1024xi1>
      %or3A_850 = arith.ori %gt3A_844, %and3A_849 : vector<32x1024xi1>
      %convert_element_type3A_851 = arith.extui %or3A_850 : vector<32x1024xi1> to vector<32x1024xi32>
      %add3A_852 = arith.addi %add3A_840, %convert_element_type3A_851 : vector<32x1024xi32>
      %slice3A_853 = vector.extract_strided_slice %get3A_477 {offsets = [31, 0], sizes = [1, 1024], strides = [1, 1]} : vector<32x1024xf32> to vector<1x1024xf32>
      %slice3A_854 = vector.extract_strided_slice %get3A_480 {offsets = [31, 0], sizes = [1, 1024], strides = [1, 1]} : vector<32x1024xi32> to vector<1x1024xi32>
      %gt3A_855 = vector.broadcast %slice3A_853 : vector<1x1024xf32> to vector<32x1024xf32>
      %gt3A_856 = arith.cmpf ogt, %gt3A_855, %get3A_477 : vector<32x1024xf32>
      %eq3A_857 = vector.broadcast %slice3A_853 : vector<1x1024xf32> to vector<32x1024xf32>
      %eq3A_858 = arith.cmpf oeq, %eq3A_857, %get3A_477 : vector<32x1024xf32>
      %lt3A_859 = vector.broadcast %slice3A_854 : vector<1x1024xi32> to vector<32x1024xi32>
      %lt3A_860 = arith.cmpi slt, %lt3A_859, %get3A_480 : vector<32x1024xi32>
      %and3A_861 = arith.andi %eq3A_858, %lt3A_860 : vector<32x1024xi1>
      %or3A_862 = arith.ori %gt3A_856, %and3A_861 : vector<32x1024xi1>
      %convert_element_type3A_863 = arith.extui %or3A_862 : vector<32x1024xi1> to vector<32x1024xi32>
      %add3A_864 = arith.addi %add3A_852, %convert_element_type3A_863 : vector<32x1024xi32>
      %broadcast_in_dim3A_865 = arith.constant 0 : i32
      %broadcast_in_dim3A_866 = vector.broadcast %broadcast_in_dim3A_865 : i32 to vector<32x1024xi32>
      %eq3A_867 = arith.constant 0 : i32
      %eq3A_868 = vector.broadcast %eq3A_867 : i32 to vector<32x1024xi32>
      %eq3A_869 = arith.cmpi eq, %add3A_864, %eq3A_868 : vector<32x1024xi32>
      %jit3A_870 = arith.constant 0 : i32
      %broadcast_in_dim3A_871 = vector.broadcast %jit3A_870 : i32 to vector<32x1024xi32>
      %select_n3A_872 = arith.select %eq3A_869, %get3A_480, %broadcast_in_dim3A_871 : vector<32x1024xi1>, vector<32x1024xi32>
      %reduce_sum3A_873 = arith.constant dense<0> : vector<1024xi32>
      %reduce_sum3A_874 = vector.multi_reduction <add>, %select_n3A_872, %reduce_sum3A_873 [0] : vector<32x1024xi32> to vector<1024xi32>
      %broadcast_in_dim3A_875 = vector.shape_cast %reduce_sum3A_874 : vector<1024xi32> to vector<1x1024xi32>
      %eq3A_876 = arith.constant 0 : i32
      %eq3A_877 = vector.broadcast %eq3A_876 : i32 to vector<32x1024xi32>
      %eq3A_878 = arith.cmpi eq, %iota3A_429, %eq3A_877 : vector<32x1024xi32>
      %broadcast_in_dim3A_879 = vector.shape_cast %broadcast_in_dim3A_875 : vector<1x1024xi32> to vector<1x1024xi32>
      %broadcast_in_dim3A_880 = vector.broadcast %broadcast_in_dim3A_879 : vector<1x1024xi32> to vector<32x1024xi32>
      %select_n3A_881 = arith.select %eq3A_878, %broadcast_in_dim3A_880, %broadcast_in_dim3A_866 : vector<32x1024xi1>, vector<32x1024xi32>
      %eq3A_882 = arith.constant 1 : i32
      %eq3A_883 = vector.broadcast %eq3A_882 : i32 to vector<32x1024xi32>
      %eq3A_884 = arith.cmpi eq, %add3A_864, %eq3A_883 : vector<32x1024xi32>
      %jit3A_885 = arith.constant 0 : i32
      %broadcast_in_dim3A_886 = vector.broadcast %jit3A_885 : i32 to vector<32x1024xi32>
      %select_n3A_887 = arith.select %eq3A_884, %get3A_480, %broadcast_in_dim3A_886 : vector<32x1024xi1>, vector<32x1024xi32>
      %reduce_sum3A_888 = arith.constant dense<0> : vector<1024xi32>
      %reduce_sum3A_889 = vector.multi_reduction <add>, %select_n3A_887, %reduce_sum3A_888 [0] : vector<32x1024xi32> to vector<1024xi32>
      %broadcast_in_dim3A_890 = vector.shape_cast %reduce_sum3A_889 : vector<1024xi32> to vector<1x1024xi32>
      %eq3A_891 = arith.constant 1 : i32
      %eq3A_892 = vector.broadcast %eq3A_891 : i32 to vector<32x1024xi32>
      %eq3A_893 = arith.cmpi eq, %iota3A_429, %eq3A_892 : vector<32x1024xi32>
      %broadcast_in_dim3A_894 = vector.shape_cast %broadcast_in_dim3A_890 : vector<1x1024xi32> to vector<1x1024xi32>
      %broadcast_in_dim3A_895 = vector.broadcast %broadcast_in_dim3A_894 : vector<1x1024xi32> to vector<32x1024xi32>
      %select_n3A_896 = arith.select %eq3A_893, %broadcast_in_dim3A_895, %select_n3A_881 : vector<32x1024xi1>, vector<32x1024xi32>
      %eq3A_897 = arith.constant 2 : i32
      %eq3A_898 = vector.broadcast %eq3A_897 : i32 to vector<32x1024xi32>
      %eq3A_899 = arith.cmpi eq, %add3A_864, %eq3A_898 : vector<32x1024xi32>
      %jit3A_900 = arith.constant 0 : i32
      %broadcast_in_dim3A_901 = vector.broadcast %jit3A_900 : i32 to vector<32x1024xi32>
      %select_n3A_902 = arith.select %eq3A_899, %get3A_480, %broadcast_in_dim3A_901 : vector<32x1024xi1>, vector<32x1024xi32>
      %reduce_sum3A_903 = arith.constant dense<0> : vector<1024xi32>
      %reduce_sum3A_904 = vector.multi_reduction <add>, %select_n3A_902, %reduce_sum3A_903 [0] : vector<32x1024xi32> to vector<1024xi32>
      %broadcast_in_dim3A_905 = vector.shape_cast %reduce_sum3A_904 : vector<1024xi32> to vector<1x1024xi32>
      %eq3A_906 = arith.constant 2 : i32
      %eq3A_907 = vector.broadcast %eq3A_906 : i32 to vector<32x1024xi32>
      %eq3A_908 = arith.cmpi eq, %iota3A_429, %eq3A_907 : vector<32x1024xi32>
      %broadcast_in_dim3A_909 = vector.shape_cast %broadcast_in_dim3A_905 : vector<1x1024xi32> to vector<1x1024xi32>
      %broadcast_in_dim3A_910 = vector.broadcast %broadcast_in_dim3A_909 : vector<1x1024xi32> to vector<32x1024xi32>
      %select_n3A_911 = arith.select %eq3A_908, %broadcast_in_dim3A_910, %select_n3A_896 : vector<32x1024xi1>, vector<32x1024xi32>
      %eq3A_912 = arith.constant 3 : i32
      %eq3A_913 = vector.broadcast %eq3A_912 : i32 to vector<32x1024xi32>
      %eq3A_914 = arith.cmpi eq, %add3A_864, %eq3A_913 : vector<32x1024xi32>
      %jit3A_915 = arith.constant 0 : i32
      %broadcast_in_dim3A_916 = vector.broadcast %jit3A_915 : i32 to vector<32x1024xi32>
      %select_n3A_917 = arith.select %eq3A_914, %get3A_480, %broadcast_in_dim3A_916 : vector<32x1024xi1>, vector<32x1024xi32>
      %reduce_sum3A_918 = arith.constant dense<0> : vector<1024xi32>
      %reduce_sum3A_919 = vector.multi_reduction <add>, %select_n3A_917, %reduce_sum3A_918 [0] : vector<32x1024xi32> to vector<1024xi32>
      %broadcast_in_dim3A_920 = vector.shape_cast %reduce_sum3A_919 : vector<1024xi32> to vector<1x1024xi32>
      %eq3A_921 = arith.constant 3 : i32
      %eq3A_922 = vector.broadcast %eq3A_921 : i32 to vector<32x1024xi32>
      %eq3A_923 = arith.cmpi eq, %iota3A_429, %eq3A_922 : vector<32x1024xi32>
      %broadcast_in_dim3A_924 = vector.shape_cast %broadcast_in_dim3A_920 : vector<1x1024xi32> to vector<1x1024xi32>
      %broadcast_in_dim3A_925 = vector.broadcast %broadcast_in_dim3A_924 : vector<1x1024xi32> to vector<32x1024xi32>
      %select_n3A_926 = arith.select %eq3A_923, %broadcast_in_dim3A_925, %select_n3A_911 : vector<32x1024xi1>, vector<32x1024xi32>
      %eq3A_927 = arith.constant 4 : i32
      %eq3A_928 = vector.broadcast %eq3A_927 : i32 to vector<32x1024xi32>
      %eq3A_929 = arith.cmpi eq, %add3A_864, %eq3A_928 : vector<32x1024xi32>
      %jit3A_930 = arith.constant 0 : i32
      %broadcast_in_dim3A_931 = vector.broadcast %jit3A_930 : i32 to vector<32x1024xi32>
      %select_n3A_932 = arith.select %eq3A_929, %get3A_480, %broadcast_in_dim3A_931 : vector<32x1024xi1>, vector<32x1024xi32>
      %reduce_sum3A_933 = arith.constant dense<0> : vector<1024xi32>
      %reduce_sum3A_934 = vector.multi_reduction <add>, %select_n3A_932, %reduce_sum3A_933 [0] : vector<32x1024xi32> to vector<1024xi32>
      %broadcast_in_dim3A_935 = vector.shape_cast %reduce_sum3A_934 : vector<1024xi32> to vector<1x1024xi32>
      %eq3A_936 = arith.constant 4 : i32
      %eq3A_937 = vector.broadcast %eq3A_936 : i32 to vector<32x1024xi32>
      %eq3A_938 = arith.cmpi eq, %iota3A_429, %eq3A_937 : vector<32x1024xi32>
      %broadcast_in_dim3A_939 = vector.shape_cast %broadcast_in_dim3A_935 : vector<1x1024xi32> to vector<1x1024xi32>
      %broadcast_in_dim3A_940 = vector.broadcast %broadcast_in_dim3A_939 : vector<1x1024xi32> to vector<32x1024xi32>
      %select_n3A_941 = arith.select %eq3A_938, %broadcast_in_dim3A_940, %select_n3A_926 : vector<32x1024xi1>, vector<32x1024xi32>
      %eq3A_942 = arith.constant 5 : i32
      %eq3A_943 = vector.broadcast %eq3A_942 : i32 to vector<32x1024xi32>
      %eq3A_944 = arith.cmpi eq, %add3A_864, %eq3A_943 : vector<32x1024xi32>
      %jit3A_945 = arith.constant 0 : i32
      %broadcast_in_dim3A_946 = vector.broadcast %jit3A_945 : i32 to vector<32x1024xi32>
      %select_n3A_947 = arith.select %eq3A_944, %get3A_480, %broadcast_in_dim3A_946 : vector<32x1024xi1>, vector<32x1024xi32>
      %reduce_sum3A_948 = arith.constant dense<0> : vector<1024xi32>
      %reduce_sum3A_949 = vector.multi_reduction <add>, %select_n3A_947, %reduce_sum3A_948 [0] : vector<32x1024xi32> to vector<1024xi32>
      %broadcast_in_dim3A_950 = vector.shape_cast %reduce_sum3A_949 : vector<1024xi32> to vector<1x1024xi32>
      %eq3A_951 = arith.constant 5 : i32
      %eq3A_952 = vector.broadcast %eq3A_951 : i32 to vector<32x1024xi32>
      %eq3A_953 = arith.cmpi eq, %iota3A_429, %eq3A_952 : vector<32x1024xi32>
      %broadcast_in_dim3A_954 = vector.shape_cast %broadcast_in_dim3A_950 : vector<1x1024xi32> to vector<1x1024xi32>
      %broadcast_in_dim3A_955 = vector.broadcast %broadcast_in_dim3A_954 : vector<1x1024xi32> to vector<32x1024xi32>
      %select_n3A_956 = arith.select %eq3A_953, %broadcast_in_dim3A_955, %select_n3A_941 : vector<32x1024xi1>, vector<32x1024xi32>
      %eq3A_957 = arith.constant 6 : i32
      %eq3A_958 = vector.broadcast %eq3A_957 : i32 to vector<32x1024xi32>
      %eq3A_959 = arith.cmpi eq, %add3A_864, %eq3A_958 : vector<32x1024xi32>
      %jit3A_960 = arith.constant 0 : i32
      %broadcast_in_dim3A_961 = vector.broadcast %jit3A_960 : i32 to vector<32x1024xi32>
      %select_n3A_962 = arith.select %eq3A_959, %get3A_480, %broadcast_in_dim3A_961 : vector<32x1024xi1>, vector<32x1024xi32>
      %reduce_sum3A_963 = arith.constant dense<0> : vector<1024xi32>
      %reduce_sum3A_964 = vector.multi_reduction <add>, %select_n3A_962, %reduce_sum3A_963 [0] : vector<32x1024xi32> to vector<1024xi32>
      %broadcast_in_dim3A_965 = vector.shape_cast %reduce_sum3A_964 : vector<1024xi32> to vector<1x1024xi32>
      %eq3A_966 = arith.constant 6 : i32
      %eq3A_967 = vector.broadcast %eq3A_966 : i32 to vector<32x1024xi32>
      %eq3A_968 = arith.cmpi eq, %iota3A_429, %eq3A_967 : vector<32x1024xi32>
      %broadcast_in_dim3A_969 = vector.shape_cast %broadcast_in_dim3A_965 : vector<1x1024xi32> to vector<1x1024xi32>
      %broadcast_in_dim3A_970 = vector.broadcast %broadcast_in_dim3A_969 : vector<1x1024xi32> to vector<32x1024xi32>
      %select_n3A_971 = arith.select %eq3A_968, %broadcast_in_dim3A_970, %select_n3A_956 : vector<32x1024xi1>, vector<32x1024xi32>
      %eq3A_972 = arith.constant 7 : i32
      %eq3A_973 = vector.broadcast %eq3A_972 : i32 to vector<32x1024xi32>
      %eq3A_974 = arith.cmpi eq, %add3A_864, %eq3A_973 : vector<32x1024xi32>
      %jit3A_975 = arith.constant 0 : i32
      %broadcast_in_dim3A_976 = vector.broadcast %jit3A_975 : i32 to vector<32x1024xi32>
      %select_n3A_977 = arith.select %eq3A_974, %get3A_480, %broadcast_in_dim3A_976 : vector<32x1024xi1>, vector<32x1024xi32>
      %reduce_sum3A_978 = arith.constant dense<0> : vector<1024xi32>
      %reduce_sum3A_979 = vector.multi_reduction <add>, %select_n3A_977, %reduce_sum3A_978 [0] : vector<32x1024xi32> to vector<1024xi32>
      %broadcast_in_dim3A_980 = vector.shape_cast %reduce_sum3A_979 : vector<1024xi32> to vector<1x1024xi32>
      %eq3A_981 = arith.constant 7 : i32
      %eq3A_982 = vector.broadcast %eq3A_981 : i32 to vector<32x1024xi32>
      %eq3A_983 = arith.cmpi eq, %iota3A_429, %eq3A_982 : vector<32x1024xi32>
      %broadcast_in_dim3A_984 = vector.shape_cast %broadcast_in_dim3A_980 : vector<1x1024xi32> to vector<1x1024xi32>
      %broadcast_in_dim3A_985 = vector.broadcast %broadcast_in_dim3A_984 : vector<1x1024xi32> to vector<32x1024xi32>
      %select_n3A_986 = arith.select %eq3A_983, %broadcast_in_dim3A_985, %select_n3A_971 : vector<32x1024xi1>, vector<32x1024xi32>
      %eq3A_987 = arith.constant 8 : i32
      %eq3A_988 = vector.broadcast %eq3A_987 : i32 to vector<32x1024xi32>
      %eq3A_989 = arith.cmpi eq, %add3A_864, %eq3A_988 : vector<32x1024xi32>
      %jit3A_990 = arith.constant 0 : i32
      %broadcast_in_dim3A_991 = vector.broadcast %jit3A_990 : i32 to vector<32x1024xi32>
      %select_n3A_992 = arith.select %eq3A_989, %get3A_480, %broadcast_in_dim3A_991 : vector<32x1024xi1>, vector<32x1024xi32>
      %reduce_sum3A_993 = arith.constant dense<0> : vector<1024xi32>
      %reduce_sum3A_994 = vector.multi_reduction <add>, %select_n3A_992, %reduce_sum3A_993 [0] : vector<32x1024xi32> to vector<1024xi32>
      %broadcast_in_dim3A_995 = vector.shape_cast %reduce_sum3A_994 : vector<1024xi32> to vector<1x1024xi32>
      %eq3A_996 = arith.constant 8 : i32
      %eq3A_997 = vector.broadcast %eq3A_996 : i32 to vector<32x1024xi32>
      %eq3A_998 = arith.cmpi eq, %iota3A_429, %eq3A_997 : vector<32x1024xi32>
      %broadcast_in_dim3A_999 = vector.shape_cast %broadcast_in_dim3A_995 : vector<1x1024xi32> to vector<1x1024xi32>
      %broadcast_in_dim3A_1000 = vector.broadcast %broadcast_in_dim3A_999 : vector<1x1024xi32> to vector<32x1024xi32>
      %select_n3A_1001 = arith.select %eq3A_998, %broadcast_in_dim3A_1000, %select_n3A_986 : vector<32x1024xi1>, vector<32x1024xi32>
      %eq3A_1002 = arith.constant 9 : i32
      %eq3A_1003 = vector.broadcast %eq3A_1002 : i32 to vector<32x1024xi32>
      %eq3A_1004 = arith.cmpi eq, %add3A_864, %eq3A_1003 : vector<32x1024xi32>
      %jit3A_1005 = arith.constant 0 : i32
      %broadcast_in_dim3A_1006 = vector.broadcast %jit3A_1005 : i32 to vector<32x1024xi32>
      %select_n3A_1007 = arith.select %eq3A_1004, %get3A_480, %broadcast_in_dim3A_1006 : vector<32x1024xi1>, vector<32x1024xi32>
      %reduce_sum3A_1008 = arith.constant dense<0> : vector<1024xi32>
      %reduce_sum3A_1009 = vector.multi_reduction <add>, %select_n3A_1007, %reduce_sum3A_1008 [0] : vector<32x1024xi32> to vector<1024xi32>
      %broadcast_in_dim3A_1010 = vector.shape_cast %reduce_sum3A_1009 : vector<1024xi32> to vector<1x1024xi32>
      %eq3A_1011 = arith.constant 9 : i32
      %eq3A_1012 = vector.broadcast %eq3A_1011 : i32 to vector<32x1024xi32>
      %eq3A_1013 = arith.cmpi eq, %iota3A_429, %eq3A_1012 : vector<32x1024xi32>
      %broadcast_in_dim3A_1014 = vector.shape_cast %broadcast_in_dim3A_1010 : vector<1x1024xi32> to vector<1x1024xi32>
      %broadcast_in_dim3A_1015 = vector.broadcast %broadcast_in_dim3A_1014 : vector<1x1024xi32> to vector<32x1024xi32>
      %select_n3A_1016 = arith.select %eq3A_1013, %broadcast_in_dim3A_1015, %select_n3A_1001 : vector<32x1024xi1>, vector<32x1024xi32>
      %eq3A_1017 = arith.constant 10 : i32
      %eq3A_1018 = vector.broadcast %eq3A_1017 : i32 to vector<32x1024xi32>
      %eq3A_1019 = arith.cmpi eq, %add3A_864, %eq3A_1018 : vector<32x1024xi32>
      %jit3A_1020 = arith.constant 0 : i32
      %broadcast_in_dim3A_1021 = vector.broadcast %jit3A_1020 : i32 to vector<32x1024xi32>
      %select_n3A_1022 = arith.select %eq3A_1019, %get3A_480, %broadcast_in_dim3A_1021 : vector<32x1024xi1>, vector<32x1024xi32>
      %reduce_sum3A_1023 = arith.constant dense<0> : vector<1024xi32>
      %reduce_sum3A_1024 = vector.multi_reduction <add>, %select_n3A_1022, %reduce_sum3A_1023 [0] : vector<32x1024xi32> to vector<1024xi32>
      %broadcast_in_dim3A_1025 = vector.shape_cast %reduce_sum3A_1024 : vector<1024xi32> to vector<1x1024xi32>
      %eq3A_1026 = arith.constant 10 : i32
      %eq3A_1027 = vector.broadcast %eq3A_1026 : i32 to vector<32x1024xi32>
      %eq3A_1028 = arith.cmpi eq, %iota3A_429, %eq3A_1027 : vector<32x1024xi32>
      %broadcast_in_dim3A_1029 = vector.shape_cast %broadcast_in_dim3A_1025 : vector<1x1024xi32> to vector<1x1024xi32>
      %broadcast_in_dim3A_1030 = vector.broadcast %broadcast_in_dim3A_1029 : vector<1x1024xi32> to vector<32x1024xi32>
      %select_n3A_1031 = arith.select %eq3A_1028, %broadcast_in_dim3A_1030, %select_n3A_1016 : vector<32x1024xi1>, vector<32x1024xi32>
      %eq3A_1032 = arith.constant 11 : i32
      %eq3A_1033 = vector.broadcast %eq3A_1032 : i32 to vector<32x1024xi32>
      %eq3A_1034 = arith.cmpi eq, %add3A_864, %eq3A_1033 : vector<32x1024xi32>
      %jit3A_1035 = arith.constant 0 : i32
      %broadcast_in_dim3A_1036 = vector.broadcast %jit3A_1035 : i32 to vector<32x1024xi32>
      %select_n3A_1037 = arith.select %eq3A_1034, %get3A_480, %broadcast_in_dim3A_1036 : vector<32x1024xi1>, vector<32x1024xi32>
      %reduce_sum3A_1038 = arith.constant dense<0> : vector<1024xi32>
      %reduce_sum3A_1039 = vector.multi_reduction <add>, %select_n3A_1037, %reduce_sum3A_1038 [0] : vector<32x1024xi32> to vector<1024xi32>
      %broadcast_in_dim3A_1040 = vector.shape_cast %reduce_sum3A_1039 : vector<1024xi32> to vector<1x1024xi32>
      %eq3A_1041 = arith.constant 11 : i32
      %eq3A_1042 = vector.broadcast %eq3A_1041 : i32 to vector<32x1024xi32>
      %eq3A_1043 = arith.cmpi eq, %iota3A_429, %eq3A_1042 : vector<32x1024xi32>
      %broadcast_in_dim3A_1044 = vector.shape_cast %broadcast_in_dim3A_1040 : vector<1x1024xi32> to vector<1x1024xi32>
      %broadcast_in_dim3A_1045 = vector.broadcast %broadcast_in_dim3A_1044 : vector<1x1024xi32> to vector<32x1024xi32>
      %select_n3A_1046 = arith.select %eq3A_1043, %broadcast_in_dim3A_1045, %select_n3A_1031 : vector<32x1024xi1>, vector<32x1024xi32>
      %eq3A_1047 = arith.constant 12 : i32
      %eq3A_1048 = vector.broadcast %eq3A_1047 : i32 to vector<32x1024xi32>
      %eq3A_1049 = arith.cmpi eq, %add3A_864, %eq3A_1048 : vector<32x1024xi32>
      %jit3A_1050 = arith.constant 0 : i32
      %broadcast_in_dim3A_1051 = vector.broadcast %jit3A_1050 : i32 to vector<32x1024xi32>
      %select_n3A_1052 = arith.select %eq3A_1049, %get3A_480, %broadcast_in_dim3A_1051 : vector<32x1024xi1>, vector<32x1024xi32>
      %reduce_sum3A_1053 = arith.constant dense<0> : vector<1024xi32>
      %reduce_sum3A_1054 = vector.multi_reduction <add>, %select_n3A_1052, %reduce_sum3A_1053 [0] : vector<32x1024xi32> to vector<1024xi32>
      %broadcast_in_dim3A_1055 = vector.shape_cast %reduce_sum3A_1054 : vector<1024xi32> to vector<1x1024xi32>
      %eq3A_1056 = arith.constant 12 : i32
      %eq3A_1057 = vector.broadcast %eq3A_1056 : i32 to vector<32x1024xi32>
      %eq3A_1058 = arith.cmpi eq, %iota3A_429, %eq3A_1057 : vector<32x1024xi32>
      %broadcast_in_dim3A_1059 = vector.shape_cast %broadcast_in_dim3A_1055 : vector<1x1024xi32> to vector<1x1024xi32>
      %broadcast_in_dim3A_1060 = vector.broadcast %broadcast_in_dim3A_1059 : vector<1x1024xi32> to vector<32x1024xi32>
      %select_n3A_1061 = arith.select %eq3A_1058, %broadcast_in_dim3A_1060, %select_n3A_1046 : vector<32x1024xi1>, vector<32x1024xi32>
      %eq3A_1062 = arith.constant 13 : i32
      %eq3A_1063 = vector.broadcast %eq3A_1062 : i32 to vector<32x1024xi32>
      %eq3A_1064 = arith.cmpi eq, %add3A_864, %eq3A_1063 : vector<32x1024xi32>
      %jit3A_1065 = arith.constant 0 : i32
      %broadcast_in_dim3A_1066 = vector.broadcast %jit3A_1065 : i32 to vector<32x1024xi32>
      %select_n3A_1067 = arith.select %eq3A_1064, %get3A_480, %broadcast_in_dim3A_1066 : vector<32x1024xi1>, vector<32x1024xi32>
      %reduce_sum3A_1068 = arith.constant dense<0> : vector<1024xi32>
      %reduce_sum3A_1069 = vector.multi_reduction <add>, %select_n3A_1067, %reduce_sum3A_1068 [0] : vector<32x1024xi32> to vector<1024xi32>
      %broadcast_in_dim3A_1070 = vector.shape_cast %reduce_sum3A_1069 : vector<1024xi32> to vector<1x1024xi32>
      %eq3A_1071 = arith.constant 13 : i32
      %eq3A_1072 = vector.broadcast %eq3A_1071 : i32 to vector<32x1024xi32>
      %eq3A_1073 = arith.cmpi eq, %iota3A_429, %eq3A_1072 : vector<32x1024xi32>
      %broadcast_in_dim3A_1074 = vector.shape_cast %broadcast_in_dim3A_1070 : vector<1x1024xi32> to vector<1x1024xi32>
      %broadcast_in_dim3A_1075 = vector.broadcast %broadcast_in_dim3A_1074 : vector<1x1024xi32> to vector<32x1024xi32>
      %select_n3A_1076 = arith.select %eq3A_1073, %broadcast_in_dim3A_1075, %select_n3A_1061 : vector<32x1024xi1>, vector<32x1024xi32>
      %eq3A_1077 = arith.constant 14 : i32
      %eq3A_1078 = vector.broadcast %eq3A_1077 : i32 to vector<32x1024xi32>
      %eq3A_1079 = arith.cmpi eq, %add3A_864, %eq3A_1078 : vector<32x1024xi32>
      %jit3A_1080 = arith.constant 0 : i32
      %broadcast_in_dim3A_1081 = vector.broadcast %jit3A_1080 : i32 to vector<32x1024xi32>
      %select_n3A_1082 = arith.select %eq3A_1079, %get3A_480, %broadcast_in_dim3A_1081 : vector<32x1024xi1>, vector<32x1024xi32>
      %reduce_sum3A_1083 = arith.constant dense<0> : vector<1024xi32>
      %reduce_sum3A_1084 = vector.multi_reduction <add>, %select_n3A_1082, %reduce_sum3A_1083 [0] : vector<32x1024xi32> to vector<1024xi32>
      %broadcast_in_dim3A_1085 = vector.shape_cast %reduce_sum3A_1084 : vector<1024xi32> to vector<1x1024xi32>
      %eq3A_1086 = arith.constant 14 : i32
      %eq3A_1087 = vector.broadcast %eq3A_1086 : i32 to vector<32x1024xi32>
      %eq3A_1088 = arith.cmpi eq, %iota3A_429, %eq3A_1087 : vector<32x1024xi32>
      %broadcast_in_dim3A_1089 = vector.shape_cast %broadcast_in_dim3A_1085 : vector<1x1024xi32> to vector<1x1024xi32>
      %broadcast_in_dim3A_1090 = vector.broadcast %broadcast_in_dim3A_1089 : vector<1x1024xi32> to vector<32x1024xi32>
      %select_n3A_1091 = arith.select %eq3A_1088, %broadcast_in_dim3A_1090, %select_n3A_1076 : vector<32x1024xi1>, vector<32x1024xi32>
      %eq3A_1092 = arith.constant 15 : i32
      %eq3A_1093 = vector.broadcast %eq3A_1092 : i32 to vector<32x1024xi32>
      %eq3A_1094 = arith.cmpi eq, %add3A_864, %eq3A_1093 : vector<32x1024xi32>
      %jit3A_1095 = arith.constant 0 : i32
      %broadcast_in_dim3A_1096 = vector.broadcast %jit3A_1095 : i32 to vector<32x1024xi32>
      %select_n3A_1097 = arith.select %eq3A_1094, %get3A_480, %broadcast_in_dim3A_1096 : vector<32x1024xi1>, vector<32x1024xi32>
      %reduce_sum3A_1098 = arith.constant dense<0> : vector<1024xi32>
      %reduce_sum3A_1099 = vector.multi_reduction <add>, %select_n3A_1097, %reduce_sum3A_1098 [0] : vector<32x1024xi32> to vector<1024xi32>
      %broadcast_in_dim3A_1100 = vector.shape_cast %reduce_sum3A_1099 : vector<1024xi32> to vector<1x1024xi32>
      %eq3A_1101 = arith.constant 15 : i32
      %eq3A_1102 = vector.broadcast %eq3A_1101 : i32 to vector<32x1024xi32>
      %eq3A_1103 = arith.cmpi eq, %iota3A_429, %eq3A_1102 : vector<32x1024xi32>
      %broadcast_in_dim3A_1104 = vector.shape_cast %broadcast_in_dim3A_1100 : vector<1x1024xi32> to vector<1x1024xi32>
      %broadcast_in_dim3A_1105 = vector.broadcast %broadcast_in_dim3A_1104 : vector<1x1024xi32> to vector<32x1024xi32>
      %select_n3A_1106 = arith.select %eq3A_1103, %broadcast_in_dim3A_1105, %select_n3A_1091 : vector<32x1024xi1>, vector<32x1024xi32>
      %eq3A_1107 = arith.constant 16 : i32
      %eq3A_1108 = vector.broadcast %eq3A_1107 : i32 to vector<32x1024xi32>
      %eq3A_1109 = arith.cmpi eq, %add3A_864, %eq3A_1108 : vector<32x1024xi32>
      %jit3A_1110 = arith.constant 0 : i32
      %broadcast_in_dim3A_1111 = vector.broadcast %jit3A_1110 : i32 to vector<32x1024xi32>
      %select_n3A_1112 = arith.select %eq3A_1109, %get3A_480, %broadcast_in_dim3A_1111 : vector<32x1024xi1>, vector<32x1024xi32>
      %reduce_sum3A_1113 = arith.constant dense<0> : vector<1024xi32>
      %reduce_sum3A_1114 = vector.multi_reduction <add>, %select_n3A_1112, %reduce_sum3A_1113 [0] : vector<32x1024xi32> to vector<1024xi32>
      %broadcast_in_dim3A_1115 = vector.shape_cast %reduce_sum3A_1114 : vector<1024xi32> to vector<1x1024xi32>
      %eq3A_1116 = arith.constant 16 : i32
      %eq3A_1117 = vector.broadcast %eq3A_1116 : i32 to vector<32x1024xi32>
      %eq3A_1118 = arith.cmpi eq, %iota3A_429, %eq3A_1117 : vector<32x1024xi32>
      %broadcast_in_dim3A_1119 = vector.shape_cast %broadcast_in_dim3A_1115 : vector<1x1024xi32> to vector<1x1024xi32>
      %broadcast_in_dim3A_1120 = vector.broadcast %broadcast_in_dim3A_1119 : vector<1x1024xi32> to vector<32x1024xi32>
      %select_n3A_1121 = arith.select %eq3A_1118, %broadcast_in_dim3A_1120, %select_n3A_1106 : vector<32x1024xi1>, vector<32x1024xi32>
      %eq3A_1122 = arith.constant 17 : i32
      %eq3A_1123 = vector.broadcast %eq3A_1122 : i32 to vector<32x1024xi32>
      %eq3A_1124 = arith.cmpi eq, %add3A_864, %eq3A_1123 : vector<32x1024xi32>
      %jit3A_1125 = arith.constant 0 : i32
      %broadcast_in_dim3A_1126 = vector.broadcast %jit3A_1125 : i32 to vector<32x1024xi32>
      %select_n3A_1127 = arith.select %eq3A_1124, %get3A_480, %broadcast_in_dim3A_1126 : vector<32x1024xi1>, vector<32x1024xi32>
      %reduce_sum3A_1128 = arith.constant dense<0> : vector<1024xi32>
      %reduce_sum3A_1129 = vector.multi_reduction <add>, %select_n3A_1127, %reduce_sum3A_1128 [0] : vector<32x1024xi32> to vector<1024xi32>
      %broadcast_in_dim3A_1130 = vector.shape_cast %reduce_sum3A_1129 : vector<1024xi32> to vector<1x1024xi32>
      %eq3A_1131 = arith.constant 17 : i32
      %eq3A_1132 = vector.broadcast %eq3A_1131 : i32 to vector<32x1024xi32>
      %eq3A_1133 = arith.cmpi eq, %iota3A_429, %eq3A_1132 : vector<32x1024xi32>
      %broadcast_in_dim3A_1134 = vector.shape_cast %broadcast_in_dim3A_1130 : vector<1x1024xi32> to vector<1x1024xi32>
      %broadcast_in_dim3A_1135 = vector.broadcast %broadcast_in_dim3A_1134 : vector<1x1024xi32> to vector<32x1024xi32>
      %select_n3A_1136 = arith.select %eq3A_1133, %broadcast_in_dim3A_1135, %select_n3A_1121 : vector<32x1024xi1>, vector<32x1024xi32>
      %eq3A_1137 = arith.constant 18 : i32
      %eq3A_1138 = vector.broadcast %eq3A_1137 : i32 to vector<32x1024xi32>
      %eq3A_1139 = arith.cmpi eq, %add3A_864, %eq3A_1138 : vector<32x1024xi32>
      %jit3A_1140 = arith.constant 0 : i32
      %broadcast_in_dim3A_1141 = vector.broadcast %jit3A_1140 : i32 to vector<32x1024xi32>
      %select_n3A_1142 = arith.select %eq3A_1139, %get3A_480, %broadcast_in_dim3A_1141 : vector<32x1024xi1>, vector<32x1024xi32>
      %reduce_sum3A_1143 = arith.constant dense<0> : vector<1024xi32>
      %reduce_sum3A_1144 = vector.multi_reduction <add>, %select_n3A_1142, %reduce_sum3A_1143 [0] : vector<32x1024xi32> to vector<1024xi32>
      %broadcast_in_dim3A_1145 = vector.shape_cast %reduce_sum3A_1144 : vector<1024xi32> to vector<1x1024xi32>
      %eq3A_1146 = arith.constant 18 : i32
      %eq3A_1147 = vector.broadcast %eq3A_1146 : i32 to vector<32x1024xi32>
      %eq3A_1148 = arith.cmpi eq, %iota3A_429, %eq3A_1147 : vector<32x1024xi32>
      %broadcast_in_dim3A_1149 = vector.shape_cast %broadcast_in_dim3A_1145 : vector<1x1024xi32> to vector<1x1024xi32>
      %broadcast_in_dim3A_1150 = vector.broadcast %broadcast_in_dim3A_1149 : vector<1x1024xi32> to vector<32x1024xi32>
      %select_n3A_1151 = arith.select %eq3A_1148, %broadcast_in_dim3A_1150, %select_n3A_1136 : vector<32x1024xi1>, vector<32x1024xi32>
      %eq3A_1152 = arith.constant 19 : i32
      %eq3A_1153 = vector.broadcast %eq3A_1152 : i32 to vector<32x1024xi32>
      %eq3A_1154 = arith.cmpi eq, %add3A_864, %eq3A_1153 : vector<32x1024xi32>
      %jit3A_1155 = arith.constant 0 : i32
      %broadcast_in_dim3A_1156 = vector.broadcast %jit3A_1155 : i32 to vector<32x1024xi32>
      %select_n3A_1157 = arith.select %eq3A_1154, %get3A_480, %broadcast_in_dim3A_1156 : vector<32x1024xi1>, vector<32x1024xi32>
      %reduce_sum3A_1158 = arith.constant dense<0> : vector<1024xi32>
      %reduce_sum3A_1159 = vector.multi_reduction <add>, %select_n3A_1157, %reduce_sum3A_1158 [0] : vector<32x1024xi32> to vector<1024xi32>
      %broadcast_in_dim3A_1160 = vector.shape_cast %reduce_sum3A_1159 : vector<1024xi32> to vector<1x1024xi32>
      %eq3A_1161 = arith.constant 19 : i32
      %eq3A_1162 = vector.broadcast %eq3A_1161 : i32 to vector<32x1024xi32>
      %eq3A_1163 = arith.cmpi eq, %iota3A_429, %eq3A_1162 : vector<32x1024xi32>
      %broadcast_in_dim3A_1164 = vector.shape_cast %broadcast_in_dim3A_1160 : vector<1x1024xi32> to vector<1x1024xi32>
      %broadcast_in_dim3A_1165 = vector.broadcast %broadcast_in_dim3A_1164 : vector<1x1024xi32> to vector<32x1024xi32>
      %select_n3A_1166 = arith.select %eq3A_1163, %broadcast_in_dim3A_1165, %select_n3A_1151 : vector<32x1024xi1>, vector<32x1024xi32>
      %eq3A_1167 = arith.constant 20 : i32
      %eq3A_1168 = vector.broadcast %eq3A_1167 : i32 to vector<32x1024xi32>
      %eq3A_1169 = arith.cmpi eq, %add3A_864, %eq3A_1168 : vector<32x1024xi32>
      %jit3A_1170 = arith.constant 0 : i32
      %broadcast_in_dim3A_1171 = vector.broadcast %jit3A_1170 : i32 to vector<32x1024xi32>
      %select_n3A_1172 = arith.select %eq3A_1169, %get3A_480, %broadcast_in_dim3A_1171 : vector<32x1024xi1>, vector<32x1024xi32>
      %reduce_sum3A_1173 = arith.constant dense<0> : vector<1024xi32>
      %reduce_sum3A_1174 = vector.multi_reduction <add>, %select_n3A_1172, %reduce_sum3A_1173 [0] : vector<32x1024xi32> to vector<1024xi32>
      %broadcast_in_dim3A_1175 = vector.shape_cast %reduce_sum3A_1174 : vector<1024xi32> to vector<1x1024xi32>
      %eq3A_1176 = arith.constant 20 : i32
      %eq3A_1177 = vector.broadcast %eq3A_1176 : i32 to vector<32x1024xi32>
      %eq3A_1178 = arith.cmpi eq, %iota3A_429, %eq3A_1177 : vector<32x1024xi32>
      %broadcast_in_dim3A_1179 = vector.shape_cast %broadcast_in_dim3A_1175 : vector<1x1024xi32> to vector<1x1024xi32>
      %broadcast_in_dim3A_1180 = vector.broadcast %broadcast_in_dim3A_1179 : vector<1x1024xi32> to vector<32x1024xi32>
      %select_n3A_1181 = arith.select %eq3A_1178, %broadcast_in_dim3A_1180, %select_n3A_1166 : vector<32x1024xi1>, vector<32x1024xi32>
      %eq3A_1182 = arith.constant 21 : i32
      %eq3A_1183 = vector.broadcast %eq3A_1182 : i32 to vector<32x1024xi32>
      %eq3A_1184 = arith.cmpi eq, %add3A_864, %eq3A_1183 : vector<32x1024xi32>
      %jit3A_1185 = arith.constant 0 : i32
      %broadcast_in_dim3A_1186 = vector.broadcast %jit3A_1185 : i32 to vector<32x1024xi32>
      %select_n3A_1187 = arith.select %eq3A_1184, %get3A_480, %broadcast_in_dim3A_1186 : vector<32x1024xi1>, vector<32x1024xi32>
      %reduce_sum3A_1188 = arith.constant dense<0> : vector<1024xi32>
      %reduce_sum3A_1189 = vector.multi_reduction <add>, %select_n3A_1187, %reduce_sum3A_1188 [0] : vector<32x1024xi32> to vector<1024xi32>
      %broadcast_in_dim3A_1190 = vector.shape_cast %reduce_sum3A_1189 : vector<1024xi32> to vector<1x1024xi32>
      %eq3A_1191 = arith.constant 21 : i32
      %eq3A_1192 = vector.broadcast %eq3A_1191 : i32 to vector<32x1024xi32>
      %eq3A_1193 = arith.cmpi eq, %iota3A_429, %eq3A_1192 : vector<32x1024xi32>
      %broadcast_in_dim3A_1194 = vector.shape_cast %broadcast_in_dim3A_1190 : vector<1x1024xi32> to vector<1x1024xi32>
      %broadcast_in_dim3A_1195 = vector.broadcast %broadcast_in_dim3A_1194 : vector<1x1024xi32> to vector<32x1024xi32>
      %select_n3A_1196 = arith.select %eq3A_1193, %broadcast_in_dim3A_1195, %select_n3A_1181 : vector<32x1024xi1>, vector<32x1024xi32>
      %eq3A_1197 = arith.constant 22 : i32
      %eq3A_1198 = vector.broadcast %eq3A_1197 : i32 to vector<32x1024xi32>
      %eq3A_1199 = arith.cmpi eq, %add3A_864, %eq3A_1198 : vector<32x1024xi32>
      %jit3A_1200 = arith.constant 0 : i32
      %broadcast_in_dim3A_1201 = vector.broadcast %jit3A_1200 : i32 to vector<32x1024xi32>
      %select_n3A_1202 = arith.select %eq3A_1199, %get3A_480, %broadcast_in_dim3A_1201 : vector<32x1024xi1>, vector<32x1024xi32>
      %reduce_sum3A_1203 = arith.constant dense<0> : vector<1024xi32>
      %reduce_sum3A_1204 = vector.multi_reduction <add>, %select_n3A_1202, %reduce_sum3A_1203 [0] : vector<32x1024xi32> to vector<1024xi32>
      %broadcast_in_dim3A_1205 = vector.shape_cast %reduce_sum3A_1204 : vector<1024xi32> to vector<1x1024xi32>
      %eq3A_1206 = arith.constant 22 : i32
      %eq3A_1207 = vector.broadcast %eq3A_1206 : i32 to vector<32x1024xi32>
      %eq3A_1208 = arith.cmpi eq, %iota3A_429, %eq3A_1207 : vector<32x1024xi32>
      %broadcast_in_dim3A_1209 = vector.shape_cast %broadcast_in_dim3A_1205 : vector<1x1024xi32> to vector<1x1024xi32>
      %broadcast_in_dim3A_1210 = vector.broadcast %broadcast_in_dim3A_1209 : vector<1x1024xi32> to vector<32x1024xi32>
      %select_n3A_1211 = arith.select %eq3A_1208, %broadcast_in_dim3A_1210, %select_n3A_1196 : vector<32x1024xi1>, vector<32x1024xi32>
      %eq3A_1212 = arith.constant 23 : i32
      %eq3A_1213 = vector.broadcast %eq3A_1212 : i32 to vector<32x1024xi32>
      %eq3A_1214 = arith.cmpi eq, %add3A_864, %eq3A_1213 : vector<32x1024xi32>
      %jit3A_1215 = arith.constant 0 : i32
      %broadcast_in_dim3A_1216 = vector.broadcast %jit3A_1215 : i32 to vector<32x1024xi32>
      %select_n3A_1217 = arith.select %eq3A_1214, %get3A_480, %broadcast_in_dim3A_1216 : vector<32x1024xi1>, vector<32x1024xi32>
      %reduce_sum3A_1218 = arith.constant dense<0> : vector<1024xi32>
      %reduce_sum3A_1219 = vector.multi_reduction <add>, %select_n3A_1217, %reduce_sum3A_1218 [0] : vector<32x1024xi32> to vector<1024xi32>
      %broadcast_in_dim3A_1220 = vector.shape_cast %reduce_sum3A_1219 : vector<1024xi32> to vector<1x1024xi32>
      %eq3A_1221 = arith.constant 23 : i32
      %eq3A_1222 = vector.broadcast %eq3A_1221 : i32 to vector<32x1024xi32>
      %eq3A_1223 = arith.cmpi eq, %iota3A_429, %eq3A_1222 : vector<32x1024xi32>
      %broadcast_in_dim3A_1224 = vector.shape_cast %broadcast_in_dim3A_1220 : vector<1x1024xi32> to vector<1x1024xi32>
      %broadcast_in_dim3A_1225 = vector.broadcast %broadcast_in_dim3A_1224 : vector<1x1024xi32> to vector<32x1024xi32>
      %select_n3A_1226 = arith.select %eq3A_1223, %broadcast_in_dim3A_1225, %select_n3A_1211 : vector<32x1024xi1>, vector<32x1024xi32>
      %eq3A_1227 = arith.constant 24 : i32
      %eq3A_1228 = vector.broadcast %eq3A_1227 : i32 to vector<32x1024xi32>
      %eq3A_1229 = arith.cmpi eq, %add3A_864, %eq3A_1228 : vector<32x1024xi32>
      %jit3A_1230 = arith.constant 0 : i32
      %broadcast_in_dim3A_1231 = vector.broadcast %jit3A_1230 : i32 to vector<32x1024xi32>
      %select_n3A_1232 = arith.select %eq3A_1229, %get3A_480, %broadcast_in_dim3A_1231 : vector<32x1024xi1>, vector<32x1024xi32>
      %reduce_sum3A_1233 = arith.constant dense<0> : vector<1024xi32>
      %reduce_sum3A_1234 = vector.multi_reduction <add>, %select_n3A_1232, %reduce_sum3A_1233 [0] : vector<32x1024xi32> to vector<1024xi32>
      %broadcast_in_dim3A_1235 = vector.shape_cast %reduce_sum3A_1234 : vector<1024xi32> to vector<1x1024xi32>
      %eq3A_1236 = arith.constant 24 : i32
      %eq3A_1237 = vector.broadcast %eq3A_1236 : i32 to vector<32x1024xi32>
      %eq3A_1238 = arith.cmpi eq, %iota3A_429, %eq3A_1237 : vector<32x1024xi32>
      %broadcast_in_dim3A_1239 = vector.shape_cast %broadcast_in_dim3A_1235 : vector<1x1024xi32> to vector<1x1024xi32>
      %broadcast_in_dim3A_1240 = vector.broadcast %broadcast_in_dim3A_1239 : vector<1x1024xi32> to vector<32x1024xi32>
      %select_n3A_1241 = arith.select %eq3A_1238, %broadcast_in_dim3A_1240, %select_n3A_1226 : vector<32x1024xi1>, vector<32x1024xi32>
      %eq3A_1242 = arith.constant 25 : i32
      %eq3A_1243 = vector.broadcast %eq3A_1242 : i32 to vector<32x1024xi32>
      %eq3A_1244 = arith.cmpi eq, %add3A_864, %eq3A_1243 : vector<32x1024xi32>
      %jit3A_1245 = arith.constant 0 : i32
      %broadcast_in_dim3A_1246 = vector.broadcast %jit3A_1245 : i32 to vector<32x1024xi32>
      %select_n3A_1247 = arith.select %eq3A_1244, %get3A_480, %broadcast_in_dim3A_1246 : vector<32x1024xi1>, vector<32x1024xi32>
      %reduce_sum3A_1248 = arith.constant dense<0> : vector<1024xi32>
      %reduce_sum3A_1249 = vector.multi_reduction <add>, %select_n3A_1247, %reduce_sum3A_1248 [0] : vector<32x1024xi32> to vector<1024xi32>
      %broadcast_in_dim3A_1250 = vector.shape_cast %reduce_sum3A_1249 : vector<1024xi32> to vector<1x1024xi32>
      %eq3A_1251 = arith.constant 25 : i32
      %eq3A_1252 = vector.broadcast %eq3A_1251 : i32 to vector<32x1024xi32>
      %eq3A_1253 = arith.cmpi eq, %iota3A_429, %eq3A_1252 : vector<32x1024xi32>
      %broadcast_in_dim3A_1254 = vector.shape_cast %broadcast_in_dim3A_1250 : vector<1x1024xi32> to vector<1x1024xi32>
      %broadcast_in_dim3A_1255 = vector.broadcast %broadcast_in_dim3A_1254 : vector<1x1024xi32> to vector<32x1024xi32>
      %select_n3A_1256 = arith.select %eq3A_1253, %broadcast_in_dim3A_1255, %select_n3A_1241 : vector<32x1024xi1>, vector<32x1024xi32>
      %eq3A_1257 = arith.constant 26 : i32
      %eq3A_1258 = vector.broadcast %eq3A_1257 : i32 to vector<32x1024xi32>
      %eq3A_1259 = arith.cmpi eq, %add3A_864, %eq3A_1258 : vector<32x1024xi32>
      %jit3A_1260 = arith.constant 0 : i32
      %broadcast_in_dim3A_1261 = vector.broadcast %jit3A_1260 : i32 to vector<32x1024xi32>
      %select_n3A_1262 = arith.select %eq3A_1259, %get3A_480, %broadcast_in_dim3A_1261 : vector<32x1024xi1>, vector<32x1024xi32>
      %reduce_sum3A_1263 = arith.constant dense<0> : vector<1024xi32>
      %reduce_sum3A_1264 = vector.multi_reduction <add>, %select_n3A_1262, %reduce_sum3A_1263 [0] : vector<32x1024xi32> to vector<1024xi32>
      %broadcast_in_dim3A_1265 = vector.shape_cast %reduce_sum3A_1264 : vector<1024xi32> to vector<1x1024xi32>
      %eq3A_1266 = arith.constant 26 : i32
      %eq3A_1267 = vector.broadcast %eq3A_1266 : i32 to vector<32x1024xi32>
      %eq3A_1268 = arith.cmpi eq, %iota3A_429, %eq3A_1267 : vector<32x1024xi32>
      %broadcast_in_dim3A_1269 = vector.shape_cast %broadcast_in_dim3A_1265 : vector<1x1024xi32> to vector<1x1024xi32>
      %broadcast_in_dim3A_1270 = vector.broadcast %broadcast_in_dim3A_1269 : vector<1x1024xi32> to vector<32x1024xi32>
      %select_n3A_1271 = arith.select %eq3A_1268, %broadcast_in_dim3A_1270, %select_n3A_1256 : vector<32x1024xi1>, vector<32x1024xi32>
      %eq3A_1272 = arith.constant 27 : i32
      %eq3A_1273 = vector.broadcast %eq3A_1272 : i32 to vector<32x1024xi32>
      %eq3A_1274 = arith.cmpi eq, %add3A_864, %eq3A_1273 : vector<32x1024xi32>
      %jit3A_1275 = arith.constant 0 : i32
      %broadcast_in_dim3A_1276 = vector.broadcast %jit3A_1275 : i32 to vector<32x1024xi32>
      %select_n3A_1277 = arith.select %eq3A_1274, %get3A_480, %broadcast_in_dim3A_1276 : vector<32x1024xi1>, vector<32x1024xi32>
      %reduce_sum3A_1278 = arith.constant dense<0> : vector<1024xi32>
      %reduce_sum3A_1279 = vector.multi_reduction <add>, %select_n3A_1277, %reduce_sum3A_1278 [0] : vector<32x1024xi32> to vector<1024xi32>
      %broadcast_in_dim3A_1280 = vector.shape_cast %reduce_sum3A_1279 : vector<1024xi32> to vector<1x1024xi32>
      %eq3A_1281 = arith.constant 27 : i32
      %eq3A_1282 = vector.broadcast %eq3A_1281 : i32 to vector<32x1024xi32>
      %eq3A_1283 = arith.cmpi eq, %iota3A_429, %eq3A_1282 : vector<32x1024xi32>
      %broadcast_in_dim3A_1284 = vector.shape_cast %broadcast_in_dim3A_1280 : vector<1x1024xi32> to vector<1x1024xi32>
      %broadcast_in_dim3A_1285 = vector.broadcast %broadcast_in_dim3A_1284 : vector<1x1024xi32> to vector<32x1024xi32>
      %select_n3A_1286 = arith.select %eq3A_1283, %broadcast_in_dim3A_1285, %select_n3A_1271 : vector<32x1024xi1>, vector<32x1024xi32>
      %eq3A_1287 = arith.constant 28 : i32
      %eq3A_1288 = vector.broadcast %eq3A_1287 : i32 to vector<32x1024xi32>
      %eq3A_1289 = arith.cmpi eq, %add3A_864, %eq3A_1288 : vector<32x1024xi32>
      %jit3A_1290 = arith.constant 0 : i32
      %broadcast_in_dim3A_1291 = vector.broadcast %jit3A_1290 : i32 to vector<32x1024xi32>
      %select_n3A_1292 = arith.select %eq3A_1289, %get3A_480, %broadcast_in_dim3A_1291 : vector<32x1024xi1>, vector<32x1024xi32>
      %reduce_sum3A_1293 = arith.constant dense<0> : vector<1024xi32>
      %reduce_sum3A_1294 = vector.multi_reduction <add>, %select_n3A_1292, %reduce_sum3A_1293 [0] : vector<32x1024xi32> to vector<1024xi32>
      %broadcast_in_dim3A_1295 = vector.shape_cast %reduce_sum3A_1294 : vector<1024xi32> to vector<1x1024xi32>
      %eq3A_1296 = arith.constant 28 : i32
      %eq3A_1297 = vector.broadcast %eq3A_1296 : i32 to vector<32x1024xi32>
      %eq3A_1298 = arith.cmpi eq, %iota3A_429, %eq3A_1297 : vector<32x1024xi32>
      %broadcast_in_dim3A_1299 = vector.shape_cast %broadcast_in_dim3A_1295 : vector<1x1024xi32> to vector<1x1024xi32>
      %broadcast_in_dim3A_1300 = vector.broadcast %broadcast_in_dim3A_1299 : vector<1x1024xi32> to vector<32x1024xi32>
      %select_n3A_1301 = arith.select %eq3A_1298, %broadcast_in_dim3A_1300, %select_n3A_1286 : vector<32x1024xi1>, vector<32x1024xi32>
      %eq3A_1302 = arith.constant 29 : i32
      %eq3A_1303 = vector.broadcast %eq3A_1302 : i32 to vector<32x1024xi32>
      %eq3A_1304 = arith.cmpi eq, %add3A_864, %eq3A_1303 : vector<32x1024xi32>
      %jit3A_1305 = arith.constant 0 : i32
      %broadcast_in_dim3A_1306 = vector.broadcast %jit3A_1305 : i32 to vector<32x1024xi32>
      %select_n3A_1307 = arith.select %eq3A_1304, %get3A_480, %broadcast_in_dim3A_1306 : vector<32x1024xi1>, vector<32x1024xi32>
      %reduce_sum3A_1308 = arith.constant dense<0> : vector<1024xi32>
      %reduce_sum3A_1309 = vector.multi_reduction <add>, %select_n3A_1307, %reduce_sum3A_1308 [0] : vector<32x1024xi32> to vector<1024xi32>
      %broadcast_in_dim3A_1310 = vector.shape_cast %reduce_sum3A_1309 : vector<1024xi32> to vector<1x1024xi32>
      %eq3A_1311 = arith.constant 29 : i32
      %eq3A_1312 = vector.broadcast %eq3A_1311 : i32 to vector<32x1024xi32>
      %eq3A_1313 = arith.cmpi eq, %iota3A_429, %eq3A_1312 : vector<32x1024xi32>
      %broadcast_in_dim3A_1314 = vector.shape_cast %broadcast_in_dim3A_1310 : vector<1x1024xi32> to vector<1x1024xi32>
      %broadcast_in_dim3A_1315 = vector.broadcast %broadcast_in_dim3A_1314 : vector<1x1024xi32> to vector<32x1024xi32>
      %select_n3A_1316 = arith.select %eq3A_1313, %broadcast_in_dim3A_1315, %select_n3A_1301 : vector<32x1024xi1>, vector<32x1024xi32>
      %eq3A_1317 = arith.constant 30 : i32
      %eq3A_1318 = vector.broadcast %eq3A_1317 : i32 to vector<32x1024xi32>
      %eq3A_1319 = arith.cmpi eq, %add3A_864, %eq3A_1318 : vector<32x1024xi32>
      %jit3A_1320 = arith.constant 0 : i32
      %broadcast_in_dim3A_1321 = vector.broadcast %jit3A_1320 : i32 to vector<32x1024xi32>
      %select_n3A_1322 = arith.select %eq3A_1319, %get3A_480, %broadcast_in_dim3A_1321 : vector<32x1024xi1>, vector<32x1024xi32>
      %reduce_sum3A_1323 = arith.constant dense<0> : vector<1024xi32>
      %reduce_sum3A_1324 = vector.multi_reduction <add>, %select_n3A_1322, %reduce_sum3A_1323 [0] : vector<32x1024xi32> to vector<1024xi32>
      %broadcast_in_dim3A_1325 = vector.shape_cast %reduce_sum3A_1324 : vector<1024xi32> to vector<1x1024xi32>
      %eq3A_1326 = arith.constant 30 : i32
      %eq3A_1327 = vector.broadcast %eq3A_1326 : i32 to vector<32x1024xi32>
      %eq3A_1328 = arith.cmpi eq, %iota3A_429, %eq3A_1327 : vector<32x1024xi32>
      %broadcast_in_dim3A_1329 = vector.shape_cast %broadcast_in_dim3A_1325 : vector<1x1024xi32> to vector<1x1024xi32>
      %broadcast_in_dim3A_1330 = vector.broadcast %broadcast_in_dim3A_1329 : vector<1x1024xi32> to vector<32x1024xi32>
      %select_n3A_1331 = arith.select %eq3A_1328, %broadcast_in_dim3A_1330, %select_n3A_1316 : vector<32x1024xi1>, vector<32x1024xi32>
      %eq3A_1332 = arith.constant 31 : i32
      %eq3A_1333 = vector.broadcast %eq3A_1332 : i32 to vector<32x1024xi32>
      %eq3A_1334 = arith.cmpi eq, %add3A_864, %eq3A_1333 : vector<32x1024xi32>
      %jit3A_1335 = arith.constant 0 : i32
      %broadcast_in_dim3A_1336 = vector.broadcast %jit3A_1335 : i32 to vector<32x1024xi32>
      %select_n3A_1337 = arith.select %eq3A_1334, %get3A_480, %broadcast_in_dim3A_1336 : vector<32x1024xi1>, vector<32x1024xi32>
      %reduce_sum3A_1338 = arith.constant dense<0> : vector<1024xi32>
      %reduce_sum3A_1339 = vector.multi_reduction <add>, %select_n3A_1337, %reduce_sum3A_1338 [0] : vector<32x1024xi32> to vector<1024xi32>
      %broadcast_in_dim3A_1340 = vector.shape_cast %reduce_sum3A_1339 : vector<1024xi32> to vector<1x1024xi32>
      %eq3A_1341 = arith.constant 31 : i32
      %eq3A_1342 = vector.broadcast %eq3A_1341 : i32 to vector<32x1024xi32>
      %eq3A_1343 = arith.cmpi eq, %iota3A_429, %eq3A_1342 : vector<32x1024xi32>
      %broadcast_in_dim3A_1344 = vector.shape_cast %broadcast_in_dim3A_1340 : vector<1x1024xi32> to vector<1x1024xi32>
      %broadcast_in_dim3A_1345 = vector.broadcast %broadcast_in_dim3A_1344 : vector<1x1024xi32> to vector<32x1024xi32>
      %select_n3A_1346 = arith.select %eq3A_1343, %broadcast_in_dim3A_1345, %select_n3A_1331 : vector<32x1024xi1>, vector<32x1024xi32>
      %transpose3A = tpu.transpose %select_n3A_1346, [1, 0] : vector<32x1024xi32> -> vector<1024x32xi32>
      %shift_right_arithmetic3A = arith.constant 1 : i32
      %shift_right_arithmetic3A_1347 = vector.broadcast %shift_right_arithmetic3A : i32 to vector<1024x32xi32>
      %shift_right_arithmetic3A_1348 = arith.shrsi %transpose3A, %shift_right_arithmetic3A_1347 : vector<1024x32xi32>
      %swap3A_1349 = arith.constant 0 : index
      %swap3A_1350 = arith.constant 0 : index
      %swap3A_1351 = vector.load %arg3[%swap3A_1349, %swap3A_1350] : memref<1024x32xi32, #tpu.memory_space<vmem>>, vector<1024x32xi32>
      tpu.vector_store %arg3[%swap3A_1349, %swap3A_1350], %shift_right_arithmetic3A_1348 {strides = array<i32>} : memref<1024x32xi32, #tpu.memory_space<vmem>>, vector<1024x32xi32>,
      %and3A_1352 = arith.constant 1 : i32
      %and3A_1353 = vector.broadcast %and3A_1352 : i32 to vector<1024x32xi32>
      %and3A_1354 = arith.andi %transpose3A, %and3A_1353 : vector<1024x32xi32>
      %swap3A_1355 = arith.constant 0 : index
      %swap3A_1356 = arith.constant 0 : index
      %swap3A_1357 = vector.load %arg4[%swap3A_1355, %swap3A_1356] : memref<1024x32xi32, #tpu.memory_space<vmem>>, vector<1024x32xi32>
      tpu.vector_store %arg4[%swap3A_1355, %swap3A_1356], %and3A_1354 {strides = array<i32>} : memref<1024x32xi32, #tpu.memory_space<vmem>>, vector<1024x32xi32>,
      %reduce_max3A_1358 = arith.constant dense<0xFF800000> : vector<1024xf32>
      %reduce_max3A_1359 = vector.multi_reduction <maximumf>, %get3A_477, %reduce_max3A_1358 [0] : vector<32x1024xf32> to vector<1024xf32>
      %broadcast_in_dim3A_1360 = vector.shape_cast %reduce_max3A_1359 : vector<1024xf32> to vector<1x1024xf32>
      %jit3A_1361 = arith.constant -1.000000e+00 : f32
      %jit3A_1362 = arith.constant 1.000000e+00 : f32
      %max3A = vector.broadcast %jit3A_1361 : f32 to vector<1x1024xf32>
      %max3A_1363 = arith.maximumf %max3A, %broadcast_in_dim3A_1360 : vector<1x1024xf32>
      %min3A = vector.broadcast %jit3A_1362 : f32 to vector<1x1024xf32>
      %min3A_1364 = arith.minimumf %min3A, %max3A_1363 : vector<1x1024xf32>
      %sub3A = arith.constant 1.000000e+00 : f32
      %sub3A_1365 = vector.broadcast %sub3A : f32 to vector<1x1024xf32>
      %sub3A_1366 = arith.subf %sub3A_1365, %min3A_1364 : vector<1x1024xf32>
      %jit3A_1367 = arith.constant 0.000000e+00 : f32
      %jit3A_1368 = arith.constant 1.000000e+00 : f32
      %max3A_1369 = vector.broadcast %jit3A_1367 : f32 to vector<1x1024xf32>
      %max3A_1370 = arith.maximumf %max3A_1369, %sub3A_1366 : vector<1x1024xf32>
      %min3A_1371 = vector.broadcast %jit3A_1368 : f32 to vector<1x1024xf32>
      %min3A_1372 = arith.minimumf %min3A_1371, %max3A_1370 : vector<1x1024xf32>
      %swap3A_1373 = arith.constant 0 : index
      %swap3A_1374 = arith.constant 0 : index
      %swap3A_1375 = vector.load %arg5[%swap3A_1373, %swap3A_1374] : memref<1x1024xf32, #tpu.memory_space<vmem>>, vector<1x1024xf32>
      tpu.vector_store %arg5[%swap3A_1373, %swap3A_1374], %min3A_1372 {strides = array<i32>} : memref<1x1024xf32, #tpu.memory_space<vmem>>, vector<1x1024xf32>,
    } else {
    }
    return
  }
  func.func @transform_0(%arg0: i32) -> (i32, i32) {
    %c0_i32 = arith.constant 0 : i32
    %c0_i32_0 = arith.constant 0 : i32
    %c0_i32_1 = arith.constant 0 : i32
    return %c0_i32, %c0_i32_0 : i32, i32
  }
  func.func @transform_1(%arg0: i32) -> (i32, i32) {
    %c0_i32 = arith.constant 0 : i32
    %c0_i32_0 = arith.constant 0 : i32
    return %arg0, %c0_i32 : i32, i32
  }
  func.func @transform_2(%arg0: i32) -> (i32, i32) {
    %c0_i32 = arith.constant 0 : i32
    %c0_i32_0 = arith.constant 0 : i32
    %c0_i32_1 = arith.constant 0 : i32
    return %c0_i32, %c0_i32_0 : i32, i32
  }
  func.func @transform_3(%arg0: i32) -> (i32, i32) {
    %c0_i32 = arith.constant 0 : i32
    %c0_i32_0 = arith.constant 0 : i32
    %c0_i32_1 = arith.constant 0 : i32
    return %c0_i32, %c0_i32_0 : i32, i32
  }
  func.func @transform_4(%arg0: i32) -> (i32, i32) {
    %c0_i32 = arith.constant 0 : i32
    %c0_i32_0 = arith.constant 0 : i32
    %c0_i32_1 = arith.constant 0 : i32
    return %c0_i32, %c0_i32_0 : i32, i32
  }
}

module attributes {stable_mosaic.version = 14 : i64} {
  func.func @_ca1_body(%arg0: i32, %arg1: memref<8192x128xf32, #tpu.memory_space<vmem>>, %arg2: memref<8192x1xi32, #tpu.memory_space<vmem>>, %arg3: memref<64x64xf32, #tpu.memory_space<vmem>>, %arg4: memref<8192x64xf32, #tpu.memory_space<vmem>>) attributes {dimension_semantics = [#tpu.dimension_semantics<arbitrary>], iteration_bounds = array<i64: 4>, scalar_prefetch = 0 : i64, scratch_operands = 0 : i64, tpu.core_type = #tpu.core_type<tc>, window_params = [{transform_indices = @transform_0, window_bounds = array<i64: 8192, 128>}, {transform_indices = @transform_1, window_bounds = array<i64: 8192, 1>}, {pipeline_mode = #tpu.pipeline_mode<synchronous>, transform_indices = @transform_2, window_bounds = array<i64: 64, 64>}, {transform_indices = @transform_3, window_bounds = array<i64: 8192, 64>}]} {
    %get3A = arith.constant 0 : index
    %get3A_0 = arith.constant 0 : index
    %get3A_1 = vector.load %arg1[%get3A, %get3A_0] : memref<8192x128xf32, #tpu.memory_space<vmem>>, vector<8192x128xf32>
    %get3A_2 = arith.constant 0 : index
    %get3A_3 = arith.constant 0 : index
    %get3A_4 = vector.load %arg2[%get3A_2, %get3A_3] : memref<8192x1xi32, #tpu.memory_space<vmem>>, vector<8192x1xi32>
    %slice3A = vector.extract_strided_slice %get3A_1 {offsets = [0, 0], sizes = [8192, 64], strides = [1, 1]} : vector<8192x128xf32> to vector<8192x64xf32>
    %slice3A_5 = vector.extract_strided_slice %get3A_1 {offsets = [0, 64], sizes = [8192, 64], strides = [1, 1]} : vector<8192x128xf32> to vector<8192x64xf32>
    %eq3A = arith.constant 0 : i32
    %eq3A_6 = vector.broadcast %eq3A : i32 to vector<8192x1xi32>
    %eq3A_7 = arith.cmpi eq, %get3A_4, %eq3A_6 : vector<8192x1xi32>
    %broadcast_in_dim3A = vector.shape_cast %eq3A_7 : vector<8192x1xi1> to vector<8192x1xi1>
    %broadcast_in_dim3A_8 = vector.broadcast %broadcast_in_dim3A : vector<8192x1xi1> to vector<8192x64xi1>
    %select_n3A = arith.select %broadcast_in_dim3A_8, %slice3A, %slice3A_5 : vector<8192x64xi1>, vector<8192x64xf32>
    %get3A_9 = arith.constant 0 : index
    %get3A_10 = arith.constant 0 : index
    %get3A_11 = vector.load %arg3[%get3A_9, %get3A_10] : memref<64x64xf32, #tpu.memory_space<vmem>>, vector<64x64xf32>
    %dot_general3A = arith.constant dense<0.000000e+00> : vector<8192x64xf32>
    %dot_general3A_12 = tpu.matmul %select_n3A, %get3A_11, %dot_general3A {dimension_numbers = #tpu.dot_dimension_numbers<[1], [1], [0], [0], [0, 0, 1, 0], [], []>, transpose_lhs_hint = false} : vector<8192x64xf32>, vector<64x64xf32>, vector<8192x64xf32> -> vector<8192x64xf32>
    %swap3A = arith.constant 0 : index
    %swap3A_13 = arith.constant 0 : index
    %swap3A_14 = vector.load %arg4[%swap3A, %swap3A_13] : memref<8192x64xf32, #tpu.memory_space<vmem>>, vector<8192x64xf32>
    tpu.vector_store %arg4[%swap3A, %swap3A_13], %dot_general3A_12 {strides = array<i32>} : memref<8192x64xf32, #tpu.memory_space<vmem>>, vector<8192x64xf32>,
    return
  }
  func.func @transform_0(%arg0: i32) -> (i32, i32) {
    %c0_i32 = arith.constant 0 : i32
    %c0_i32_0 = arith.constant 0 : i32
    return %arg0, %c0_i32 : i32, i32
  }
  func.func @transform_1(%arg0: i32) -> (i32, i32) {
    %c0_i32 = arith.constant 0 : i32
    %c0_i32_0 = arith.constant 0 : i32
    return %arg0, %c0_i32 : i32, i32
  }
  func.func @transform_2(%arg0: i32) -> (i32, i32) {
    %c0_i32 = arith.constant 0 : i32
    %c0_i32_0 = arith.constant 0 : i32
    %c0_i32_1 = arith.constant 0 : i32
    return %c0_i32, %c0_i32_0 : i32, i32
  }
  func.func @transform_3(%arg0: i32) -> (i32, i32) {
    %c0_i32 = arith.constant 0 : i32
    %c0_i32_0 = arith.constant 0 : i32
    return %arg0, %c0_i32 : i32, i32
  }
}

</mosaic_0001>

<sc_bundles>
// kernel: kernel.5.cloned.1.call-start
scs
__scs_entry_jumppad:
0x0: {  	(pc) =	sbr.rel $0x88, $3  }
0x1: {  	(tag) =	ssettag $0x0;
	lr =	simm.s32 $0x1  }
0x2: {  	[smem:$0x3F9C] =	sst lr;
	_ =	strace $0xD0000000  }
0x3: {  	_ = 	snop  }
0x4: {  	_ = 	snop  }
0x5: {  	_ = 	snop  }
0x6: {  	_ = 	snop  }
0x7: {  	_ = 	snop  }
__scs_overlays_trampoline_lowered:
0x8: {  	[smem:$0x3FAB] =	sst s0  }
0x9: {  	[smem:$0x3FAC] =	sst s1  }
0xa: {  	[smem:$0x3FAD] =	sst s2  }
0xb: {  	[smem:$0x3FAE] =	sst s3  }
0xc: {  	[smem:$0x3FAF] =	sst s4  }
0xd: {  	[smem:$0x3FB0] =	sst s5  }
0xe: {  	[smem:$0x3FB1] =	sst s6  }
0xf: {  	[smem:$0x3FB2] =	sst s7  }
0x10: {  	[smem:$0x3FB3] =	sst s8  }
0x11: {  	[smem:$0x3FB4] =	sst s9;
	s0 =	simm.s32 @!p0 $0x0  }
0x12: {  	s1 =	sld [smem:$0x3F9A];
	s0 =	simm.s32 @p0 $0x1  }
0x13: {  	[smem:$0x3FB5] =	sst s0;
	s0 =	simm.s32 @!p1 $0x0  }
0x14: {  	s2 =	sld [smem:$0x3F99];
	s0 =	simm.s32 @p1 $0x1  }
0x15: {  	[smem:$0x3FB6] =	sst s0;
	s0 =	simm.s32 @!p2 $0x0  }
0x16: {  	s3 =	sld [smem:$0x3FDB];
	s0 =	simm.s32 @p2 $0x1  }
0x17: {  	s4 =	simm.s32 $0x1BF5;
	[smem:$0x3FB8] =	sst s0  }
0x18: {  	s0 =	sld [smem:$0x3F9B];
	_ =	swait.ge [sflag:s4], $0x0  }
0x19: {  	s7 =	sld [smem:$0x3F9C]  }
0x1a: {  	s8 =	sadd.s32 $0xFFFFE003, lr  }
0x1b: {  	s9 =	sadd.s32 $0xFFFFFEF7, lr;
	s5 =	simm.s32 $0xFFFFFFFF;
	p2 =	slt.u32 s8, $0xFFFFF086  }
0x1c: {  	p1 =	slt.u32 s9, $0xF7A;
	s5 =	simm.s32 @!p2 $0x0  }
0x1d: {  	s5 =	simm.s32 @p1 $0x1;
	p0 =	seq.s32 s7, s2  }
0x1e: {  	s7 =	smul.u32 @!p0 $0xF7A, s2;
	p2 =	seq.s32 @!p0 s5, $0x0  }
0x1f: {  	s9 =	smul.u32 $0xF7A, s1;
	s8 =	simm.s32 @!p0 $0x1BF5;
	p2 =	por !p2, p0  }
0x20: {  	[sflag:s8] =	ssyncset.s32 @!p0 $0xFFFFF086;
	s6 =	sadd.s32 @!p0 s3, s7;
	s7 =	simm.s32 @!p0 $0x108  }
0x21: {  	s3 =	sadd.s32 s3, s9;
	s6 =	sadd.s32 @!p0 $0x88, s6;
	s7 =	simm.s32 @p2 $0x1082  }
0x22: {  	[simem:s7], [sflag:s8] =	dma.local @!p0 [hbm:s6], $0xF7A  }
0x23: {  	s9 =	sor.u32 $0xD0000000, s2;
	s6 =	simm.s32 $0x108;
	_ =	swait.ge @!p0 [sflag:s8], $0x0  }
0x24: {  	s3 =	sadd.s32 $0x88, s3;
	s6 =	simm.s32 @!p1 $0x1082;
	[sflag:s4] =	ssyncset.s32 $0xFFFFF086  }
0x25: {  	[simem:s6], [sflag:s4] =	dma.local [hbm:s3], $0xF7A  }
0x26: {  	[smem:$0x3F9C] =	sst s1;
	(tag) =	ssettag s2;
	_ =	strace s9  }
0x27: {  	s1 =	sld [smem:$0x3FAC]  }
0x28: {  	s2 =	sld [smem:$0x3FAD]  }
0x29: {  	s4 =	sld [smem:$0x3FAF]  }
0x2a: {  	p0 =	seq.s32 s5, $0x0;
	s5 =	sld [smem:$0x3FB0]  }
0x2b: {  	s6 =	sld [smem:$0x3FB1]  }
0x2c: {  	s7 =	sld [smem:$0x3FB2]  }
0x2d: {  	s3 =	simm.s32 $0x108;
	s8 =	sld [smem:$0x3FB3]  }
0x2e: {  	s3 =	simm.s32 @!p0 $0x1082;
	s9 =	sld [smem:$0x3FB4]  }
0x2f: {  	lr =	sadd.s32 s0, s3;
	s0 =	sld [smem:$0x3FAB]  }
0x30: {  	s3 =	sld [smem:$0x3FAE]  }
0x31: {  	[smem:$0x3FB7] =	sst s10  }
0x32: {  	s10 =	sld [smem:$0x3FB5];
	_ =	sdelay $0x3  }
0x33: {  	p0 =	seq.s32 s10, $0x1;
	s10 =	sld [smem:$0x3FB7];
	_ =	sdelay $0x3  }
0x34: {  	[smem:$0x3FB7] =	sst s10  }
0x35: {  	s10 =	sld [smem:$0x3FB6];
	_ =	sdelay $0x3  }
0x36: {  	p1 =	seq.s32 s10, $0x1;
	s10 =	sld [smem:$0x3FB7];
	_ =	sdelay $0x3  }
0x37: {  	[smem:$0x3FB7] =	sst s10  }
0x38: {  	s10 =	sld [smem:$0x3FB8]  }
0x39: {  	_ = 	snop;
	(pc) =	sbr.ind lr, $3  }
0x3a: {  	_ = 	snop  }
0x3b: {  	_ = 	snop  }
0x3c: {  	p2 =	seq.s32 s10, $0x1;
	s10 =	sld [smem:$0x3FB7]  }
0x3d: {  	_ =	shalt  }
0x3e: {  	_ =	shalt  }
0x3f: {  	_ =	shalt  }
0x40: {  	_ =	shalt  }
0x41: {  	_ =	shalt  }
0x42: {  	_ =	shalt  }
0x43: {  	_ =	shalt  }
0x44: {  	_ =	shalt  }
0x45: {  	_ =	shalt  }
0x46: {  	_ =	shalt  }
0x47: {  	_ =	shalt  }
0x48: {  	_ =	shalt  }
0x49: {  	_ =	shalt  }
0x4a: {  	_ =	shalt  }
0x4b: {  	_ =	shalt  }
0x4c: {  	_ =	shalt  }
0x4d: {  	_ =	shalt  }
0x4e: {  	_ =	shalt  }
0x4f: {  	_ =	shalt  }
0x50: {  	_ =	shalt  }
0x51: {  	_ =	shalt  }
0x52: {  	_ =	shalt  }
0x53: {  	_ =	shalt  }
0x54: {  	_ =	shalt  }
0x55: {  	_ =	shalt  }
0x56: {  	_ =	shalt  }
0x57: {  	_ =	shalt  }
0x58: {  	_ =	shalt  }
0x59: {  	_ =	shalt  }
0x5a: {  	_ =	shalt  }
0x5b: {  	_ =	shalt  }
0x5c: {  	_ =	shalt  }
0x5d: {  	_ =	shalt  }
0x5e: {  	_ =	shalt  }
0x5f: {  	_ =	shalt  }
0x60: {  	_ =	shalt  }
0x61: {  	_ =	shalt  }
0x62: {  	_ =	shalt  }
0x63: {  	_ =	shalt  }
0x64: {  	_ =	shalt  }
0x65: {  	_ =	shalt  }
0x66: {  	_ =	shalt  }
0x67: {  	_ =	shalt  }
0x68: {  	_ =	shalt  }
0x69: {  	_ =	shalt  }
0x6a: {  	_ =	shalt  }
0x6b: {  	_ =	shalt  }
0x6c: {  	_ =	shalt  }
0x6d: {  	_ =	shalt  }
0x6e: {  	_ =	shalt  }
0x6f: {  	_ =	shalt  }
0x70: {  	_ =	shalt  }
0x71: {  	_ =	shalt  }
0x72: {  	_ =	shalt  }
0x73: {  	_ =	shalt  }
0x74: {  	_ =	shalt  }
0x75: {  	_ =	shalt  }
0x76: {  	_ =	shalt  }
0x77: {  	_ =	shalt  }
0x78: {  	_ =	shalt  }
0x79: {  	_ =	shalt  }
0x7a: {  	_ =	shalt  }
0x7b: {  	_ =	shalt  }
0x7c: {  	_ =	shalt  }
0x7d: {  	_ =	shalt  }
0x7e: {  	_ =	shalt  }
0x7f: {  	_ =	shalt  }
0x80: {  	_ =	shalt  }
0x81: {  	_ =	shalt  }
0x82: {  	_ =	shalt  }
0x83: {  	_ =	shalt  }
0x84: {  	_ =	shalt  }
0x85: {  	_ =	shalt  }
0x86: {  	_ =	shalt  }
0x87: {  	_ =	shalt  }
.Lfunc_end0:
.L_simem_size_0:
called_computation_lowered:
.L_overlay_start_0:
0x88: {  	s2 =	sld [smem:$0x3FD9]  }
0x89: {  	s3 =	sld [smem:$0x3FFE];
	_ =	sdelay $0x1  }
0x8a: {  	s1 =	srdreg.scid  }
0x8b: {  	s0 =	sand.u32 $0x1, s1  }
0x8c: {  	s14 =	sshll.u32 s0, $0xA;
	s2 =	sadd.s32 s3, s2  }
0x8d: {  	s2 =	sadd.s32 s2, s14  }
0x8e: {  	[smem:$0x3FC3] =	sst s2  }
0x8f: {  	_ = 	snop  }
0x90: {  	s2 =	sld [smem:$0x3FD0];
	_ =	sdelay $0x2  }
0x91: {  	s15 =	simm.s32 $0xA;
	s4 =	simm.s32 $0x10  }
0x92: {  	[smem:s4], [sflag:s15] =	dma.local [hbm:s2], $0x1  }
0x93: {  	_ =	swait.eq [sflag:s15], $0x1  }
0x94: {  	[sflag:s15] =	ssyncset.done $0x0  }
0x95: {  	[sflag:s15] =	ssyncadd.s32 $0xFFFFFFFF  }
0x96: {  	s16 =	sld [smem:$0x10];
	(tm) =	ssettm $0x1  }
0x97: {  	s17 =	sld [smem:$0x3FFB];
	_ =	sdelay $0x3  }
0x98: {  	_ =	strace s17  }
0x99: {  	s3 =	sld [smem:$0x3FFC];
	_ =	sdelay $0x3  }
0x9a: {  	_ =	strace s3  }
0x9b: {  	s3 =	sld [smem:$0x3FFD];
	_ =	sdelay $0x3  }
0x9c: {  	_ =	strace s3  }
0x9d: {  	_ =	strace $0x8FFFFFFF  }
0x9e: {  	s18 =	sld [smem:$0x3FDB];
	_ =	sdelay $0x1  }
0x9f: {  	s19 =	simm.s32 $_scs_section_size  }
0xa0: {  	s5 =	simm.s32 $_size__tile_overlayer_lowered;
	s6 =	simm.s32 $_tile_overlayer_lowered  }
0xa1: {  	s22 =	simm.s32 $0x1BFF;
	s21 =	sshll.u32 s6, $0x1;
	s3 =	sadd.s32 s19, s18  }
0xa2: {  	s7 =	simm.s32 $0x0;
	s20 =	sshll.u32 s5, $0x1;
	s5 =	sadd.s32 s21, s3  }
0xa3: {  	[timem:s7], [sflag:s22] =	dma.local [hbm:s5], s20  }
0xa4: {  	_ =	swait.ge [sflag:s22], s20  }
0xa5: {  	s4 =	ssub.s32 $0x0, s20;
	[sflag:s22] =	ssyncset.done $0x0  }
0xa6: {  	[sflag:s22] =	ssyncadd.s32 s4;
	_ =	sdelay $0x1  }
0xa7: {  	s23 =	simm.s32 $0x1B8B  }
0xa8: {  	_ =	swait.ge [sflag:s23], $0x1  }
0xa9: {  	[sflag:s23] =	ssyncset.done $0x0  }
0xaa: {  	s25 =	simm.s32 $0x1B8E;
	s24 =	sld [smem:$0x3FFE];
	[sflag:s23] =	ssyncadd.s32 $0xFFFFFFFF  }
0xab: {  	s26 =	simm.s32 $execute0_lowered;
	[smem:$0x3FD2] =	sst s25  }
0xac: {  	s5 =	sshll.u32 s26, $0x1;
	_ =	strace $0x80000046;
	[dreg:$0x1] =	wrdreg $0xFFFFFFFF  }
0xad: {  	s28 =	simm.s32 $_size_execute0_lowered;
	s3 =	sadd.s32 s3, s5;
	[dreg:$0x0] =	wrdreg $0x0  }
0xae: {  	s5 =	sshll.u32 s28, $0x1;
	[dreg:$0x2] =	wrdreg s3  }
0xaf: {  	[dreg:$0x3] =	wrdreg s5  }
0xb0: {  	[dreg:$0x4] =	wrdreg $0xC0  }
0xb1: {  	_ =	task [dreg:s7], $0x5FFFF  }
0xb2: {  	[dreg:$0x1] =	wrdreg $0xFFFFFFFF  }
0xb3: {  	[dreg:$0x0] =	wrdreg $0x60  }
0xb4: {  	[dreg:$0x2] =	wrdreg s16  }
0xb5: {  	[dreg:$0x3] =	wrdreg s24  }
0xb6: {  	[dreg:$0x4] =	wrdreg $0x9  }
0xb7: {  	_ =	task.clear_ibuf [dreg:s7], $0x5FFFF;
	_ =	strace $0x90000046  }
0xb8: {  	s29 =	simm.s32 $0x9;
	_ =	strace $0x80000048  }
0xb9: {  	_ =	swait.ge [sflag:s29], $0x1  }
0xba: {  	[sflag:s29] =	ssyncadd.s32 $0xFFFFFFFF  }
0xbb: {  	_ =	strace $0x90000048  }
0xbc: {  	_ =	sfence  }
0xbd: {  	s30 =	sld [smem:$0x0];
	_ =	sdelay $0x2  }
0xbe: {  	s31 =	sshll.u32 s1, $0xD;
	s1 =	sshrl.u32 s1, $0x2  }
0xbf: {  	s3 =	sand.u32 $0x4000, s31;
	s1 =	sadd.s32 s1, s30  }
0xc0: {  	s0 =	sor.u32 s3, s0;
	s1 =	sshll.u32 s1, $0x11  }
0xc1: {  	s0 =	sor.u32 s1, s0  }
0xc2: {  	s0 =	sadd.s32 $0x8F2B, s0  }
0xc3: {  	[sflag:s0] =	ssyncadd.remote.s32 $0x1  }
0xc4: {  	_ =	sfence.sel $0xFFFF  }
0xc5: {  	[dreg:$0x0] =	wrdreg $0xFFFFFFFF;
	(pc) =	sbr.abs _section_cstart, $3  }
0xc6: {  	[dreg:$0x1] =	wrdreg $0xFFFFFFFF  }
0xc7: {  	_ =	task.clear_ibuf [dreg:s7], $0x2FFFF;
	_ =	strace $0x9FFFFFFF  }
0xc8: {  	(tm) =	ssettm $0x7FFFFFFF  }
0xc9: {  	_ =	shalt  }
tec
execute0_lowered:
.L_overlay_start_1:
0x0: {  	(tag) =	ssettag $0x1  }
0x1: {  	s3 =	rddreg [dreg:$0x0]  }
0x2: {  	s1 =	srdreg.scid;
	s0 =	stileid.u32  }
0x3: {  	s10 =	rddreg [dreg:$0x1];
	s23 =	sand.u32 $0x1, s1;
	s4 =	sshll.u32 s0, $0x1  }
0x4: {  	s2 =	simm.s32 $0x0;
	s1 =	rddreg [dreg:$0x2];
	s11 =	sor.u32 s23, s4  }
0x5: {  	[smem:$0x7FF] =	sst s2;
	s4 =	sshll.u32 s11, $0x7  }
0x6: {  	_ =	strace $0x80000047;
	s4 =	sadd.s32 s3, s4;
	s3 =	simm.s32 $0x2  }
0x7: {  	[tilespmem:s2], [sflag:$0x2] =	stream.linear.gather [hbm4b:s4+s2], $0x400, $0x38;
	[tilespmem:$0x8400] =	vst v63  }
0x8: {  	_ =	swait.ge [sflag:s3], $0x400  }
0x9: {  	s6 =	simm.s32 $0x80;
	[sflag:s3] =	ssyncset.done $0x0  }
0xa: {  	s7 =	simm.s32 $0x400;
	s5 =	sadd.s32 $0x186A00, s10;
	[sflag:s3] =	ssyncadd.s32 $0xFFFFFC00  }
0xb: {  	[tilespmem:s7], [sflag:$0x1] =	stream.indirect.gather [hbm4b:s5+s6], $0x80, s2, s6, $0xb8;
	[tilespmem:$0x8400] =	vst v63  }
0xc: {  	s8 =	simm.s32 $0x4400;
	s9 =	simm.s32 $0x1  }
0xd: {  	[tilespmem:s8], [sflag:$0x1] =	stream.indirect.gather [hbm4b:s5+s6], $0x80, s6, s6, $0xb8;
	[tilespmem:$0x8400] =	vst v63  }
0xe: {  	_ =	swait.ge [sflag:s9], $0x4000  }
0xf: {  	s11 =	sshll.u32 s11, $0xE;
	[sflag:s9] =	ssyncset.done $0x0  }
0x10: {  	s10 =	sadd.s32 s10, s11;
	[sflag:s9] =	ssyncadd.s32 $0xFFFFC000  }
0x11: {  	[hbm4b:s10+s2] =	stream.linear.scatter [tilespmem:s7], [sflag:$0x2], $0x4000, $0x38;
	[tilespmem:$0x8400] =	vst v63  }
0x12: {  	_ =	swait.ge [sflag:s3], $0x4000  }
0x13: {  	[sflag:s3] =	ssyncset.done $0x0  }
0x14: {  	s11 =	simm.s32 $0x100;
	[sflag:s3] =	ssyncadd.s32 $0xFFFFC000  }
0x15: {  	[tilespmem:s7], [sflag:$0x1] =	stream.indirect.gather [hbm4b:s5+s6], $0x80, s11, s6, $0xb8;
	[tilespmem:$0x8400] =	vst v63  }
0x16: {  	_ =	swait.ge [sflag:s9], $0x4000  }
0x17: {  	[sflag:s9] =	ssyncset.done $0x0  }
0x18: {  	s12 =	sadd.s32 $0x800, s10;
	[sflag:s9] =	ssyncadd.s32 $0xFFFFC000  }
0x19: {  	[hbm4b:s12+s2] =	stream.linear.scatter [tilespmem:s8], [sflag:$0x2], $0x4000, $0x38;
	[tilespmem:$0x8400] =	vst v63  }
0x1a: {  	_ =	swait.ge [sflag:s3], $0x4000  }
0x1b: {  	[sflag:s3] =	ssyncset.done $0x0  }
0x1c: {  	s13 =	simm.s32 $0x180;
	[sflag:s3] =	ssyncadd.s32 $0xFFFFC000  }
0x1d: {  	[tilespmem:s8], [sflag:$0x1] =	stream.indirect.gather [hbm4b:s5+s6], $0x80, s13, s6, $0xb8;
	[tilespmem:$0x8400] =	vst v63  }
0x1e: {  	_ =	swait.ge [sflag:s9], $0x4000  }
0x1f: {  	[sflag:s9] =	ssyncset.done $0x0  }
0x20: {  	s14 =	sadd.s32 $0x1000, s10;
	[sflag:s9] =	ssyncadd.s32 $0xFFFFC000  }
0x21: {  	[hbm4b:s14+s2] =	stream.linear.scatter [tilespmem:s7], [sflag:$0x2], $0x4000, $0x38;
	[tilespmem:$0x8400] =	vst v63  }
0x22: {  	_ =	swait.ge [sflag:s3], $0x4000  }
0x23: {  	[sflag:s3] =	ssyncset.done $0x0  }
0x24: {  	s15 =	simm.s32 $0x200;
	[sflag:s3] =	ssyncadd.s32 $0xFFFFC000  }
0x25: {  	[tilespmem:s7], [sflag:$0x1] =	stream.indirect.gather [hbm4b:s5+s6], $0x80, s15, s6, $0xb8;
	[tilespmem:$0x8400] =	vst v63  }
0x26: {  	_ =	swait.ge [sflag:s9], $0x4000  }
0x27: {  	[sflag:s9] =	ssyncset.done $0x0  }
0x28: {  	s16 =	sadd.s32 $0x1800, s10;
	[sflag:s9] =	ssyncadd.s32 $0xFFFFC000  }
0x29: {  	[hbm4b:s16+s2] =	stream.linear.scatter [tilespmem:s8], [sflag:$0x2], $0x4000, $0x38;
	[tilespmem:$0x8400] =	vst v63  }
0x2a: {  	_ =	swait.ge [sflag:s3], $0x4000  }
0x2b: {  	[sflag:s3] =	ssyncset.done $0x0  }
0x2c: {  	s17 =	simm.s32 $0x280;
	[sflag:s3] =	ssyncadd.s32 $0xFFFFC000  }
0x2d: {  	[tilespmem:s8], [sflag:$0x1] =	stream.indirect.gather [hbm4b:s5+s6], $0x80, s17, s6, $0xb8;
	[tilespmem:$0x8400] =	vst v63  }
0x2e: {  	_ =	swait.ge [sflag:s9], $0x4000  }
0x2f: {  	[sflag:s9] =	ssyncset.done $0x0  }
0x30: {  	s18 =	sadd.s32 $0x2000, s10;
	[sflag:s9] =	ssyncadd.s32 $0xFFFFC000  }
0x31: {  	[hbm4b:s18+s2] =	stream.linear.scatter [tilespmem:s7], [sflag:$0x2], $0x4000, $0x38;
	[tilespmem:$0x8400] =	vst v63  }
0x32: {  	_ =	swait.ge [sflag:s3], $0x4000  }
0x33: {  	[sflag:s3] =	ssyncset.done $0x0  }
0x34: {  	s19 =	simm.s32 $0x300;
	[sflag:s3] =	ssyncadd.s32 $0xFFFFC000  }
0x35: {  	[tilespmem:s7], [sflag:$0x1] =	stream.indirect.gather [hbm4b:s5+s6], $0x80, s19, s6, $0xb8;
	[tilespmem:$0x8400] =	vst v63  }
0x36: {  	_ =	swait.ge [sflag:s9], $0x4000  }
0x37: {  	[sflag:s9] =	ssyncset.done $0x0  }
0x38: {  	s20 =	sadd.s32 $0x2800, s10;
	[sflag:s9] =	ssyncadd.s32 $0xFFFFC000  }
0x39: {  	[hbm4b:s20+s2] =	stream.linear.scatter [tilespmem:s8], [sflag:$0x2], $0x4000, $0x38;
	[tilespmem:$0x8400] =	vst v63  }
0x3a: {  	_ =	swait.ge [sflag:s3], $0x4000  }
0x3b: {  	[sflag:s3] =	ssyncset.done $0x0  }
0x3c: {  	s21 =	simm.s32 $0x380;
	[sflag:s3] =	ssyncadd.s32 $0xFFFFC000  }
0x3d: {  	[tilespmem:s8], [sflag:$0x1] =	stream.indirect.gather [hbm4b:s5+s6], $0x80, s21, s6, $0xb8;
	[tilespmem:$0x8400] =	vst v63  }
0x3e: {  	_ =	swait.ge [sflag:s9], $0x4000  }
0x3f: {  	[sflag:s9] =	ssyncset.done $0x0  }
0x40: {  	s23 =	ssub.s32 $0x2, s23;
	s22 =	sadd.s32 $0x3000, s10;
	[sflag:s9] =	ssyncadd.s32 $0xFFFFC000  }
0x41: {  	[hbm4b:s22+s2] =	stream.linear.scatter [tilespmem:s7], [sflag:$0x2], $0x4000, $0x38;
	[tilespmem:$0x8400] =	vst v63  }
0x42: {  	s24 =	sshrl.u32 s23, $0x1;
	_ =	swait.ge [sflag:s3], $0x4000  }
0x43: {  	s24 =	ssub.s32 s23, s24;
	[sflag:s3] =	ssyncset.done $0x0  }
0x44: {  	s24 =	smax.u32 s24, $0x1;
	[sflag:s3] =	ssyncadd.s32 $0xFFFFC000  }
0x45: {  	p0 =	sne.s32 s24, $0x1;
	_ =	swait.ge [sflag:s9], $0x4000  }
.Ltmp0:
0x46: {  	[sflag:s9] =	ssyncset.done $0x0;
	(pc) =	sbr.rel @!p0 .LBB2_2-.Ltmp0, $4  }
0x47: {  	s23 =	sadd.s32 $0x3800, s10;
	[sflag:s9] =	ssyncadd.s32 $0xFFFFC000  }
0x48: {  	[hbm4b:s23+s2] =	stream.linear.scatter [tilespmem:s8], [sflag:$0x2], $0x4000, $0x38;
	[tilespmem:$0x8400] =	vst v63  }
0x49: {  	_ =	swait.ge [sflag:s3], $0x4000  }
0x4a: {  	s24 =	sadd.s32 $0xFFFFFFFF, s24;
	[sflag:s3] =	ssyncset.done $0x0  }
.LBB2_1:
0x4b: {  	p0 =	sne.s32 s24, $0x1;
	s24 =	sadd.s32 $0xFFFFFFFF, s24;
	[sflag:s3] =	ssyncadd.s32 $0xFFFFC000  }
0x4c: {  	[tilespmem:s2], [sflag:$0x2] =	stream.linear.gather [hbm4b:s4+s2], $0x400, $0x38;
	[tilespmem:$0x8400] =	vst v63  }
0x4d: {  	_ =	swait.ge [sflag:s3], $0x400  }
0x4e: {  	[sflag:s3] =	ssyncset.done $0x0  }
0x4f: {  	[sflag:s3] =	ssyncadd.s32 $0xFFFFFC00  }
0x50: {  	[tilespmem:s7], [sflag:$0x1] =	stream.indirect.gather [hbm4b:s5+s6], $0x80, s2, s6, $0xb8;
	[tilespmem:$0x8400] =	vst v63  }
0x51: {  	_ = 	snop  }
0x52: {  	[tilespmem:s8], [sflag:$0x1] =	stream.indirect.gather [hbm4b:s5+s6], $0x80, s6, s6, $0xb8;
	[tilespmem:$0x8400] =	vst v63  }
0x53: {  	_ =	swait.ge [sflag:s9], $0x4000  }
0x54: {  	[sflag:s9] =	ssyncset.done $0x0  }
0x55: {  	[sflag:s9] =	ssyncadd.s32 $0xFFFFC000  }
0x56: {  	[hbm4b:s10+s2] =	stream.linear.scatter [tilespmem:s7], [sflag:$0x2], $0x4000, $0x38;
	[tilespmem:$0x8400] =	vst v63  }
0x57: {  	_ =	swait.ge [sflag:s3], $0x4000  }
0x58: {  	[sflag:s3] =	ssyncset.done $0x0  }
0x59: {  	[sflag:s3] =	ssyncadd.s32 $0xFFFFC000  }
0x5a: {  	[tilespmem:s7], [sflag:$0x1] =	stream.indirect.gather [hbm4b:s5+s6], $0x80, s11, s6, $0xb8;
	[tilespmem:$0x8400] =	vst v63  }
0x5b: {  	_ =	swait.ge [sflag:s9], $0x4000  }
0x5c: {  	[sflag:s9] =	ssyncset.done $0x0  }
0x5d: {  	[sflag:s9] =	ssyncadd.s32 $0xFFFFC000  }
0x5e: {  	[hbm4b:s12+s2] =	stream.linear.scatter [tilespmem:s8], [sflag:$0x2], $0x4000, $0x38;
	[tilespmem:$0x8400] =	vst v63  }
0x5f: {  	_ =	swait.ge [sflag:s3], $0x4000  }
0x60: {  	[sflag:s3] =	ssyncset.done $0x0  }
0x61: {  	[sflag:s3] =	ssyncadd.s32 $0xFFFFC000  }
0x62: {  	[tilespmem:s8], [sflag:$0x1] =	stream.indirect.gather [hbm4b:s5+s6], $0x80, s13, s6, $0xb8;
	[tilespmem:$0x8400] =	vst v63  }
0x63: {  	_ =	swait.ge [sflag:s9], $0x4000  }
0x64: {  	[sflag:s9] =	ssyncset.done $0x0  }
0x65: {  	[sflag:s9] =	ssyncadd.s32 $0xFFFFC000  }
0x66: {  	[hbm4b:s14+s2] =	stream.linear.scatter [tilespmem:s7], [sflag:$0x2], $0x4000, $0x38;
	[tilespmem:$0x8400] =	vst v63  }
0x67: {  	_ =	swait.ge [sflag:s3], $0x4000  }
0x68: {  	[sflag:s3] =	ssyncset.done $0x0  }
0x69: {  	[sflag:s3] =	ssyncadd.s32 $0xFFFFC000  }
0x6a: {  	[tilespmem:s7], [sflag:$0x1] =	stream.indirect.gather [hbm4b:s5+s6], $0x80, s15, s6, $0xb8;
	[tilespmem:$0x8400] =	vst v63  }
0x6b: {  	_ =	swait.ge [sflag:s9], $0x4000  }
0x6c: {  	[sflag:s9] =	ssyncset.done $0x0  }
0x6d: {  	[sflag:s9] =	ssyncadd.s32 $0xFFFFC000  }
0x6e: {  	[hbm4b:s16+s2] =	stream.linear.scatter [tilespmem:s8], [sflag:$0x2], $0x4000, $0x38;
	[tilespmem:$0x8400] =	vst v63  }
0x6f: {  	_ =	swait.ge [sflag:s3], $0x4000  }
0x70: {  	[sflag:s3] =	ssyncset.done $0x0  }
0x71: {  	[sflag:s3] =	ssyncadd.s32 $0xFFFFC000  }
0x72: {  	[tilespmem:s8], [sflag:$0x1] =	stream.indirect.gather [hbm4b:s5+s6], $0x80, s17, s6, $0xb8;
	[tilespmem:$0x8400] =	vst v63  }
0x73: {  	_ =	swait.ge [sflag:s9], $0x4000  }
0x74: {  	[sflag:s9] =	ssyncset.done $0x0  }
0x75: {  	[sflag:s9] =	ssyncadd.s32 $0xFFFFC000  }
0x76: {  	[hbm4b:s18+s2] =	stream.linear.scatter [tilespmem:s7], [sflag:$0x2], $0x4000, $0x38;
	[tilespmem:$0x8400] =	vst v63  }
0x77: {  	_ =	swait.ge [sflag:s3], $0x4000  }
0x78: {  	[sflag:s3] =	ssyncset.done $0x0  }
0x79: {  	[sflag:s3] =	ssyncadd.s32 $0xFFFFC000  }
0x7a: {  	[tilespmem:s7], [sflag:$0x1] =	stream.indirect.gather [hbm4b:s5+s6], $0x80, s19, s6, $0xb8;
	[tilespmem:$0x8400] =	vst v63  }
0x7b: {  	_ =	swait.ge [sflag:s9], $0x4000  }
0x7c: {  	[sflag:s9] =	ssyncset.done $0x0  }
0x7d: {  	[sflag:s9] =	ssyncadd.s32 $0xFFFFC000  }
0x7e: {  	[hbm4b:s20+s2] =	stream.linear.scatter [tilespmem:s8], [sflag:$0x2], $0x4000, $0x38;
	[tilespmem:$0x8400] =	vst v63  }
0x7f: {  	_ =	swait.ge [sflag:s3], $0x4000  }
0x80: {  	[sflag:s3] =	ssyncset.done $0x0  }
0x81: {  	[sflag:s3] =	ssyncadd.s32 $0xFFFFC000  }
0x82: {  	[tilespmem:s8], [sflag:$0x1] =	stream.indirect.gather [hbm4b:s5+s6], $0x80, s21, s6, $0xb8;
	[tilespmem:$0x8400] =	vst v63  }
0x83: {  	_ =	swait.ge [sflag:s9], $0x4000  }
0x84: {  	[sflag:s9] =	ssyncset.done $0x0  }
0x85: {  	[sflag:s9] =	ssyncadd.s32 $0xFFFFC000  }
0x86: {  	[hbm4b:s22+s2] =	stream.linear.scatter [tilespmem:s7], [sflag:$0x2], $0x4000, $0x38;
	[tilespmem:$0x8400] =	vst v63  }
0x87: {  	_ =	swait.ge [sflag:s3], $0x4000  }
0x88: {  	[sflag:s3] =	ssyncset.done $0x0  }
0x89: {  	[sflag:s3] =	ssyncadd.s32 $0xFFFFC000  }
0x8a: {  	_ =	swait.ge [sflag:s9], $0x4000  }
.Ltmp1:
0x8b: {  	[sflag:s9] =	ssyncset.done $0x0;
	(pc) =	sbr.rel @p0 .LBB2_1-.Ltmp1, $4  }
0x8c: {  	[sflag:s9] =	ssyncadd.s32 $0xFFFFC000  }
0x8d: {  	[hbm4b:s23+s2] =	stream.linear.scatter [tilespmem:s8], [sflag:$0x2], $0x4000, $0x38;
	[tilespmem:$0x8400] =	vst v63  }
0x8e: {  	_ =	swait.ge [sflag:s3], $0x4000  }
0x8f: {  	[sflag:s3] =	ssyncset.done $0x0  }
.LBB2_2:
0x90: {  	[sflag:s3] =	ssyncadd.s32 $0xFFFFC000  }
0x91: {  	_ =	sfence.sel $0x180000  }
0x92: {  	[bflag:$0x0] =	sbarrier.arrive $0xFFFF  }
0x93: {  	p0 =	sne.s32 s0, $0x0;
	_ =	strace $0x90000047  }
0x94: {  	s0 =	sadd.s32 @!p0 $0x100000, s1;
	[bflag:$0x2] =	sbarrier.arrive $0xFFFF  }
0x95: {  	[sflag:s0] =	ssyncadd.tile.s32 @!p0 $0x1;
	_ =	shalt  }
.Lfunc_end2:
_tile_overlayer_lowered:
.L_overlay_start_2:
0x96: {  	(tag) =	ssettag $0x2  }
0x97: {  	s0 =	rddreg [dreg:$0x0];
	s2 =	stileid.u32  }
0x98: {  	s1 =	rddreg [dreg:$0x1];
	p0 =	sne.s32 s2, $0x0  }
0x99: {  	s3 =	rddreg [dreg:$0x2];
	[bflag:$0x3] =	sbarrier.arrive $0xFFFF;
	s2 =	simm.s32 @!p0 $0x1C02  }
0x9a: {  	[timem:s3], [sflag:s2] =	dma.local @!p0 [hbm:s0], s1  }
0x9b: {  	s0 =	simm.s32 @!p0 $0x2  }
0x9c: {  	_ =	swait.ge @!p0 [sflag:s0], s1  }
0x9d: {  	s1 =	ssub.s32 @!p0 $0x0, s1;
	[sflag:s0] =	ssyncset.done @!p0 $0x0  }
0x9e: {  	[sflag:s0] =	ssyncadd.s32 @!p0 s1  }
0x9f: {  	[bflag:$0x3] =	sbarrier.arrive $0xFFFF  }
0xa0: {  	_ =	shalt  }

</sc_bundles>
